<compile_context>
chip_gen: v7x
topology: tpu7x:2x2x1
jax: 0.10.2.dev20260603
libtpu: 0.0.44.dev20260713+nightly
codegen_flags: <defaults>
</compile_context>

<pallas_src>
import functools

import jax
import jax.numpy as jnp
import numpy as np
from jax import lax
from jax.experimental import pallas as pl
from jax.experimental.pallas import tpu as pltpu
from jax.experimental.pallas import tpu_sc as plsc

_N = 10000
_E = 320000
_D = 128
_DP = 64
_NPAD = 10112
_EPAD = 331776
_EPW = _EPAD // 32
_CH = 128
_NCHT = _EPW // _CH
_NCHA = 40
_RPT = _NPAD // 16

_NC, _NS = 2, 16

_NDUM = _EPAD - _E - _N
_TAIL_SRC = np.concatenate([
    np.arange(_N, dtype=np.int32),
    (np.arange(_NDUM, dtype=np.int32) * 7) % _N,
])
_TAIL_DST = np.concatenate([
    np.arange(_N, dtype=np.int32),
    _N + np.arange(_NDUM, dtype=np.int32) % (_NPAD - _N),
])
_ZERO1 = np.zeros((_NPAD,), np.float32)
_ZERO2 = np.zeros((_NPAD, _D), np.float32)


def _mesh():
    return plsc.VectorSubcoreMesh(core_axis_name="c", subcore_axis_name="s")


def _deg_body(dst_hbm, zero_hbm, out_hbm, didx, ones_v, stg, dacc, sem):
    c = lax.axis_index("c")
    s = lax.axis_index("s")
    wid = c * _NS + s
    pltpu.sync_copy(zero_hbm.at[pl.ds(s * _RPT, _RPT)], stg)
    pltpu.sync_copy(stg, dacc.at[pl.ds(s * _RPT, _RPT)])
    pltpu.sync_copy(dst_hbm.at[wid], didx)
    for i in range(_CH // 16):
        ones_v[pl.ds(i * 16, 16)] = jnp.ones((16,), jnp.float32)
    plsc.subcore_barrier()

    def body(j, carry):
        pltpu.async_copy(ones_v, dacc.at[didx.at[j]], sem, add=True)
        return carry

    lax.fori_loop(0, _NCHT, body, 0)

    def drain(j, carry):
        pltpu.make_async_copy(ones_v, dacc.at[didx.at[j]], sem).wait()
        return carry

    lax.fori_loop(0, _NCHT, drain, 0)
    plsc.subcore_barrier()
    pltpu.sync_copy(dacc.at[pl.ds(s * _RPT, _RPT)], stg)
    pltpu.sync_copy(stg, out_hbm.at[pl.ds(c * _NPAD + s * _RPT, _RPT)])


@functools.partial(
    pl.kernel,
    mesh=_mesh(),
    out_type=jax.ShapeDtypeStruct((_NC * _NPAD,), jnp.float32),
    scratch_types=[
        pltpu.VMEM((_NCHT, _CH), jnp.int32),
        pltpu.VMEM((_CH,), jnp.float32),
        pltpu.VMEM((_RPT,), jnp.float32),
        pltpu.VMEM_SHARED((_NPAD,), jnp.float32),
        pltpu.SemaphoreType.DMA,
    ],
)
def _deg_sc(dst_hbm, zero_hbm, out_hbm, didx, ones_v, stg, dacc, sem):
    _deg_body(dst_hbm, zero_hbm, out_hbm, didx, ones_v, stg, dacc, sem)


def _agg_body(y_hbm, src_hbm, dst_hbm, zero_hbm, out_hbm,
              sidx, didx, r0, r1, acc,
              sg0, sg1, ss0, ss1):
    c = lax.axis_index("c")
    s = lax.axis_index("s")
    wid = c * _NS + s
    pltpu.sync_copy(zero_hbm.at[pl.ds(s * _RPT, _CH)], r0)
    nz = _RPT // _CH
    rem = _RPT - nz * _CH
    for k in range(nz):
        pltpu.async_copy(r0, acc.at[pl.ds(s * _RPT + k * _CH, _CH)], sg0)
    if rem:
        pltpu.async_copy(r0.at[pl.ds(0, rem)],
                         acc.at[pl.ds(s * _RPT + nz * _CH, rem)], sg0)
    pltpu.async_copy(src_hbm.at[wid, pl.ds(0, _NCHA)],
                     sidx.at[pl.ds(0, _NCHA)], sg1)
    pltpu.async_copy(dst_hbm.at[wid, pl.ds(0, _NCHA)],
                     didx.at[pl.ds(0, _NCHA)], sg1)
    for k in range(nz):
        pltpu.make_async_copy(r0, acc.at[pl.ds(s * _RPT + k * _CH, _CH)],
                              sg0).wait()
    if rem:
        pltpu.make_async_copy(r0.at[pl.ds(0, rem)],
                              acc.at[pl.ds(s * _RPT + nz * _CH, rem)],
                              sg0).wait()
    pltpu.make_async_copy(src_hbm.at[wid, pl.ds(0, _NCHA)],
                          sidx.at[pl.ds(0, _NCHA)], sg1).wait()
    pltpu.make_async_copy(dst_hbm.at[wid, pl.ds(0, _NCHA)],
                          didx.at[pl.ds(0, _NCHA)], sg1).wait()
    plsc.subcore_barrier()

    def run(n):
        def wait_g(buf, sem, r):
            pltpu.make_async_copy(y_hbm.at[sidx.at[r]], buf, sem).wait()

        def wait_s(buf, sem, r):
            pltpu.make_async_copy(buf, acc.at[didx.at[r]], sem).wait()

        pltpu.async_copy(y_hbm.at[sidx.at[0]], r0, sg0)

        def body(jj, carry):
            r = 2 * jj
            @pl.when(jj > 0)
            def _():
                wait_s(r1, ss1, r - 1)
            pltpu.async_copy(y_hbm.at[sidx.at[r + 1]], r1, sg1)
            wait_g(r0, sg0, r)
            pltpu.async_copy(r0, acc.at[didx.at[r]], ss0, add=True)
            wait_s(r0, ss0, r)
            @pl.when(r + 2 < n)
            def _():
                pltpu.async_copy(y_hbm.at[sidx.at[r + 2]], r0, sg0)
            wait_g(r1, sg1, r + 1)
            pltpu.async_copy(r1, acc.at[didx.at[r + 1]], ss1, add=True)
            return carry

        lax.fori_loop(0, n // 2, body, 0)
        if n % 2:
            wait_s(r1, ss1, n - 2)
            wait_g(r0, sg0, n - 1)
            pltpu.async_copy(r0, acc.at[didx.at[n - 1]], ss0, add=True)
            wait_s(r0, ss0, n - 1)
        else:
            wait_s(r1, ss1, n - 1)

    run(_NCHA)
    pltpu.sync_copy(src_hbm.at[wid, pl.ds(_NCHA, _NCHT - _NCHA)], sidx)
    pltpu.sync_copy(dst_hbm.at[wid, pl.ds(_NCHA, _NCHT - _NCHA)], didx)
    run(_NCHT - _NCHA)

    plsc.subcore_barrier()
    sizes = [_CH] * nz + ([rem] if rem else [])
    bufs, wsems = [r0, r1], [sg0, sg1]
    for k, sz in enumerate(sizes):
        b, ws = bufs[k % 2], wsems[k % 2]
        off = s * _RPT + k * _CH
        if k >= 2:
            prev = sizes[k - 2]
            pltpu.make_async_copy(
                bufs[k % 2].at[pl.ds(0, prev)],
                out_hbm.at[pl.ds(c * _NPAD + s * _RPT + (k - 2) * _CH, prev)],
                ws).wait()
        pltpu.sync_copy(acc.at[pl.ds(off, sz)], b.at[pl.ds(0, sz)])
        pltpu.async_copy(b.at[pl.ds(0, sz)],
                         out_hbm.at[pl.ds(c * _NPAD + off, sz)], ws)
    for k in range(max(0, len(sizes) - 2), len(sizes)):
        sz = sizes[k]
        pltpu.make_async_copy(
            bufs[k % 2].at[pl.ds(0, sz)],
            out_hbm.at[pl.ds(c * _NPAD + s * _RPT + k * _CH, sz)],
            wsems[k % 2]).wait()


@functools.partial(
    pl.kernel,
    mesh=_mesh(),
    out_type=jax.ShapeDtypeStruct((_NC * _NPAD, _D), jnp.float32),
    scratch_types=[
        pltpu.VMEM((_NCHT - _NCHA, _CH), jnp.int32),
        pltpu.VMEM((_NCHT - _NCHA, _CH), jnp.int32),
        pltpu.VMEM((_CH, _D), jnp.float32),
        pltpu.VMEM((_CH, _D), jnp.float32),
        pltpu.VMEM_SHARED((_NPAD, _D), jnp.float32),
        pltpu.SemaphoreType.DMA,
        pltpu.SemaphoreType.DMA,
        pltpu.SemaphoreType.DMA,
        pltpu.SemaphoreType.DMA,
    ],
)
def _agg_sc(y_hbm, src_hbm, dst_hbm, zero_hbm, out_hbm,
            sidx, didx, r0, r1, acc, sg0, sg1, ss0, ss1):
    _agg_body(y_hbm, src_hbm, dst_hbm, zero_hbm, out_hbm,
              sidx, didx, r0, r1, acc, sg0, sg1, ss0, ss1)


_BR = 5056


def _xw_body(x_ref, w_ref, xw_ref):
    xw_ref[...] = jnp.dot(x_ref[...], w_ref[...],
                          preferred_element_type=jnp.float32)


def _tc_xw(x, W1):
    return pl.pallas_call(
        _xw_body,
        grid=(_NPAD // _BR,),
        in_specs=[
            pl.BlockSpec((_BR, _D), lambda i: (i, 0)),
            pl.BlockSpec((_D, _D), lambda i: (0, 0)),
        ],
        out_specs=pl.BlockSpec((_BR, _D), lambda i: (i, 0)),
        out_shape=jax.ShapeDtypeStruct((_NPAD, _D), jnp.float32),
    )(x, W1)


def _scale_body(xw_ref, d0_ref, d1_ref, y_ref, dinv_ref):
    deg = d0_ref[0] + d1_ref[0]
    dinv_row = lax.rsqrt(jnp.maximum(deg, 1e-12))
    dinv = jnp.transpose(dinv_row)
    dinv_ref[...] = dinv
    y_ref[...] = xw_ref[...] * dinv


def _tc_scale(xw, degr):
    return pl.pallas_call(
        _scale_body,
        grid=(_NPAD // _BR,),
        in_specs=[
            pl.BlockSpec((_BR, _D), lambda i: (i, 0)),
            pl.BlockSpec((1, 1, _BR), lambda i: (i, 0, 0)),
            pl.BlockSpec((1, 1, _BR), lambda i: (i + _NPAD // _BR, 0, 0)),
        ],
        out_specs=[
            pl.BlockSpec((_BR, _D), lambda i: (i, 0)),
            pl.BlockSpec((_BR, 1), lambda i: (i, 0)),
        ],
        out_shape=[
            jax.ShapeDtypeStruct((_NPAD, _D), jnp.float32),
            jax.ShapeDtypeStruct((_NPAD, 1), jnp.float32),
        ],
    )(xw, degr, degr)


def _mid_body(a_ref, dinv_ref, b1_ref, w2_ref, y2_ref):
    dinv = dinv_ref[...]
    h1 = jnp.maximum((a_ref[0] + a_ref[1]) * dinv + b1_ref[...], 0.0)
    y2_ref[...] = jnp.dot(h1, w2_ref[...],
                          preferred_element_type=jnp.float32) * dinv


def _tc_mid(a, dinv, b1, W2):
    return pl.pallas_call(
        _mid_body,
        grid=(_NPAD // _BR,),
        in_specs=[
            pl.BlockSpec((2, _BR, _D), lambda i: (0, i, 0)),
            pl.BlockSpec((_BR, 1), lambda i: (i, 0)),
            pl.BlockSpec((1, _D), lambda i: (0, 0)),
            pl.BlockSpec((_D, _D), lambda i: (0, 0)),
        ],
        out_specs=pl.BlockSpec((_BR, _D), lambda i: (i, 0)),
        out_shape=jax.ShapeDtypeStruct((_NPAD, _D), jnp.float32),
    )(a, dinv, b1, W2)


def _fin_body(a_ref, dinv_ref, b2_ref, p1w_ref, p1b_ref,
              p2w_ref, p2b_ref, z_ref, h_ref):
    dinv = dinv_ref[...]
    z = (a_ref[0] + a_ref[1]) * dinv + b2_ref[...]
    z_ref[...] = z
    t = jnp.maximum(
        jnp.dot(z, p1w_ref[...], preferred_element_type=jnp.float32)
        + p1b_ref[...], 0.0)
    h_ref[...] = jnp.dot(t, p2w_ref[...],
                         preferred_element_type=jnp.float32) + p2b_ref[...]


def _tc_fin(a, dinv, b2, P1w, P1b, P2w, P2b):
    return pl.pallas_call(
        _fin_body,
        grid=(_NPAD // _BR,),
        in_specs=[
            pl.BlockSpec((2, _BR, _D), lambda i: (0, i, 0)),
            pl.BlockSpec((_BR, 1), lambda i: (i, 0)),
            pl.BlockSpec((1, _D), lambda i: (0, 0)),
            pl.BlockSpec((_D, _D), lambda i: (0, 0)),
            pl.BlockSpec((1, _D), lambda i: (0, 0)),
            pl.BlockSpec((_D, _DP), lambda i: (0, 0)),
            pl.BlockSpec((1, _DP), lambda i: (0, 0)),
        ],
        out_specs=[
            pl.BlockSpec((_BR, _D), lambda i: (i, 0)),
            pl.BlockSpec((_BR, _DP), lambda i: (i, 0)),
        ],
        out_shape=[
            jax.ShapeDtypeStruct((_N, _D), jnp.float32),
            jax.ShapeDtypeStruct((_N, _DP), jnp.float32),
        ],
    )(a, dinv, b2, P1w, P1b, P2w, P2b)


def kernel(x, edge_index, W1, b1, W2, b2, P1w, P1b, P2w, P2b):
    src = edge_index[0]
    dst = edge_index[1]
    dstp = jnp.concatenate([dst, _TAIL_DST]).reshape(32, _NCHT, _CH)

    degp = _deg_sc(dstp, _ZERO1)
    xw1 = _tc_xw(x, W1)
    y1, dinv = _tc_scale(xw1, degp.reshape(_NC * _NPAD // _BR, 1, _BR))

    src_g = lax.optimization_barrier((src, degp))[0]
    srcp = jnp.concatenate([src_g, _TAIL_SRC]).reshape(32, _NCHT, _CH)

    agg1 = _agg_sc(y1, srcp, dstp, _ZERO2).reshape(_NC, _NPAD, _D)
    y2 = _tc_mid(agg1, dinv, b1.reshape(1, _D), W2)

    agg2 = _agg_sc(y2, srcp, dstp, _ZERO2).reshape(_NC, _NPAD, _D)
    z, h = _tc_fin(agg2, dinv, b2.reshape(1, _D),
                   P1w, P1b.reshape(1, _D), P2w, P2b.reshape(1, _DP))
    return (z, h)

# --- scband reference (transcript-rebuilt; emitter-appended) ---
"""Pipeline reference for scband-temporal-contrastive-model-10264971837866 (READ-ONLY COPY).

The authoritative reference and input builder live on the scoring server;
editing this copy changes nothing except your own understanding.
"""

import jax, jax.numpy as jnp
import numpy as np

N = 10000
E = 320000
D_IN = 128
D_H = 128
D_EMB = 128
D_PROJ = 64


def setup_inputs(seed: int = 0) -> dict:
    key = jax.random.key(seed)
    ks = jax.random.split(key, 9)
    x = jax.random.normal(ks[0], (N, D_IN), dtype=jnp.float32)
    rng = np.random.default_rng(0)
    edge_index = jnp.asarray(rng.integers(0, N, size=(2, E)), dtype=jnp.int32)
    def lin(k, fi, fo):
        return jax.random.normal(k, (fi, fo), dtype=jnp.float32) * (1.0 / np.sqrt(fi))
    W1 = lin(ks[1], D_IN, D_H)
    b1 = jnp.zeros((D_H,), dtype=jnp.float32)
    W2 = lin(ks[2], D_H, D_EMB)
    b2 = jnp.zeros((D_EMB,), dtype=jnp.float32)
    P1w = lin(ks[3], D_EMB, D_EMB)
    P1b = jnp.zeros((D_EMB,), dtype=jnp.float32)
    P2w = lin(ks[4], D_EMB, D_PROJ)
    P2b = jnp.zeros((D_PROJ,), dtype=jnp.float32)
    return {"x": x, "edge_index": edge_index, "W1": W1, "b1": b1, "W2": W2, "b2": b2, "P1w": P1w, "P1b": P1b, "P2w": P2w, "P2b": P2b}


def _gcn_conv(x, edge_index, W, b):
    # PyG GCNConv: linear transform, add self-loops, symmetric normalization, scatter-add aggregate, bias.
    xw = x @ W
    src = edge_index[0]
    dst = edge_index[1]
    loop = jnp.arange(N, dtype=edge_index.dtype)
    src = jnp.concatenate([src, loop])
    dst = jnp.concatenate([dst, loop])
    deg = jnp.zeros((N,), dtype=jnp.float32).at[dst].add(1.0)
    deg_inv_sqrt = jax.lax.rsqrt(jnp.maximum(deg, 1e-12))
    norm = deg_inv_sqrt[src] * deg_inv_sqrt[dst]
    msg = xw[src] * norm[:, None]
    out = jnp.zeros((N, W.shape[1]), dtype=jnp.float32).at[dst].add(msg)
    return out + b


def reference(x, edge_index, W1, b1, W2, b2, P1w, P1b, P2w, P2b):
    h1 = jax.nn.relu(_gcn_conv(x, edge_index, W1, b1))
    z = _gcn_conv(h1, edge_index, W2, b2)
    h = jax.nn.relu(z @ P1w + P1b) @ P2w + P2b
    return (z, h)

if __name__ == "__main__":
    import jax
    _d = setup_inputs()
    print(jax.jit(kernel)(*tuple(_d.values())))

</pallas_src>

<mosaic_0001>
#map = affine_map<(d0, d1) -> (0, 0)>
#map1 = affine_map<(d0, d1) -> (0, 0, 0)>
module attributes {stable_mosaic.version = 14 : i64} {
  func.func @_agg_sc(%arg0: i32, %arg1: i32, %arg2: memref<10112x128xf32, #tpu.memory_space<hbm>>, %arg3: memref<32x81x128xi32, #tpu.memory_space<hbm>>, %arg4: memref<32x81x128xi32, #tpu.memory_space<hbm>>, %arg5: memref<10112x128xf32, #tpu.memory_space<hbm>>, %arg6: memref<20224x128xf32, #tpu.memory_space<hbm>>, %arg7: memref<41x128xi32, #tpu.memory_space<vmem>>, %arg8: memref<41x128xi32, #tpu.memory_space<vmem>>, %arg9: memref<128x128xf32, #tpu.memory_space<vmem>>, %arg10: memref<128x128xf32, #tpu.memory_space<vmem>>, %arg11: memref<10112x128xf32, #tpu.memory_space<vmem_shared>>, %arg12: memref<!tpu.dma_semaphore, #tpu.memory_space<semaphore_mem>>, %arg13: memref<!tpu.dma_semaphore, #tpu.memory_space<semaphore_mem>>, %arg14: memref<!tpu.dma_semaphore, #tpu.memory_space<semaphore_mem>>, %arg15: memref<!tpu.dma_semaphore, #tpu.memory_space<semaphore_mem>>) attributes {dimension_semantics = [#tpu.dimension_semantics<core_parallel>, #tpu.dimension_semantics<subcore_parallel>], iteration_bounds = array<i64: 2, 16>, scalar_prefetch = 0 : i64, scratch_operands = 9 : i64, tpu.core_type = #tpu.core_type<sc_vector_subcore>, window_params = [{transform_indices = #map}, {transform_indices = #map1}, {transform_indices = #map1}, {transform_indices = #map}, {transform_indices = #map}]} {
    %mul3A = arith.constant 16 : i32
    %mul3A_0 = arith.muli %arg0, %mul3A : i32
    %add3A = arith.addi %mul3A_0, %arg1 : i32
    %mul3A_1 = arith.constant 632 : i32
    %mul3A_2 = arith.muli %arg1, %mul3A_1 : i32
    "tpu.region"() ({
      %run_scoped3A = tpu.sem_alloc : memref<!tpu.dma_semaphore, #tpu.memory_space<semaphore_mem>>
      %dma_start3A_380 = arith.constant 0 : i32
      %dma_start3A_381 = tpu.memref_slice %arg5[%mul3A_2, %dma_start3A_380] : memref<10112x128xf32, #tpu.memory_space<hbm>> -> memref<128x128xf32, #tpu.memory_space<hbm>>
      %dma_start3A_382 = arith.constant 0 : i32
      %dma_start3A_383 = tpu.memref_slice %arg5[%mul3A_2, %dma_start3A_382] : memref<10112x128xf32, #tpu.memory_space<hbm>> -> memref<128x128xf32, #tpu.memory_space<hbm>>
      tpu.enqueue_dma source(%dma_start3A_383 : memref<128x128xf32, #tpu.memory_space<hbm>>) target(%arg9 : memref<128x128xf32, #tpu.memory_space<vmem>>) target_semaphore(%run_scoped3A : memref<!tpu.dma_semaphore, #tpu.memory_space<semaphore_mem>>)
      %dma_wait3A_384 = arith.constant 0 : i32
      %dma_wait3A_385 = tpu.memref_slice %arg5[%mul3A_2, %dma_wait3A_384] : memref<10112x128xf32, #tpu.memory_space<hbm>> -> memref<128x128xf32, #tpu.memory_space<hbm>>
      %dma_wait3A_386 = arith.constant 0 : i32
      %dma_wait3A_387 = tpu.memref_slice %arg5[%mul3A_2, %dma_wait3A_386] : memref<10112x128xf32, #tpu.memory_space<hbm>> -> memref<128x128xf32, #tpu.memory_space<hbm>>
      tpu.wait_dma2 semaphore(%run_scoped3A : memref<!tpu.dma_semaphore, #tpu.memory_space<semaphore_mem>>) src(%dma_wait3A_387 : memref<128x128xf32, #tpu.memory_space<hbm>>) dst(%arg9 : memref<128x128xf32, #tpu.memory_space<vmem>>)
      tpu.yield
    }) : () -> ()
    %mul3A_3 = arith.constant 632 : i32
    %mul3A_4 = arith.muli %arg1, %mul3A_3 : i32
    %add3A_5 = arith.constant 0 : i32
    %add3A_6 = arith.addi %mul3A_4, %add3A_5 : i32
    %dma_start3A = arith.constant 0 : i32
    %dma_start3A_7 = tpu.memref_slice %arg11[%add3A_6, %dma_start3A] : memref<10112x128xf32, #tpu.memory_space<vmem_shared>> -> memref<128x128xf32, #tpu.memory_space<vmem_shared>>
    %dma_start3A_8 = arith.constant 0 : i32
    %dma_start3A_9 = tpu.memref_slice %arg11[%add3A_6, %dma_start3A_8] : memref<10112x128xf32, #tpu.memory_space<vmem_shared>> -> memref<128x128xf32, #tpu.memory_space<vmem_shared>>
    tpu.enqueue_dma source(%arg9 : memref<128x128xf32, #tpu.memory_space<vmem>>) target(%dma_start3A_9 : memref<128x128xf32, #tpu.memory_space<vmem_shared>>) target_semaphore(%arg12 : memref<!tpu.dma_semaphore, #tpu.memory_space<semaphore_mem>>)
    %mul3A_10 = arith.constant 632 : i32
    %mul3A_11 = arith.muli %arg1, %mul3A_10 : i32
    %add3A_12 = arith.constant 128 : i32
    %add3A_13 = arith.addi %mul3A_11, %add3A_12 : i32
    %dma_start3A_14 = arith.constant 0 : i32
    %dma_start3A_15 = tpu.memref_slice %arg11[%add3A_13, %dma_start3A_14] : memref<10112x128xf32, #tpu.memory_space<vmem_shared>> -> memref<128x128xf32, #tpu.memory_space<vmem_shared>>
    %dma_start3A_16 = arith.constant 0 : i32
    %dma_start3A_17 = tpu.memref_slice %arg11[%add3A_13, %dma_start3A_16] : memref<10112x128xf32, #tpu.memory_space<vmem_shared>> -> memref<128x128xf32, #tpu.memory_space<vmem_shared>>
    tpu.enqueue_dma source(%arg9 : memref<128x128xf32, #tpu.memory_space<vmem>>) target(%dma_start3A_17 : memref<128x128xf32, #tpu.memory_space<vmem_shared>>) target_semaphore(%arg12 : memref<!tpu.dma_semaphore, #tpu.memory_space<semaphore_mem>>)
    %mul3A_18 = arith.constant 632 : i32
    %mul3A_19 = arith.muli %arg1, %mul3A_18 : i32
    %add3A_20 = arith.constant 256 : i32
    %add3A_21 = arith.addi %mul3A_19, %add3A_20 : i32
    %dma_start3A_22 = arith.constant 0 : i32
    %dma_start3A_23 = tpu.memref_slice %arg11[%add3A_21, %dma_start3A_22] : memref<10112x128xf32, #tpu.memory_space<vmem_shared>> -> memref<128x128xf32, #tpu.memory_space<vmem_shared>>
    %dma_start3A_24 = arith.constant 0 : i32
    %dma_start3A_25 = tpu.memref_slice %arg11[%add3A_21, %dma_start3A_24] : memref<10112x128xf32, #tpu.memory_space<vmem_shared>> -> memref<128x128xf32, #tpu.memory_space<vmem_shared>>
    tpu.enqueue_dma source(%arg9 : memref<128x128xf32, #tpu.memory_space<vmem>>) target(%dma_start3A_25 : memref<128x128xf32, #tpu.memory_space<vmem_shared>>) target_semaphore(%arg12 : memref<!tpu.dma_semaphore, #tpu.memory_space<semaphore_mem>>)
    %mul3A_26 = arith.constant 632 : i32
    %mul3A_27 = arith.muli %arg1, %mul3A_26 : i32
    %add3A_28 = arith.constant 384 : i32
    %add3A_29 = arith.addi %mul3A_27, %add3A_28 : i32
    %dma_start3A_30 = arith.constant 0 : i32
    %dma_start3A_31 = tpu.memref_slice %arg11[%add3A_29, %dma_start3A_30] : memref<10112x128xf32, #tpu.memory_space<vmem_shared>> -> memref<128x128xf32, #tpu.memory_space<vmem_shared>>
    %dma_start3A_32 = arith.constant 0 : i32
    %dma_start3A_33 = tpu.memref_slice %arg11[%add3A_29, %dma_start3A_32] : memref<10112x128xf32, #tpu.memory_space<vmem_shared>> -> memref<128x128xf32, #tpu.memory_space<vmem_shared>>
    tpu.enqueue_dma source(%arg9 : memref<128x128xf32, #tpu.memory_space<vmem>>) target(%dma_start3A_33 : memref<128x128xf32, #tpu.memory_space<vmem_shared>>) target_semaphore(%arg12 : memref<!tpu.dma_semaphore, #tpu.memory_space<semaphore_mem>>)
    %mul3A_34 = arith.constant 632 : i32
    %mul3A_35 = arith.muli %arg1, %mul3A_34 : i32
    %add3A_36 = arith.constant 512 : i32
    %add3A_37 = arith.addi %mul3A_35, %add3A_36 : i32
    %dma_start3A_38 = arith.constant 0 : i32
    %dma_start3A_39 = arith.constant 0 : i32
    %dma_start3A_40 = tpu.memref_slice %arg9[%dma_start3A_38, %dma_start3A_39] : memref<128x128xf32, #tpu.memory_space<vmem>> -> memref<120x128xf32, #tpu.memory_space<vmem>>
    %dma_start3A_41 = arith.constant 0 : i32
    %dma_start3A_42 = tpu.memref_slice %arg11[%add3A_37, %dma_start3A_41] : memref<10112x128xf32, #tpu.memory_space<vmem_shared>> -> memref<120x128xf32, #tpu.memory_space<vmem_shared>>
    %dma_start3A_43 = arith.constant 0 : i32
    %dma_start3A_44 = tpu.memref_slice %arg11[%add3A_37, %dma_start3A_43] : memref<10112x128xf32, #tpu.memory_space<vmem_shared>> -> memref<120x128xf32, #tpu.memory_space<vmem_shared>>
    %dma_start3A_45 = arith.constant 0 : i32
    %dma_start3A_46 = arith.constant 0 : i32
    %dma_start3A_47 = tpu.memref_slice %arg9[%dma_start3A_45, %dma_start3A_46] : memref<128x128xf32, #tpu.memory_space<vmem>> -> memref<120x128xf32, #tpu.memory_space<vmem>>
    tpu.enqueue_dma source(%dma_start3A_47 : memref<120x128xf32, #tpu.memory_space<vmem>>) target(%dma_start3A_44 : memref<120x128xf32, #tpu.memory_space<vmem_shared>>) target_semaphore(%arg12 : memref<!tpu.dma_semaphore, #tpu.memory_space<semaphore_mem>>)
    %dma_start3A_48 = arith.constant 0 : i32
    %dma_start3A_49 = arith.constant 0 : i32
    %dma_start3A_50 = tpu.memref_slice %arg7[%dma_start3A_48, %dma_start3A_49] : memref<41x128xi32, #tpu.memory_space<vmem>> -> memref<40x128xi32, #tpu.memory_space<vmem>>
    %dma_start3A_51 = arith.constant 0 : i32
    %dma_start3A_52 = arith.constant 0 : i32
    %dma_start3A_53 = tpu.memref_slice %arg3[%add3A, %dma_start3A_51, %dma_start3A_52] : memref<32x81x128xi32, #tpu.memory_space<hbm>> -> memref<1x40x128xi32, #tpu.memory_space<hbm>>
    %dma_start3A_54 = tpu.memref_squeeze %dma_start3A_53 : memref<1x40x128xi32, #tpu.memory_space<hbm>> -> memref<40x128xi32, #tpu.memory_space<hbm>>
    %dma_start3A_55 = arith.constant 0 : i32
    %dma_start3A_56 = arith.constant 0 : i32
    %dma_start3A_57 = tpu.memref_slice %arg7[%dma_start3A_55, %dma_start3A_56] : memref<41x128xi32, #tpu.memory_space<vmem>> -> memref<40x128xi32, #tpu.memory_space<vmem>>
    %dma_start3A_58 = arith.constant 0 : i32
    %dma_start3A_59 = arith.constant 0 : i32
    %dma_start3A_60 = tpu.memref_slice %arg3[%add3A, %dma_start3A_58, %dma_start3A_59] : memref<32x81x128xi32, #tpu.memory_space<hbm>> -> memref<1x40x128xi32, #tpu.memory_space<hbm>>
    %dma_start3A_61 = tpu.memref_squeeze %dma_start3A_60 : memref<1x40x128xi32, #tpu.memory_space<hbm>> -> memref<40x128xi32, #tpu.memory_space<hbm>>
    tpu.enqueue_dma source(%dma_start3A_61 : memref<40x128xi32, #tpu.memory_space<hbm>>) target(%dma_start3A_57 : memref<40x128xi32, #tpu.memory_space<vmem>>) target_semaphore(%arg13 : memref<!tpu.dma_semaphore, #tpu.memory_space<semaphore_mem>>)
    %dma_start3A_62 = arith.constant 0 : i32
    %dma_start3A_63 = arith.constant 0 : i32
    %dma_start3A_64 = tpu.memref_slice %arg8[%dma_start3A_62, %dma_start3A_63] : memref<41x128xi32, #tpu.memory_space<vmem>> -> memref<40x128xi32, #tpu.memory_space<vmem>>
    %dma_start3A_65 = arith.constant 0 : i32
    %dma_start3A_66 = arith.constant 0 : i32
    %dma_start3A_67 = tpu.memref_slice %arg4[%add3A, %dma_start3A_65, %dma_start3A_66] : memref<32x81x128xi32, #tpu.memory_space<hbm>> -> memref<1x40x128xi32, #tpu.memory_space<hbm>>
    %dma_start3A_68 = tpu.memref_squeeze %dma_start3A_67 : memref<1x40x128xi32, #tpu.memory_space<hbm>> -> memref<40x128xi32, #tpu.memory_space<hbm>>
    %dma_start3A_69 = arith.constant 0 : i32
    %dma_start3A_70 = arith.constant 0 : i32
    %dma_start3A_71 = tpu.memref_slice %arg8[%dma_start3A_69, %dma_start3A_70] : memref<41x128xi32, #tpu.memory_space<vmem>> -> memref<40x128xi32, #tpu.memory_space<vmem>>
    %dma_start3A_72 = arith.constant 0 : i32
    %dma_start3A_73 = arith.constant 0 : i32
    %dma_start3A_74 = tpu.memref_slice %arg4[%add3A, %dma_start3A_72, %dma_start3A_73] : memref<32x81x128xi32, #tpu.memory_space<hbm>> -> memref<1x40x128xi32, #tpu.memory_space<hbm>>
    %dma_start3A_75 = tpu.memref_squeeze %dma_start3A_74 : memref<1x40x128xi32, #tpu.memory_space<hbm>> -> memref<40x128xi32, #tpu.memory_space<hbm>>
    tpu.enqueue_dma source(%dma_start3A_75 : memref<40x128xi32, #tpu.memory_space<hbm>>) target(%dma_start3A_71 : memref<40x128xi32, #tpu.memory_space<vmem>>) target_semaphore(%arg13 : memref<!tpu.dma_semaphore, #tpu.memory_space<semaphore_mem>>)
    %mul3A_76 = arith.constant 632 : i32
    %mul3A_77 = arith.muli %arg1, %mul3A_76 : i32
    %add3A_78 = arith.constant 0 : i32
    %add3A_79 = arith.addi %mul3A_77, %add3A_78 : i32
    %dma_wait3A = arith.constant 0 : i32
    %dma_wait3A_80 = tpu.memref_slice %arg11[%add3A_79, %dma_wait3A] : memref<10112x128xf32, #tpu.memory_space<vmem_shared>> -> memref<128x128xf32, #tpu.memory_space<vmem_shared>>
    %dma_wait3A_81 = arith.constant 0 : i32
    %dma_wait3A_82 = tpu.memref_slice %arg11[%add3A_79, %dma_wait3A_81] : memref<10112x128xf32, #tpu.memory_space<vmem_shared>> -> memref<128x128xf32, #tpu.memory_space<vmem_shared>>
    tpu.wait_dma2 semaphore(%arg12 : memref<!tpu.dma_semaphore, #tpu.memory_space<semaphore_mem>>) src(%arg9 : memref<128x128xf32, #tpu.memory_space<vmem>>) dst(%dma_wait3A_82 : memref<128x128xf32, #tpu.memory_space<vmem_shared>>)
    %mul3A_83 = arith.constant 632 : i32
    %mul3A_84 = arith.muli %arg1, %mul3A_83 : i32
    %add3A_85 = arith.constant 128 : i32
    %add3A_86 = arith.addi %mul3A_84, %add3A_85 : i32
    %dma_wait3A_87 = arith.constant 0 : i32
    %dma_wait3A_88 = tpu.memref_slice %arg11[%add3A_86, %dma_wait3A_87] : memref<10112x128xf32, #tpu.memory_space<vmem_shared>> -> memref<128x128xf32, #tpu.memory_space<vmem_shared>>
    %dma_wait3A_89 = arith.constant 0 : i32
    %dma_wait3A_90 = tpu.memref_slice %arg11[%add3A_86, %dma_wait3A_89] : memref<10112x128xf32, #tpu.memory_space<vmem_shared>> -> memref<128x128xf32, #tpu.memory_space<vmem_shared>>
    tpu.wait_dma2 semaphore(%arg12 : memref<!tpu.dma_semaphore, #tpu.memory_space<semaphore_mem>>) src(%arg9 : memref<128x128xf32, #tpu.memory_space<vmem>>) dst(%dma_wait3A_90 : memref<128x128xf32, #tpu.memory_space<vmem_shared>>)
    %mul3A_91 = arith.constant 632 : i32
    %mul3A_92 = arith.muli %arg1, %mul3A_91 : i32
    %add3A_93 = arith.constant 256 : i32
    %add3A_94 = arith.addi %mul3A_92, %add3A_93 : i32
    %dma_wait3A_95 = arith.constant 0 : i32
    %dma_wait3A_96 = tpu.memref_slice %arg11[%add3A_94, %dma_wait3A_95] : memref<10112x128xf32, #tpu.memory_space<vmem_shared>> -> memref<128x128xf32, #tpu.memory_space<vmem_shared>>
    %dma_wait3A_97 = arith.constant 0 : i32
    %dma_wait3A_98 = tpu.memref_slice %arg11[%add3A_94, %dma_wait3A_97] : memref<10112x128xf32, #tpu.memory_space<vmem_shared>> -> memref<128x128xf32, #tpu.memory_space<vmem_shared>>
    tpu.wait_dma2 semaphore(%arg12 : memref<!tpu.dma_semaphore, #tpu.memory_space<semaphore_mem>>) src(%arg9 : memref<128x128xf32, #tpu.memory_space<vmem>>) dst(%dma_wait3A_98 : memref<128x128xf32, #tpu.memory_space<vmem_shared>>)
    %mul3A_99 = arith.constant 632 : i32
    %mul3A_100 = arith.muli %arg1, %mul3A_99 : i32
    %add3A_101 = arith.constant 384 : i32
    %add3A_102 = arith.addi %mul3A_100, %add3A_101 : i32
    %dma_wait3A_103 = arith.constant 0 : i32
    %dma_wait3A_104 = tpu.memref_slice %arg11[%add3A_102, %dma_wait3A_103] : memref<10112x128xf32, #tpu.memory_space<vmem_shared>> -> memref<128x128xf32, #tpu.memory_space<vmem_shared>>
    %dma_wait3A_105 = arith.constant 0 : i32
    %dma_wait3A_106 = tpu.memref_slice %arg11[%add3A_102, %dma_wait3A_105] : memref<10112x128xf32, #tpu.memory_space<vmem_shared>> -> memref<128x128xf32, #tpu.memory_space<vmem_shared>>
    tpu.wait_dma2 semaphore(%arg12 : memref<!tpu.dma_semaphore, #tpu.memory_space<semaphore_mem>>) src(%arg9 : memref<128x128xf32, #tpu.memory_space<vmem>>) dst(%dma_wait3A_106 : memref<128x128xf32, #tpu.memory_space<vmem_shared>>)
    %mul3A_107 = arith.constant 632 : i32
    %mul3A_108 = arith.muli %arg1, %mul3A_107 : i32
    %add3A_109 = arith.constant 512 : i32
    %add3A_110 = arith.addi %mul3A_108, %add3A_109 : i32
    %dma_wait3A_111 = arith.constant 0 : i32
    %dma_wait3A_112 = arith.constant 0 : i32
    %dma_wait3A_113 = tpu.memref_slice %arg9[%dma_wait3A_111, %dma_wait3A_112] : memref<128x128xf32, #tpu.memory_space<vmem>> -> memref<120x128xf32, #tpu.memory_space<vmem>>
    %dma_wait3A_114 = arith.constant 0 : i32
    %dma_wait3A_115 = tpu.memref_slice %arg11[%add3A_110, %dma_wait3A_114] : memref<10112x128xf32, #tpu.memory_space<vmem_shared>> -> memref<120x128xf32, #tpu.memory_space<vmem_shared>>
    %dma_wait3A_116 = arith.constant 0 : i32
    %dma_wait3A_117 = tpu.memref_slice %arg11[%add3A_110, %dma_wait3A_116] : memref<10112x128xf32, #tpu.memory_space<vmem_shared>> -> memref<120x128xf32, #tpu.memory_space<vmem_shared>>
    %dma_wait3A_118 = arith.constant 0 : i32
    %dma_wait3A_119 = arith.constant 0 : i32
    %dma_wait3A_120 = tpu.memref_slice %arg9[%dma_wait3A_118, %dma_wait3A_119] : memref<128x128xf32, #tpu.memory_space<vmem>> -> memref<120x128xf32, #tpu.memory_space<vmem>>
    tpu.wait_dma2 semaphore(%arg12 : memref<!tpu.dma_semaphore, #tpu.memory_space<semaphore_mem>>) src(%dma_wait3A_120 : memref<120x128xf32, #tpu.memory_space<vmem>>) dst(%dma_wait3A_117 : memref<120x128xf32, #tpu.memory_space<vmem_shared>>)
    %dma_wait3A_121 = arith.constant 0 : i32
    %dma_wait3A_122 = arith.constant 0 : i32
    %dma_wait3A_123 = tpu.memref_slice %arg7[%dma_wait3A_121, %dma_wait3A_122] : memref<41x128xi32, #tpu.memory_space<vmem>> -> memref<40x128xi32, #tpu.memory_space<vmem>>
    %dma_wait3A_124 = arith.constant 0 : i32
    %dma_wait3A_125 = arith.constant 0 : i32
    %dma_wait3A_126 = tpu.memref_slice %arg3[%add3A, %dma_wait3A_124, %dma_wait3A_125] : memref<32x81x128xi32, #tpu.memory_space<hbm>> -> memref<1x40x128xi32, #tpu.memory_space<hbm>>
    %dma_wait3A_127 = tpu.memref_squeeze %dma_wait3A_126 : memref<1x40x128xi32, #tpu.memory_space<hbm>> -> memref<40x128xi32, #tpu.memory_space<hbm>>
    %dma_wait3A_128 = arith.constant 0 : i32
    %dma_wait3A_129 = arith.constant 0 : i32
    %dma_wait3A_130 = tpu.memref_slice %arg7[%dma_wait3A_128, %dma_wait3A_129] : memref<41x128xi32, #tpu.memory_space<vmem>> -> memref<40x128xi32, #tpu.memory_space<vmem>>
    %dma_wait3A_131 = arith.constant 0 : i32
    %dma_wait3A_132 = arith.constant 0 : i32
    %dma_wait3A_133 = tpu.memref_slice %arg3[%add3A, %dma_wait3A_131, %dma_wait3A_132] : memref<32x81x128xi32, #tpu.memory_space<hbm>> -> memref<1x40x128xi32, #tpu.memory_space<hbm>>
    %dma_wait3A_134 = tpu.memref_squeeze %dma_wait3A_133 : memref<1x40x128xi32, #tpu.memory_space<hbm>> -> memref<40x128xi32, #tpu.memory_space<hbm>>
    tpu.wait_dma2 semaphore(%arg13 : memref<!tpu.dma_semaphore, #tpu.memory_space<semaphore_mem>>) src(%dma_wait3A_134 : memref<40x128xi32, #tpu.memory_space<hbm>>) dst(%dma_wait3A_130 : memref<40x128xi32, #tpu.memory_space<vmem>>)
    %dma_wait3A_135 = arith.constant 0 : i32
    %dma_wait3A_136 = arith.constant 0 : i32
    %dma_wait3A_137 = tpu.memref_slice %arg8[%dma_wait3A_135, %dma_wait3A_136] : memref<41x128xi32, #tpu.memory_space<vmem>> -> memref<40x128xi32, #tpu.memory_space<vmem>>
    %dma_wait3A_138 = arith.constant 0 : i32
    %dma_wait3A_139 = arith.constant 0 : i32
    %dma_wait3A_140 = tpu.memref_slice %arg4[%add3A, %dma_wait3A_138, %dma_wait3A_139] : memref<32x81x128xi32, #tpu.memory_space<hbm>> -> memref<1x40x128xi32, #tpu.memory_space<hbm>>
    %dma_wait3A_141 = tpu.memref_squeeze %dma_wait3A_140 : memref<1x40x128xi32, #tpu.memory_space<hbm>> -> memref<40x128xi32, #tpu.memory_space<hbm>>
    %dma_wait3A_142 = arith.constant 0 : i32
    %dma_wait3A_143 = arith.constant 0 : i32
    %dma_wait3A_144 = tpu.memref_slice %arg8[%dma_wait3A_142, %dma_wait3A_143] : memref<41x128xi32, #tpu.memory_space<vmem>> -> memref<40x128xi32, #tpu.memory_space<vmem>>
    %dma_wait3A_145 = arith.constant 0 : i32
    %dma_wait3A_146 = arith.constant 0 : i32
    %dma_wait3A_147 = tpu.memref_slice %arg4[%add3A, %dma_wait3A_145, %dma_wait3A_146] : memref<32x81x128xi32, #tpu.memory_space<hbm>> -> memref<1x40x128xi32, #tpu.memory_space<hbm>>
    %dma_wait3A_148 = tpu.memref_squeeze %dma_wait3A_147 : memref<1x40x128xi32, #tpu.memory_space<hbm>> -> memref<40x128xi32, #tpu.memory_space<hbm>>
    tpu.wait_dma2 semaphore(%arg13 : memref<!tpu.dma_semaphore, #tpu.memory_space<semaphore_mem>>) src(%dma_wait3A_148 : memref<40x128xi32, #tpu.memory_space<hbm>>) dst(%dma_wait3A_144 : memref<40x128xi32, #tpu.memory_space<vmem>>)
    %barrier3A = arith.constant 0 : index
    tpu.barrier barrier_id(%barrier3A)
    %dma_start3A_149 = arith.constant 0 : i32
    %dma_start3A_150 = arith.constant 0 : i32
    %dma_start3A_151 = tpu.memref_slice %arg7[%dma_start3A_149, %dma_start3A_150] : memref<41x128xi32, #tpu.memory_space<vmem>> -> memref<1x128xi32, #tpu.memory_space<vmem>>
    %dma_start3A_152 = tpu.memref_squeeze %dma_start3A_151 : memref<1x128xi32, #tpu.memory_space<vmem>> -> memref<128xi32, #tpu.memory_space<vmem>>
    %dma_start3A_153 = arith.constant 0 : i32
    %dma_start3A_154 = arith.constant 0 : i32
    %dma_start3A_155 = tpu.memref_slice %arg2[%dma_start3A_153, %dma_start3A_154] : memref<10112x128xf32, #tpu.memory_space<hbm>> -> memref<10112x128xf32, #tpu.memory_space<hbm>>
    tpu.enqueue_indirect_dma source(%dma_start3A_155 : memref<10112x128xf32, #tpu.memory_space<hbm>>) target(%arg9 : memref<128x128xf32, #tpu.memory_space<vmem>>) offsets(%dma_start3A_152 : memref<128xi32, #tpu.memory_space<vmem>>) semaphore(%arg12 : memref<!tpu.dma_semaphore, #tpu.memory_space<semaphore_mem>>)
    %scan3A = arith.constant 0 : i32
    %scan3A_156 = arith.constant 0 : i32
    %scan3A_157 = arith.constant 20 : i32
    %scan3A_158 = arith.addi %scan3A_156, %scan3A_157 : i32
    %scan3A_159 = arith.constant 1 : i32
    scf.for %scan3A_380 = %scan3A_156 to %scan3A_158 step %scan3A_159  : i32 {
      %mul3A_381 = arith.constant 2 : i32
      %mul3A_382 = arith.muli %mul3A_381, %scan3A_380 : i32
      %gt3A = arith.constant 0 : i32
      %gt3A_383 = arith.cmpi sgt, %scan3A_380, %gt3A : i32
      %convert_element_type3A = arith.extui %gt3A_383 : i1 to i32
      %cond3A = arith.constant 0 : i32
      %cond3A_384 = arith.cmpi ne, %convert_element_type3A, %cond3A : i32
      scf.if %cond3A_384 {
        %sub3A = arith.constant 1 : i32
        %sub3A_433 = arith.subi %mul3A_382, %sub3A : i32
        %dma_wait3A_434 = arith.constant 0 : i32
        %dma_wait3A_435 = tpu.memref_slice %arg8[%sub3A_433, %dma_wait3A_434] : memref<41x128xi32, #tpu.memory_space<vmem>> -> memref<1x128xi32, #tpu.memory_space<vmem>>
        %dma_wait3A_436 = tpu.memref_squeeze %dma_wait3A_435 : memref<1x128xi32, #tpu.memory_space<vmem>> -> memref<128xi32, #tpu.memory_space<vmem>>
        %dma_wait3A_437 = arith.constant 0 : i32
        %dma_wait3A_438 = arith.constant 0 : i32
        %dma_wait3A_439 = tpu.memref_slice %arg11[%dma_wait3A_437, %dma_wait3A_438] : memref<10112x128xf32, #tpu.memory_space<vmem_shared>> -> memref<10112x128xf32, #tpu.memory_space<vmem_shared>>
        tpu.wait_indirect_dma semaphore(%arg15 : memref<!tpu.dma_semaphore, #tpu.memory_space<semaphore_mem>>) src(%arg10 : memref<128x128xf32, #tpu.memory_space<vmem>>) dst(%dma_wait3A_439 : memref<10112x128xf32, #tpu.memory_space<vmem_shared>>)
      } else {
      }
      %add3A_385 = arith.constant 1 : i32
      %add3A_386 = arith.addi %mul3A_382, %add3A_385 : i32
      %dma_start3A_387 = arith.constant 0 : i32
      %dma_start3A_388 = tpu.memref_slice %arg7[%add3A_386, %dma_start3A_387] : memref<41x128xi32, #tpu.memory_space<vmem>> -> memref<1x128xi32, #tpu.memory_space<vmem>>
      %dma_start3A_389 = tpu.memref_squeeze %dma_start3A_388 : memref<1x128xi32, #tpu.memory_space<vmem>> -> memref<128xi32, #tpu.memory_space<vmem>>
      %dma_start3A_390 = arith.constant 0 : i32
      %dma_start3A_391 = arith.constant 0 : i32
      %dma_start3A_392 = tpu.memref_slice %arg2[%dma_start3A_390, %dma_start3A_391] : memref<10112x128xf32, #tpu.memory_space<hbm>> -> memref<10112x128xf32, #tpu.memory_space<hbm>>
      tpu.enqueue_indirect_dma source(%dma_start3A_392 : memref<10112x128xf32, #tpu.memory_space<hbm>>) target(%arg10 : memref<128x128xf32, #tpu.memory_space<vmem>>) offsets(%dma_start3A_389 : memref<128xi32, #tpu.memory_space<vmem>>) semaphore(%arg13 : memref<!tpu.dma_semaphore, #tpu.memory_space<semaphore_mem>>)
      %dma_wait3A_393 = arith.constant 0 : i32
      %dma_wait3A_394 = tpu.memref_slice %arg7[%mul3A_382, %dma_wait3A_393] : memref<41x128xi32, #tpu.memory_space<vmem>> -> memref<1x128xi32, #tpu.memory_space<vmem>>
      %dma_wait3A_395 = tpu.memref_squeeze %dma_wait3A_394 : memref<1x128xi32, #tpu.memory_space<vmem>> -> memref<128xi32, #tpu.memory_space<vmem>>
      %dma_wait3A_396 = arith.constant 0 : i32
      %dma_wait3A_397 = arith.constant 0 : i32
      %dma_wait3A_398 = tpu.memref_slice %arg2[%dma_wait3A_396, %dma_wait3A_397] : memref<10112x128xf32, #tpu.memory_space<hbm>> -> memref<10112x128xf32, #tpu.memory_space<hbm>>
      tpu.wait_indirect_dma semaphore(%arg12 : memref<!tpu.dma_semaphore, #tpu.memory_space<semaphore_mem>>) src(%dma_wait3A_398 : memref<10112x128xf32, #tpu.memory_space<hbm>>) dst(%arg9 : memref<128x128xf32, #tpu.memory_space<vmem>>)
      %dma_start3A_399 = arith.constant 0 : i32
      %dma_start3A_400 = tpu.memref_slice %arg8[%mul3A_382, %dma_start3A_399] : memref<41x128xi32, #tpu.memory_space<vmem>> -> memref<1x128xi32, #tpu.memory_space<vmem>>
      %dma_start3A_401 = tpu.memref_squeeze %dma_start3A_400 : memref<1x128xi32, #tpu.memory_space<vmem>> -> memref<128xi32, #tpu.memory_space<vmem>>
      %dma_start3A_402 = arith.constant 0 : i32
      %dma_start3A_403 = arith.constant 0 : i32
      %dma_start3A_404 = tpu.memref_slice %arg11[%dma_start3A_402, %dma_start3A_403] : memref<10112x128xf32, #tpu.memory_space<vmem_shared>> -> memref<10112x128xf32, #tpu.memory_space<vmem_shared>>
      tpu.enqueue_indirect_dma source(%arg9 : memref<128x128xf32, #tpu.memory_space<vmem>>) target(%dma_start3A_404 : memref<10112x128xf32, #tpu.memory_space<vmem_shared>>) offsets(%dma_start3A_401 : memref<128xi32, #tpu.memory_space<vmem>>) semaphore(%arg14 : memref<!tpu.dma_semaphore, #tpu.memory_space<semaphore_mem>>) {add = true}
      %dma_wait3A_405 = arith.constant 0 : i32
      %dma_wait3A_406 = tpu.memref_slice %arg8[%mul3A_382, %dma_wait3A_405] : memref<41x128xi32, #tpu.memory_space<vmem>> -> memref<1x128xi32, #tpu.memory_space<vmem>>
      %dma_wait3A_407 = tpu.memref_squeeze %dma_wait3A_406 : memref<1x128xi32, #tpu.memory_space<vmem>> -> memref<128xi32, #tpu.memory_space<vmem>>
      %dma_wait3A_408 = arith.constant 0 : i32
      %dma_wait3A_409 = arith.constant 0 : i32
      %dma_wait3A_410 = tpu.memref_slice %arg11[%dma_wait3A_408, %dma_wait3A_409] : memref<10112x128xf32, #tpu.memory_space<vmem_shared>> -> memref<10112x128xf32, #tpu.memory_space<vmem_shared>>
      tpu.wait_indirect_dma semaphore(%arg14 : memref<!tpu.dma_semaphore, #tpu.memory_space<semaphore_mem>>) src(%arg9 : memref<128x128xf32, #tpu.memory_space<vmem>>) dst(%dma_wait3A_410 : memref<10112x128xf32, #tpu.memory_space<vmem_shared>>)
      %add3A_411 = arith.constant 2 : i32
      %add3A_412 = arith.addi %mul3A_382, %add3A_411 : i32
      %lt3A = arith.constant 40 : i32
      %lt3A_413 = arith.cmpi slt, %add3A_412, %lt3A : i32
      %convert_element_type3A_414 = arith.extui %lt3A_413 : i1 to i32
      %cond3A_415 = arith.constant 0 : i32
      %cond3A_416 = arith.cmpi ne, %convert_element_type3A_414, %cond3A_415 : i32
      scf.if %cond3A_416 {
        %add3A_433 = arith.constant 2 : i32
        %add3A_434 = arith.addi %mul3A_382, %add3A_433 : i32
        %dma_start3A_435 = arith.constant 0 : i32
        %dma_start3A_436 = tpu.memref_slice %arg7[%add3A_434, %dma_start3A_435] : memref<41x128xi32, #tpu.memory_space<vmem>> -> memref<1x128xi32, #tpu.memory_space<vmem>>
        %dma_start3A_437 = tpu.memref_squeeze %dma_start3A_436 : memref<1x128xi32, #tpu.memory_space<vmem>> -> memref<128xi32, #tpu.memory_space<vmem>>
        %dma_start3A_438 = arith.constant 0 : i32
        %dma_start3A_439 = arith.constant 0 : i32
        %dma_start3A_440 = tpu.memref_slice %arg2[%dma_start3A_438, %dma_start3A_439] : memref<10112x128xf32, #tpu.memory_space<hbm>> -> memref<10112x128xf32, #tpu.memory_space<hbm>>
        tpu.enqueue_indirect_dma source(%dma_start3A_440 : memref<10112x128xf32, #tpu.memory_space<hbm>>) target(%arg9 : memref<128x128xf32, #tpu.memory_space<vmem>>) offsets(%dma_start3A_437 : memref<128xi32, #tpu.memory_space<vmem>>) semaphore(%arg12 : memref<!tpu.dma_semaphore, #tpu.memory_space<semaphore_mem>>)
      } else {
      }
      %add3A_417 = arith.constant 1 : i32
      %add3A_418 = arith.addi %mul3A_382, %add3A_417 : i32
      %dma_wait3A_419 = arith.constant 0 : i32
      %dma_wait3A_420 = tpu.memref_slice %arg7[%add3A_418, %dma_wait3A_419] : memref<41x128xi32, #tpu.memory_space<vmem>> -> memref<1x128xi32, #tpu.memory_space<vmem>>
      %dma_wait3A_421 = tpu.memref_squeeze %dma_wait3A_420 : memref<1x128xi32, #tpu.memory_space<vmem>> -> memref<128xi32, #tpu.memory_space<vmem>>
      %dma_wait3A_422 = arith.constant 0 : i32
      %dma_wait3A_423 = arith.constant 0 : i32
      %dma_wait3A_424 = tpu.memref_slice %arg2[%dma_wait3A_422, %dma_wait3A_423] : memref<10112x128xf32, #tpu.memory_space<hbm>> -> memref<10112x128xf32, #tpu.memory_space<hbm>>
      tpu.wait_indirect_dma semaphore(%arg13 : memref<!tpu.dma_semaphore, #tpu.memory_space<semaphore_mem>>) src(%dma_wait3A_424 : memref<10112x128xf32, #tpu.memory_space<hbm>>) dst(%arg10 : memref<128x128xf32, #tpu.memory_space<vmem>>)
      %add3A_425 = arith.constant 1 : i32
      %add3A_426 = arith.addi %mul3A_382, %add3A_425 : i32
      %dma_start3A_427 = arith.constant 0 : i32
      %dma_start3A_428 = tpu.memref_slice %arg8[%add3A_426, %dma_start3A_427] : memref<41x128xi32, #tpu.memory_space<vmem>> -> memref<1x128xi32, #tpu.memory_space<vmem>>
      %dma_start3A_429 = tpu.memref_squeeze %dma_start3A_428 : memref<1x128xi32, #tpu.memory_space<vmem>> -> memref<128xi32, #tpu.memory_space<vmem>>
      %dma_start3A_430 = arith.constant 0 : i32
      %dma_start3A_431 = arith.constant 0 : i32
      %dma_start3A_432 = tpu.memref_slice %arg11[%dma_start3A_430, %dma_start3A_431] : memref<10112x128xf32, #tpu.memory_space<vmem_shared>> -> memref<10112x128xf32, #tpu.memory_space<vmem_shared>>
      tpu.enqueue_indirect_dma source(%arg10 : memref<128x128xf32, #tpu.memory_space<vmem>>) target(%dma_start3A_432 : memref<10112x128xf32, #tpu.memory_space<vmem_shared>>) offsets(%dma_start3A_429 : memref<128xi32, #tpu.memory_space<vmem>>) semaphore(%arg15 : memref<!tpu.dma_semaphore, #tpu.memory_space<semaphore_mem>>) {add = true}
    }
    %scan3A_160 = arith.constant 20 : i32
    %dma_wait3A_161 = arith.constant 39 : i32
    %dma_wait3A_162 = arith.constant 0 : i32
    %dma_wait3A_163 = tpu.memref_slice %arg8[%dma_wait3A_161, %dma_wait3A_162] : memref<41x128xi32, #tpu.memory_space<vmem>> -> memref<1x128xi32, #tpu.memory_space<vmem>>
    %dma_wait3A_164 = tpu.memref_squeeze %dma_wait3A_163 : memref<1x128xi32, #tpu.memory_space<vmem>> -> memref<128xi32, #tpu.memory_space<vmem>>
    %dma_wait3A_165 = arith.constant 0 : i32
    %dma_wait3A_166 = arith.constant 0 : i32
    %dma_wait3A_167 = tpu.memref_slice %arg11[%dma_wait3A_165, %dma_wait3A_166] : memref<10112x128xf32, #tpu.memory_space<vmem_shared>> -> memref<10112x128xf32, #tpu.memory_space<vmem_shared>>
    tpu.wait_indirect_dma semaphore(%arg15 : memref<!tpu.dma_semaphore, #tpu.memory_space<semaphore_mem>>) src(%arg10 : memref<128x128xf32, #tpu.memory_space<vmem>>) dst(%dma_wait3A_167 : memref<10112x128xf32, #tpu.memory_space<vmem_shared>>)
    "tpu.region"() ({
      %run_scoped3A = tpu.sem_alloc : memref<!tpu.dma_semaphore, #tpu.memory_space<semaphore_mem>>
      %dma_start3A_380 = arith.constant 40 : i32
      %dma_start3A_381 = arith.constant 0 : i32
      %dma_start3A_382 = tpu.memref_slice %arg3[%add3A, %dma_start3A_380, %dma_start3A_381] : memref<32x81x128xi32, #tpu.memory_space<hbm>> -> memref<1x41x128xi32, #tpu.memory_space<hbm>>
      %dma_start3A_383 = tpu.memref_squeeze %dma_start3A_382 : memref<1x41x128xi32, #tpu.memory_space<hbm>> -> memref<41x128xi32, #tpu.memory_space<hbm>>
      %dma_start3A_384 = arith.constant 40 : i32
      %dma_start3A_385 = arith.constant 0 : i32
      %dma_start3A_386 = tpu.memref_slice %arg3[%add3A, %dma_start3A_384, %dma_start3A_385] : memref<32x81x128xi32, #tpu.memory_space<hbm>> -> memref<1x41x128xi32, #tpu.memory_space<hbm>>
      %dma_start3A_387 = tpu.memref_squeeze %dma_start3A_386 : memref<1x41x128xi32, #tpu.memory_space<hbm>> -> memref<41x128xi32, #tpu.memory_space<hbm>>
      tpu.enqueue_dma source(%dma_start3A_387 : memref<41x128xi32, #tpu.memory_space<hbm>>) target(%arg7 : memref<41x128xi32, #tpu.memory_space<vmem>>) target_semaphore(%run_scoped3A : memref<!tpu.dma_semaphore, #tpu.memory_space<semaphore_mem>>)
      %dma_wait3A_388 = arith.constant 40 : i32
      %dma_wait3A_389 = arith.constant 0 : i32
      %dma_wait3A_390 = tpu.memref_slice %arg3[%add3A, %dma_wait3A_388, %dma_wait3A_389] : memref<32x81x128xi32, #tpu.memory_space<hbm>> -> memref<1x41x128xi32, #tpu.memory_space<hbm>>
      %dma_wait3A_391 = tpu.memref_squeeze %dma_wait3A_390 : memref<1x41x128xi32, #tpu.memory_space<hbm>> -> memref<41x128xi32, #tpu.memory_space<hbm>>
      %dma_wait3A_392 = arith.constant 40 : i32
      %dma_wait3A_393 = arith.constant 0 : i32
      %dma_wait3A_394 = tpu.memref_slice %arg3[%add3A, %dma_wait3A_392, %dma_wait3A_393] : memref<32x81x128xi32, #tpu.memory_space<hbm>> -> memref<1x41x128xi32, #tpu.memory_space<hbm>>
      %dma_wait3A_395 = tpu.memref_squeeze %dma_wait3A_394 : memref<1x41x128xi32, #tpu.memory_space<hbm>> -> memref<41x128xi32, #tpu.memory_space<hbm>>
      tpu.wait_dma2 semaphore(%run_scoped3A : memref<!tpu.dma_semaphore, #tpu.memory_space<semaphore_mem>>) src(%dma_wait3A_395 : memref<41x128xi32, #tpu.memory_space<hbm>>) dst(%arg7 : memref<41x128xi32, #tpu.memory_space<vmem>>)
      tpu.yield
    }) : () -> ()
    "tpu.region"() ({
      %run_scoped3A = tpu.sem_alloc : memref<!tpu.dma_semaphore, #tpu.memory_space<semaphore_mem>>
      %dma_start3A_380 = arith.constant 40 : i32
      %dma_start3A_381 = arith.constant 0 : i32
      %dma_start3A_382 = tpu.memref_slice %arg4[%add3A, %dma_start3A_380, %dma_start3A_381] : memref<32x81x128xi32, #tpu.memory_space<hbm>> -> memref<1x41x128xi32, #tpu.memory_space<hbm>>
      %dma_start3A_383 = tpu.memref_squeeze %dma_start3A_382 : memref<1x41x128xi32, #tpu.memory_space<hbm>> -> memref<41x128xi32, #tpu.memory_space<hbm>>
      %dma_start3A_384 = arith.constant 40 : i32
      %dma_start3A_385 = arith.constant 0 : i32
      %dma_start3A_386 = tpu.memref_slice %arg4[%add3A, %dma_start3A_384, %dma_start3A_385] : memref<32x81x128xi32, #tpu.memory_space<hbm>> -> memref<1x41x128xi32, #tpu.memory_space<hbm>>
      %dma_start3A_387 = tpu.memref_squeeze %dma_start3A_386 : memref<1x41x128xi32, #tpu.memory_space<hbm>> -> memref<41x128xi32, #tpu.memory_space<hbm>>
      tpu.enqueue_dma source(%dma_start3A_387 : memref<41x128xi32, #tpu.memory_space<hbm>>) target(%arg8 : memref<41x128xi32, #tpu.memory_space<vmem>>) target_semaphore(%run_scoped3A : memref<!tpu.dma_semaphore, #tpu.memory_space<semaphore_mem>>)
      %dma_wait3A_388 = arith.constant 40 : i32
      %dma_wait3A_389 = arith.constant 0 : i32
      %dma_wait3A_390 = tpu.memref_slice %arg4[%add3A, %dma_wait3A_388, %dma_wait3A_389] : memref<32x81x128xi32, #tpu.memory_space<hbm>> -> memref<1x41x128xi32, #tpu.memory_space<hbm>>
      %dma_wait3A_391 = tpu.memref_squeeze %dma_wait3A_390 : memref<1x41x128xi32, #tpu.memory_space<hbm>> -> memref<41x128xi32, #tpu.memory_space<hbm>>
      %dma_wait3A_392 = arith.constant 40 : i32
      %dma_wait3A_393 = arith.constant 0 : i32
      %dma_wait3A_394 = tpu.memref_slice %arg4[%add3A, %dma_wait3A_392, %dma_wait3A_393] : memref<32x81x128xi32, #tpu.memory_space<hbm>> -> memref<1x41x128xi32, #tpu.memory_space<hbm>>
      %dma_wait3A_395 = tpu.memref_squeeze %dma_wait3A_394 : memref<1x41x128xi32, #tpu.memory_space<hbm>> -> memref<41x128xi32, #tpu.memory_space<hbm>>
      tpu.wait_dma2 semaphore(%run_scoped3A : memref<!tpu.dma_semaphore, #tpu.memory_space<semaphore_mem>>) src(%dma_wait3A_395 : memref<41x128xi32, #tpu.memory_space<hbm>>) dst(%arg8 : memref<41x128xi32, #tpu.memory_space<vmem>>)
      tpu.yield
    }) : () -> ()
    %dma_start3A_168 = arith.constant 0 : i32
    %dma_start3A_169 = arith.constant 0 : i32
    %dma_start3A_170 = tpu.memref_slice %arg7[%dma_start3A_168, %dma_start3A_169] : memref<41x128xi32, #tpu.memory_space<vmem>> -> memref<1x128xi32, #tpu.memory_space<vmem>>
    %dma_start3A_171 = tpu.memref_squeeze %dma_start3A_170 : memref<1x128xi32, #tpu.memory_space<vmem>> -> memref<128xi32, #tpu.memory_space<vmem>>
    %dma_start3A_172 = arith.constant 0 : i32
    %dma_start3A_173 = arith.constant 0 : i32
    %dma_start3A_174 = tpu.memref_slice %arg2[%dma_start3A_172, %dma_start3A_173] : memref<10112x128xf32, #tpu.memory_space<hbm>> -> memref<10112x128xf32, #tpu.memory_space<hbm>>
    tpu.enqueue_indirect_dma source(%dma_start3A_174 : memref<10112x128xf32, #tpu.memory_space<hbm>>) target(%arg9 : memref<128x128xf32, #tpu.memory_space<vmem>>) offsets(%dma_start3A_171 : memref<128xi32, #tpu.memory_space<vmem>>) semaphore(%arg12 : memref<!tpu.dma_semaphore, #tpu.memory_space<semaphore_mem>>)
    %scan3A_175 = arith.constant 0 : i32
    %scan3A_176 = arith.constant 0 : i32
    %scan3A_177 = arith.constant 20 : i32
    %scan3A_178 = arith.addi %scan3A_176, %scan3A_177 : i32
    %scan3A_179 = arith.constant 1 : i32
    scf.for %scan3A_380 = %scan3A_176 to %scan3A_178 step %scan3A_179  : i32 {
      %mul3A_381 = arith.constant 2 : i32
      %mul3A_382 = arith.muli %mul3A_381, %scan3A_380 : i32
      %gt3A = arith.constant 0 : i32
      %gt3A_383 = arith.cmpi sgt, %scan3A_380, %gt3A : i32
      %convert_element_type3A = arith.extui %gt3A_383 : i1 to i32
      %cond3A = arith.constant 0 : i32
      %cond3A_384 = arith.cmpi ne, %convert_element_type3A, %cond3A : i32
      scf.if %cond3A_384 {
        %sub3A = arith.constant 1 : i32
        %sub3A_433 = arith.subi %mul3A_382, %sub3A : i32
        %dma_wait3A_434 = arith.constant 0 : i32
        %dma_wait3A_435 = tpu.memref_slice %arg8[%sub3A_433, %dma_wait3A_434] : memref<41x128xi32, #tpu.memory_space<vmem>> -> memref<1x128xi32, #tpu.memory_space<vmem>>
        %dma_wait3A_436 = tpu.memref_squeeze %dma_wait3A_435 : memref<1x128xi32, #tpu.memory_space<vmem>> -> memref<128xi32, #tpu.memory_space<vmem>>
        %dma_wait3A_437 = arith.constant 0 : i32
        %dma_wait3A_438 = arith.constant 0 : i32
        %dma_wait3A_439 = tpu.memref_slice %arg11[%dma_wait3A_437, %dma_wait3A_438] : memref<10112x128xf32, #tpu.memory_space<vmem_shared>> -> memref<10112x128xf32, #tpu.memory_space<vmem_shared>>
        tpu.wait_indirect_dma semaphore(%arg15 : memref<!tpu.dma_semaphore, #tpu.memory_space<semaphore_mem>>) src(%arg10 : memref<128x128xf32, #tpu.memory_space<vmem>>) dst(%dma_wait3A_439 : memref<10112x128xf32, #tpu.memory_space<vmem_shared>>)
      } else {
      }
      %add3A_385 = arith.constant 1 : i32
      %add3A_386 = arith.addi %mul3A_382, %add3A_385 : i32
      %dma_start3A_387 = arith.constant 0 : i32
      %dma_start3A_388 = tpu.memref_slice %arg7[%add3A_386, %dma_start3A_387] : memref<41x128xi32, #tpu.memory_space<vmem>> -> memref<1x128xi32, #tpu.memory_space<vmem>>
      %dma_start3A_389 = tpu.memref_squeeze %dma_start3A_388 : memref<1x128xi32, #tpu.memory_space<vmem>> -> memref<128xi32, #tpu.memory_space<vmem>>
      %dma_start3A_390 = arith.constant 0 : i32
      %dma_start3A_391 = arith.constant 0 : i32
      %dma_start3A_392 = tpu.memref_slice %arg2[%dma_start3A_390, %dma_start3A_391] : memref<10112x128xf32, #tpu.memory_space<hbm>> -> memref<10112x128xf32, #tpu.memory_space<hbm>>
      tpu.enqueue_indirect_dma source(%dma_start3A_392 : memref<10112x128xf32, #tpu.memory_space<hbm>>) target(%arg10 : memref<128x128xf32, #tpu.memory_space<vmem>>) offsets(%dma_start3A_389 : memref<128xi32, #tpu.memory_space<vmem>>) semaphore(%arg13 : memref<!tpu.dma_semaphore, #tpu.memory_space<semaphore_mem>>)
      %dma_wait3A_393 = arith.constant 0 : i32
      %dma_wait3A_394 = tpu.memref_slice %arg7[%mul3A_382, %dma_wait3A_393] : memref<41x128xi32, #tpu.memory_space<vmem>> -> memref<1x128xi32, #tpu.memory_space<vmem>>
      %dma_wait3A_395 = tpu.memref_squeeze %dma_wait3A_394 : memref<1x128xi32, #tpu.memory_space<vmem>> -> memref<128xi32, #tpu.memory_space<vmem>>
      %dma_wait3A_396 = arith.constant 0 : i32
      %dma_wait3A_397 = arith.constant 0 : i32
      %dma_wait3A_398 = tpu.memref_slice %arg2[%dma_wait3A_396, %dma_wait3A_397] : memref<10112x128xf32, #tpu.memory_space<hbm>> -> memref<10112x128xf32, #tpu.memory_space<hbm>>
      tpu.wait_indirect_dma semaphore(%arg12 : memref<!tpu.dma_semaphore, #tpu.memory_space<semaphore_mem>>) src(%dma_wait3A_398 : memref<10112x128xf32, #tpu.memory_space<hbm>>) dst(%arg9 : memref<128x128xf32, #tpu.memory_space<vmem>>)
      %dma_start3A_399 = arith.constant 0 : i32
      %dma_start3A_400 = tpu.memref_slice %arg8[%mul3A_382, %dma_start3A_399] : memref<41x128xi32, #tpu.memory_space<vmem>> -> memref<1x128xi32, #tpu.memory_space<vmem>>
      %dma_start3A_401 = tpu.memref_squeeze %dma_start3A_400 : memref<1x128xi32, #tpu.memory_space<vmem>> -> memref<128xi32, #tpu.memory_space<vmem>>
      %dma_start3A_402 = arith.constant 0 : i32
      %dma_start3A_403 = arith.constant 0 : i32
      %dma_start3A_404 = tpu.memref_slice %arg11[%dma_start3A_402, %dma_start3A_403] : memref<10112x128xf32, #tpu.memory_space<vmem_shared>> -> memref<10112x128xf32, #tpu.memory_space<vmem_shared>>
      tpu.enqueue_indirect_dma source(%arg9 : memref<128x128xf32, #tpu.memory_space<vmem>>) target(%dma_start3A_404 : memref<10112x128xf32, #tpu.memory_space<vmem_shared>>) offsets(%dma_start3A_401 : memref<128xi32, #tpu.memory_space<vmem>>) semaphore(%arg14 : memref<!tpu.dma_semaphore, #tpu.memory_space<semaphore_mem>>) {add = true}
      %dma_wait3A_405 = arith.constant 0 : i32
      %dma_wait3A_406 = tpu.memref_slice %arg8[%mul3A_382, %dma_wait3A_405] : memref<41x128xi32, #tpu.memory_space<vmem>> -> memref<1x128xi32, #tpu.memory_space<vmem>>
      %dma_wait3A_407 = tpu.memref_squeeze %dma_wait3A_406 : memref<1x128xi32, #tpu.memory_space<vmem>> -> memref<128xi32, #tpu.memory_space<vmem>>
      %dma_wait3A_408 = arith.constant 0 : i32
      %dma_wait3A_409 = arith.constant 0 : i32
      %dma_wait3A_410 = tpu.memref_slice %arg11[%dma_wait3A_408, %dma_wait3A_409] : memref<10112x128xf32, #tpu.memory_space<vmem_shared>> -> memref<10112x128xf32, #tpu.memory_space<vmem_shared>>
      tpu.wait_indirect_dma semaphore(%arg14 : memref<!tpu.dma_semaphore, #tpu.memory_space<semaphore_mem>>) src(%arg9 : memref<128x128xf32, #tpu.memory_space<vmem>>) dst(%dma_wait3A_410 : memref<10112x128xf32, #tpu.memory_space<vmem_shared>>)
      %add3A_411 = arith.constant 2 : i32
      %add3A_412 = arith.addi %mul3A_382, %add3A_411 : i32
      %lt3A = arith.constant 41 : i32
      %lt3A_413 = arith.cmpi slt, %add3A_412, %lt3A : i32
      %convert_element_type3A_414 = arith.extui %lt3A_413 : i1 to i32
      %cond3A_415 = arith.constant 0 : i32
      %cond3A_416 = arith.cmpi ne, %convert_element_type3A_414, %cond3A_415 : i32
      scf.if %cond3A_416 {
        %add3A_433 = arith.constant 2 : i32
        %add3A_434 = arith.addi %mul3A_382, %add3A_433 : i32
        %dma_start3A_435 = arith.constant 0 : i32
        %dma_start3A_436 = tpu.memref_slice %arg7[%add3A_434, %dma_start3A_435] : memref<41x128xi32, #tpu.memory_space<vmem>> -> memref<1x128xi32, #tpu.memory_space<vmem>>
        %dma_start3A_437 = tpu.memref_squeeze %dma_start3A_436 : memref<1x128xi32, #tpu.memory_space<vmem>> -> memref<128xi32, #tpu.memory_space<vmem>>
        %dma_start3A_438 = arith.constant 0 : i32
        %dma_start3A_439 = arith.constant 0 : i32
        %dma_start3A_440 = tpu.memref_slice %arg2[%dma_start3A_438, %dma_start3A_439] : memref<10112x128xf32, #tpu.memory_space<hbm>> -> memref<10112x128xf32, #tpu.memory_space<hbm>>
        tpu.enqueue_indirect_dma source(%dma_start3A_440 : memref<10112x128xf32, #tpu.memory_space<hbm>>) target(%arg9 : memref<128x128xf32, #tpu.memory_space<vmem>>) offsets(%dma_start3A_437 : memref<128xi32, #tpu.memory_space<vmem>>) semaphore(%arg12 : memref<!tpu.dma_semaphore, #tpu.memory_space<semaphore_mem>>)
      } else {
      }
      %add3A_417 = arith.constant 1 : i32
      %add3A_418 = arith.addi %mul3A_382, %add3A_417 : i32
      %dma_wait3A_419 = arith.constant 0 : i32
      %dma_wait3A_420 = tpu.memref_slice %arg7[%add3A_418, %dma_wait3A_419] : memref<41x128xi32, #tpu.memory_space<vmem>> -> memref<1x128xi32, #tpu.memory_space<vmem>>
      %dma_wait3A_421 = tpu.memref_squeeze %dma_wait3A_420 : memref<1x128xi32, #tpu.memory_space<vmem>> -> memref<128xi32, #tpu.memory_space<vmem>>
      %dma_wait3A_422 = arith.constant 0 : i32
      %dma_wait3A_423 = arith.constant 0 : i32
      %dma_wait3A_424 = tpu.memref_slice %arg2[%dma_wait3A_422, %dma_wait3A_423] : memref<10112x128xf32, #tpu.memory_space<hbm>> -> memref<10112x128xf32, #tpu.memory_space<hbm>>
      tpu.wait_indirect_dma semaphore(%arg13 : memref<!tpu.dma_semaphore, #tpu.memory_space<semaphore_mem>>) src(%dma_wait3A_424 : memref<10112x128xf32, #tpu.memory_space<hbm>>) dst(%arg10 : memref<128x128xf32, #tpu.memory_space<vmem>>)
      %add3A_425 = arith.constant 1 : i32
      %add3A_426 = arith.addi %mul3A_382, %add3A_425 : i32
      %dma_start3A_427 = arith.constant 0 : i32
      %dma_start3A_428 = tpu.memref_slice %arg8[%add3A_426, %dma_start3A_427] : memref<41x128xi32, #tpu.memory_space<vmem>> -> memref<1x128xi32, #tpu.memory_space<vmem>>
      %dma_start3A_429 = tpu.memref_squeeze %dma_start3A_428 : memref<1x128xi32, #tpu.memory_space<vmem>> -> memref<128xi32, #tpu.memory_space<vmem>>
      %dma_start3A_430 = arith.constant 0 : i32
      %dma_start3A_431 = arith.constant 0 : i32
      %dma_start3A_432 = tpu.memref_slice %arg11[%dma_start3A_430, %dma_start3A_431] : memref<10112x128xf32, #tpu.memory_space<vmem_shared>> -> memref<10112x128xf32, #tpu.memory_space<vmem_shared>>
      tpu.enqueue_indirect_dma source(%arg10 : memref<128x128xf32, #tpu.memory_space<vmem>>) target(%dma_start3A_432 : memref<10112x128xf32, #tpu.memory_space<vmem_shared>>) offsets(%dma_start3A_429 : memref<128xi32, #tpu.memory_space<vmem>>) semaphore(%arg15 : memref<!tpu.dma_semaphore, #tpu.memory_space<semaphore_mem>>) {add = true}
    }
    %scan3A_180 = arith.constant 20 : i32
    %dma_wait3A_181 = arith.constant 39 : i32
    %dma_wait3A_182 = arith.constant 0 : i32
    %dma_wait3A_183 = tpu.memref_slice %arg8[%dma_wait3A_181, %dma_wait3A_182] : memref<41x128xi32, #tpu.memory_space<vmem>> -> memref<1x128xi32, #tpu.memory_space<vmem>>
    %dma_wait3A_184 = tpu.memref_squeeze %dma_wait3A_183 : memref<1x128xi32, #tpu.memory_space<vmem>> -> memref<128xi32, #tpu.memory_space<vmem>>
    %dma_wait3A_185 = arith.constant 0 : i32
    %dma_wait3A_186 = arith.constant 0 : i32
    %dma_wait3A_187 = tpu.memref_slice %arg11[%dma_wait3A_185, %dma_wait3A_186] : memref<10112x128xf32, #tpu.memory_space<vmem_shared>> -> memref<10112x128xf32, #tpu.memory_space<vmem_shared>>
    tpu.wait_indirect_dma semaphore(%arg15 : memref<!tpu.dma_semaphore, #tpu.memory_space<semaphore_mem>>) src(%arg10 : memref<128x128xf32, #tpu.memory_space<vmem>>) dst(%dma_wait3A_187 : memref<10112x128xf32, #tpu.memory_space<vmem_shared>>)
    %dma_wait3A_188 = arith.constant 40 : i32
    %dma_wait3A_189 = arith.constant 0 : i32
    %dma_wait3A_190 = tpu.memref_slice %arg7[%dma_wait3A_188, %dma_wait3A_189] : memref<41x128xi32, #tpu.memory_space<vmem>> -> memref<1x128xi32, #tpu.memory_space<vmem>>
    %dma_wait3A_191 = tpu.memref_squeeze %dma_wait3A_190 : memref<1x128xi32, #tpu.memory_space<vmem>> -> memref<128xi32, #tpu.memory_space<vmem>>
    %dma_wait3A_192 = arith.constant 0 : i32
    %dma_wait3A_193 = arith.constant 0 : i32
    %dma_wait3A_194 = tpu.memref_slice %arg2[%dma_wait3A_192, %dma_wait3A_193] : memref<10112x128xf32, #tpu.memory_space<hbm>> -> memref<10112x128xf32, #tpu.memory_space<hbm>>
    tpu.wait_indirect_dma semaphore(%arg12 : memref<!tpu.dma_semaphore, #tpu.memory_space<semaphore_mem>>) src(%dma_wait3A_194 : memref<10112x128xf32, #tpu.memory_space<hbm>>) dst(%arg9 : memref<128x128xf32, #tpu.memory_space<vmem>>)
    %dma_start3A_195 = arith.constant 40 : i32
    %dma_start3A_196 = arith.constant 0 : i32
    %dma_start3A_197 = tpu.memref_slice %arg8[%dma_start3A_195, %dma_start3A_196] : memref<41x128xi32, #tpu.memory_space<vmem>> -> memref<1x128xi32, #tpu.memory_space<vmem>>
    %dma_start3A_198 = tpu.memref_squeeze %dma_start3A_197 : memref<1x128xi32, #tpu.memory_space<vmem>> -> memref<128xi32, #tpu.memory_space<vmem>>
    %dma_start3A_199 = arith.constant 0 : i32
    %dma_start3A_200 = arith.constant 0 : i32
    %dma_start3A_201 = tpu.memref_slice %arg11[%dma_start3A_199, %dma_start3A_200] : memref<10112x128xf32, #tpu.memory_space<vmem_shared>> -> memref<10112x128xf32, #tpu.memory_space<vmem_shared>>
    tpu.enqueue_indirect_dma source(%arg9 : memref<128x128xf32, #tpu.memory_space<vmem>>) target(%dma_start3A_201 : memref<10112x128xf32, #tpu.memory_space<vmem_shared>>) offsets(%dma_start3A_198 : memref<128xi32, #tpu.memory_space<vmem>>) semaphore(%arg14 : memref<!tpu.dma_semaphore, #tpu.memory_space<semaphore_mem>>) {add = true}
    %dma_wait3A_202 = arith.constant 40 : i32
    %dma_wait3A_203 = arith.constant 0 : i32
    %dma_wait3A_204 = tpu.memref_slice %arg8[%dma_wait3A_202, %dma_wait3A_203] : memref<41x128xi32, #tpu.memory_space<vmem>> -> memref<1x128xi32, #tpu.memory_space<vmem>>
    %dma_wait3A_205 = tpu.memref_squeeze %dma_wait3A_204 : memref<1x128xi32, #tpu.memory_space<vmem>> -> memref<128xi32, #tpu.memory_space<vmem>>
    %dma_wait3A_206 = arith.constant 0 : i32
    %dma_wait3A_207 = arith.constant 0 : i32
    %dma_wait3A_208 = tpu.memref_slice %arg11[%dma_wait3A_206, %dma_wait3A_207] : memref<10112x128xf32, #tpu.memory_space<vmem_shared>> -> memref<10112x128xf32, #tpu.memory_space<vmem_shared>>
    tpu.wait_indirect_dma semaphore(%arg14 : memref<!tpu.dma_semaphore, #tpu.memory_space<semaphore_mem>>) src(%arg9 : memref<128x128xf32, #tpu.memory_space<vmem>>) dst(%dma_wait3A_208 : memref<10112x128xf32, #tpu.memory_space<vmem_shared>>)
    %barrier3A_209 = arith.constant 0 : index
    tpu.barrier barrier_id(%barrier3A_209)
    %mul3A_210 = arith.constant 632 : i32
    %mul3A_211 = arith.muli %arg1, %mul3A_210 : i32
    %add3A_212 = arith.constant 0 : i32
    %add3A_213 = arith.addi %mul3A_211, %add3A_212 : i32
    "tpu.region"() ({
      %run_scoped3A = tpu.sem_alloc : memref<!tpu.dma_semaphore, #tpu.memory_space<semaphore_mem>>
      %dma_start3A_380 = arith.constant 0 : i32
      %dma_start3A_381 = arith.constant 0 : i32
      %dma_start3A_382 = tpu.memref_slice %arg9[%dma_start3A_380, %dma_start3A_381] : memref<128x128xf32, #tpu.memory_space<vmem>> -> memref<128x128xf32, #tpu.memory_space<vmem>>
      %dma_start3A_383 = arith.constant 0 : i32
      %dma_start3A_384 = tpu.memref_slice %arg11[%add3A_213, %dma_start3A_383] : memref<10112x128xf32, #tpu.memory_space<vmem_shared>> -> memref<128x128xf32, #tpu.memory_space<vmem_shared>>
      %dma_start3A_385 = arith.constant 0 : i32
      %dma_start3A_386 = arith.constant 0 : i32
      %dma_start3A_387 = tpu.memref_slice %arg9[%dma_start3A_385, %dma_start3A_386] : memref<128x128xf32, #tpu.memory_space<vmem>> -> memref<128x128xf32, #tpu.memory_space<vmem>>
      %dma_start3A_388 = arith.constant 0 : i32
      %dma_start3A_389 = tpu.memref_slice %arg11[%add3A_213, %dma_start3A_388] : memref<10112x128xf32, #tpu.memory_space<vmem_shared>> -> memref<128x128xf32, #tpu.memory_space<vmem_shared>>
      tpu.enqueue_dma source(%dma_start3A_389 : memref<128x128xf32, #tpu.memory_space<vmem_shared>>) target(%dma_start3A_387 : memref<128x128xf32, #tpu.memory_space<vmem>>) target_semaphore(%run_scoped3A : memref<!tpu.dma_semaphore, #tpu.memory_space<semaphore_mem>>)
      %dma_wait3A_390 = arith.constant 0 : i32
      %dma_wait3A_391 = arith.constant 0 : i32
      %dma_wait3A_392 = tpu.memref_slice %arg9[%dma_wait3A_390, %dma_wait3A_391] : memref<128x128xf32, #tpu.memory_space<vmem>> -> memref<128x128xf32, #tpu.memory_space<vmem>>
      %dma_wait3A_393 = arith.constant 0 : i32
      %dma_wait3A_394 = tpu.memref_slice %arg11[%add3A_213, %dma_wait3A_393] : memref<10112x128xf32, #tpu.memory_space<vmem_shared>> -> memref<128x128xf32, #tpu.memory_space<vmem_shared>>
      %dma_wait3A_395 = arith.constant 0 : i32
      %dma_wait3A_396 = arith.constant 0 : i32
      %dma_wait3A_397 = tpu.memref_slice %arg9[%dma_wait3A_395, %dma_wait3A_396] : memref<128x128xf32, #tpu.memory_space<vmem>> -> memref<128x128xf32, #tpu.memory_space<vmem>>
      %dma_wait3A_398 = arith.constant 0 : i32
      %dma_wait3A_399 = tpu.memref_slice %arg11[%add3A_213, %dma_wait3A_398] : memref<10112x128xf32, #tpu.memory_space<vmem_shared>> -> memref<128x128xf32, #tpu.memory_space<vmem_shared>>
      tpu.wait_dma2 semaphore(%run_scoped3A : memref<!tpu.dma_semaphore, #tpu.memory_space<semaphore_mem>>) src(%dma_wait3A_399 : memref<128x128xf32, #tpu.memory_space<vmem_shared>>) dst(%dma_wait3A_397 : memref<128x128xf32, #tpu.memory_space<vmem>>)
      tpu.yield
    }) : () -> ()
    %mul3A_214 = arith.constant 10112 : i32
    %mul3A_215 = arith.muli %arg0, %mul3A_214 : i32
    %add3A_216 = arith.addi %mul3A_215, %add3A_213 : i32
    %dma_start3A_217 = arith.constant 0 : i32
    %dma_start3A_218 = arith.constant 0 : i32
    %dma_start3A_219 = tpu.memref_slice %arg9[%dma_start3A_217, %dma_start3A_218] : memref<128x128xf32, #tpu.memory_space<vmem>> -> memref<128x128xf32, #tpu.memory_space<vmem>>
    %dma_start3A_220 = arith.constant 0 : i32
    %dma_start3A_221 = tpu.memref_slice %arg6[%add3A_216, %dma_start3A_220] : memref<20224x128xf32, #tpu.memory_space<hbm>> -> memref<128x128xf32, #tpu.memory_space<hbm>>
    %dma_start3A_222 = arith.constant 0 : i32
    %dma_start3A_223 = tpu.memref_slice %arg6[%add3A_216, %dma_start3A_222] : memref<20224x128xf32, #tpu.memory_space<hbm>> -> memref<128x128xf32, #tpu.memory_space<hbm>>
    %dma_start3A_224 = arith.constant 0 : i32
    %dma_start3A_225 = arith.constant 0 : i32
    %dma_start3A_226 = tpu.memref_slice %arg9[%dma_start3A_224, %dma_start3A_225] : memref<128x128xf32, #tpu.memory_space<vmem>> -> memref<128x128xf32, #tpu.memory_space<vmem>>
    tpu.enqueue_dma source(%dma_start3A_226 : memref<128x128xf32, #tpu.memory_space<vmem>>) target(%dma_start3A_223 : memref<128x128xf32, #tpu.memory_space<hbm>>) target_semaphore(%arg12 : memref<!tpu.dma_semaphore, #tpu.memory_space<semaphore_mem>>)
    %mul3A_227 = arith.constant 632 : i32
    %mul3A_228 = arith.muli %arg1, %mul3A_227 : i32
    %add3A_229 = arith.constant 128 : i32
    %add3A_230 = arith.addi %mul3A_228, %add3A_229 : i32
    "tpu.region"() ({
      %run_scoped3A = tpu.sem_alloc : memref<!tpu.dma_semaphore, #tpu.memory_space<semaphore_mem>>
      %dma_start3A_380 = arith.constant 0 : i32
      %dma_start3A_381 = arith.constant 0 : i32
      %dma_start3A_382 = tpu.memref_slice %arg10[%dma_start3A_380, %dma_start3A_381] : memref<128x128xf32, #tpu.memory_space<vmem>> -> memref<128x128xf32, #tpu.memory_space<vmem>>
      %dma_start3A_383 = arith.constant 0 : i32
      %dma_start3A_384 = tpu.memref_slice %arg11[%add3A_230, %dma_start3A_383] : memref<10112x128xf32, #tpu.memory_space<vmem_shared>> -> memref<128x128xf32, #tpu.memory_space<vmem_shared>>
      %dma_start3A_385 = arith.constant 0 : i32
      %dma_start3A_386 = arith.constant 0 : i32
      %dma_start3A_387 = tpu.memref_slice %arg10[%dma_start3A_385, %dma_start3A_386] : memref<128x128xf32, #tpu.memory_space<vmem>> -> memref<128x128xf32, #tpu.memory_space<vmem>>
      %dma_start3A_388 = arith.constant 0 : i32
      %dma_start3A_389 = tpu.memref_slice %arg11[%add3A_230, %dma_start3A_388] : memref<10112x128xf32, #tpu.memory_space<vmem_shared>> -> memref<128x128xf32, #tpu.memory_space<vmem_shared>>
      tpu.enqueue_dma source(%dma_start3A_389 : memref<128x128xf32, #tpu.memory_space<vmem_shared>>) target(%dma_start3A_387 : memref<128x128xf32, #tpu.memory_space<vmem>>) target_semaphore(%run_scoped3A : memref<!tpu.dma_semaphore, #tpu.memory_space<semaphore_mem>>)
      %dma_wait3A_390 = arith.constant 0 : i32
      %dma_wait3A_391 = arith.constant 0 : i32
      %dma_wait3A_392 = tpu.memref_slice %arg10[%dma_wait3A_390, %dma_wait3A_391] : memref<128x128xf32, #tpu.memory_space<vmem>> -> memref<128x128xf32, #tpu.memory_space<vmem>>
      %dma_wait3A_393 = arith.constant 0 : i32
      %dma_wait3A_394 = tpu.memref_slice %arg11[%add3A_230, %dma_wait3A_393] : memref<10112x128xf32, #tpu.memory_space<vmem_shared>> -> memref<128x128xf32, #tpu.memory_space<vmem_shared>>
      %dma_wait3A_395 = arith.constant 0 : i32
      %dma_wait3A_396 = arith.constant 0 : i32
      %dma_wait3A_397 = tpu.memref_slice %arg10[%dma_wait3A_395, %dma_wait3A_396] : memref<128x128xf32, #tpu.memory_space<vmem>> -> memref<128x128xf32, #tpu.memory_space<vmem>>
      %dma_wait3A_398 = arith.constant 0 : i32
      %dma_wait3A_399 = tpu.memref_slice %arg11[%add3A_230, %dma_wait3A_398] : memref<10112x128xf32, #tpu.memory_space<vmem_shared>> -> memref<128x128xf32, #tpu.memory_space<vmem_shared>>
      tpu.wait_dma2 semaphore(%run_scoped3A : memref<!tpu.dma_semaphore, #tpu.memory_space<semaphore_mem>>) src(%dma_wait3A_399 : memref<128x128xf32, #tpu.memory_space<vmem_shared>>) dst(%dma_wait3A_397 : memref<128x128xf32, #tpu.memory_space<vmem>>)
      tpu.yield
    }) : () -> ()
    %mul3A_231 = arith.constant 10112 : i32
    %mul3A_232 = arith.muli %arg0, %mul3A_231 : i32
    %add3A_233 = arith.addi %mul3A_232, %add3A_230 : i32
    %dma_start3A_234 = arith.constant 0 : i32
    %dma_start3A_235 = arith.constant 0 : i32
    %dma_start3A_236 = tpu.memref_slice %arg10[%dma_start3A_234, %dma_start3A_235] : memref<128x128xf32, #tpu.memory_space<vmem>> -> memref<128x128xf32, #tpu.memory_space<vmem>>
    %dma_start3A_237 = arith.constant 0 : i32
    %dma_start3A_238 = tpu.memref_slice %arg6[%add3A_233, %dma_start3A_237] : memref<20224x128xf32, #tpu.memory_space<hbm>> -> memref<128x128xf32, #tpu.memory_space<hbm>>
    %dma_start3A_239 = arith.constant 0 : i32
    %dma_start3A_240 = tpu.memref_slice %arg6[%add3A_233, %dma_start3A_239] : memref<20224x128xf32, #tpu.memory_space<hbm>> -> memref<128x128xf32, #tpu.memory_space<hbm>>
    %dma_start3A_241 = arith.constant 0 : i32
    %dma_start3A_242 = arith.constant 0 : i32
    %dma_start3A_243 = tpu.memref_slice %arg10[%dma_start3A_241, %dma_start3A_242] : memref<128x128xf32, #tpu.memory_space<vmem>> -> memref<128x128xf32, #tpu.memory_space<vmem>>
    tpu.enqueue_dma source(%dma_start3A_243 : memref<128x128xf32, #tpu.memory_space<vmem>>) target(%dma_start3A_240 : memref<128x128xf32, #tpu.memory_space<hbm>>) target_semaphore(%arg13 : memref<!tpu.dma_semaphore, #tpu.memory_space<semaphore_mem>>)
    %mul3A_244 = arith.constant 632 : i32
    %mul3A_245 = arith.muli %arg1, %mul3A_244 : i32
    %add3A_246 = arith.constant 256 : i32
    %add3A_247 = arith.addi %mul3A_245, %add3A_246 : i32
    %mul3A_248 = arith.constant 10112 : i32
    %mul3A_249 = arith.muli %arg0, %mul3A_248 : i32
    %mul3A_250 = arith.constant 632 : i32
    %mul3A_251 = arith.muli %arg1, %mul3A_250 : i32
    %add3A_252 = arith.addi %mul3A_249, %mul3A_251 : i32
    %add3A_253 = arith.constant 0 : i32
    %add3A_254 = arith.addi %add3A_252, %add3A_253 : i32
    %dma_wait3A_255 = arith.constant 0 : i32
    %dma_wait3A_256 = arith.constant 0 : i32
    %dma_wait3A_257 = tpu.memref_slice %arg9[%dma_wait3A_255, %dma_wait3A_256] : memref<128x128xf32, #tpu.memory_space<vmem>> -> memref<128x128xf32, #tpu.memory_space<vmem>>
    %dma_wait3A_258 = arith.constant 0 : i32
    %dma_wait3A_259 = tpu.memref_slice %arg6[%add3A_254, %dma_wait3A_258] : memref<20224x128xf32, #tpu.memory_space<hbm>> -> memref<128x128xf32, #tpu.memory_space<hbm>>
    %dma_wait3A_260 = arith.constant 0 : i32
    %dma_wait3A_261 = tpu.memref_slice %arg6[%add3A_254, %dma_wait3A_260] : memref<20224x128xf32, #tpu.memory_space<hbm>> -> memref<128x128xf32, #tpu.memory_space<hbm>>
    %dma_wait3A_262 = arith.constant 0 : i32
    %dma_wait3A_263 = arith.constant 0 : i32
    %dma_wait3A_264 = tpu.memref_slice %arg9[%dma_wait3A_262, %dma_wait3A_263] : memref<128x128xf32, #tpu.memory_space<vmem>> -> memref<128x128xf32, #tpu.memory_space<vmem>>
    tpu.wait_dma2 semaphore(%arg12 : memref<!tpu.dma_semaphore, #tpu.memory_space<semaphore_mem>>) src(%dma_wait3A_264 : memref<128x128xf32, #tpu.memory_space<vmem>>) dst(%dma_wait3A_261 : memref<128x128xf32, #tpu.memory_space<hbm>>)
    "tpu.region"() ({
      %run_scoped3A = tpu.sem_alloc : memref<!tpu.dma_semaphore, #tpu.memory_space<semaphore_mem>>
      %dma_start3A_380 = arith.constant 0 : i32
      %dma_start3A_381 = arith.constant 0 : i32
      %dma_start3A_382 = tpu.memref_slice %arg9[%dma_start3A_380, %dma_start3A_381] : memref<128x128xf32, #tpu.memory_space<vmem>> -> memref<128x128xf32, #tpu.memory_space<vmem>>
      %dma_start3A_383 = arith.constant 0 : i32
      %dma_start3A_384 = tpu.memref_slice %arg11[%add3A_247, %dma_start3A_383] : memref<10112x128xf32, #tpu.memory_space<vmem_shared>> -> memref<128x128xf32, #tpu.memory_space<vmem_shared>>
      %dma_start3A_385 = arith.constant 0 : i32
      %dma_start3A_386 = arith.constant 0 : i32
      %dma_start3A_387 = tpu.memref_slice %arg9[%dma_start3A_385, %dma_start3A_386] : memref<128x128xf32, #tpu.memory_space<vmem>> -> memref<128x128xf32, #tpu.memory_space<vmem>>
      %dma_start3A_388 = arith.constant 0 : i32
      %dma_start3A_389 = tpu.memref_slice %arg11[%add3A_247, %dma_start3A_388] : memref<10112x128xf32, #tpu.memory_space<vmem_shared>> -> memref<128x128xf32, #tpu.memory_space<vmem_shared>>
      tpu.enqueue_dma source(%dma_start3A_389 : memref<128x128xf32, #tpu.memory_space<vmem_shared>>) target(%dma_start3A_387 : memref<128x128xf32, #tpu.memory_space<vmem>>) target_semaphore(%run_scoped3A : memref<!tpu.dma_semaphore, #tpu.memory_space<semaphore_mem>>)
      %dma_wait3A_390 = arith.constant 0 : i32
      %dma_wait3A_391 = arith.constant 0 : i32
      %dma_wait3A_392 = tpu.memref_slice %arg9[%dma_wait3A_390, %dma_wait3A_391] : memref<128x128xf32, #tpu.memory_space<vmem>> -> memref<128x128xf32, #tpu.memory_space<vmem>>
      %dma_wait3A_393 = arith.constant 0 : i32
      %dma_wait3A_394 = tpu.memref_slice %arg11[%add3A_247, %dma_wait3A_393] : memref<10112x128xf32, #tpu.memory_space<vmem_shared>> -> memref<128x128xf32, #tpu.memory_space<vmem_shared>>
      %dma_wait3A_395 = arith.constant 0 : i32
      %dma_wait3A_396 = arith.constant 0 : i32
      %dma_wait3A_397 = tpu.memref_slice %arg9[%dma_wait3A_395, %dma_wait3A_396] : memref<128x128xf32, #tpu.memory_space<vmem>> -> memref<128x128xf32, #tpu.memory_space<vmem>>
      %dma_wait3A_398 = arith.constant 0 : i32
      %dma_wait3A_399 = tpu.memref_slice %arg11[%add3A_247, %dma_wait3A_398] : memref<10112x128xf32, #tpu.memory_space<vmem_shared>> -> memref<128x128xf32, #tpu.memory_space<vmem_shared>>
      tpu.wait_dma2 semaphore(%run_scoped3A : memref<!tpu.dma_semaphore, #tpu.memory_space<semaphore_mem>>) src(%dma_wait3A_399 : memref<128x128xf32, #tpu.memory_space<vmem_shared>>) dst(%dma_wait3A_397 : memref<128x128xf32, #tpu.memory_space<vmem>>)
      tpu.yield
    }) : () -> ()
    %mul3A_265 = arith.constant 10112 : i32
    %mul3A_266 = arith.muli %arg0, %mul3A_265 : i32
    %add3A_267 = arith.addi %mul3A_266, %add3A_247 : i32
    %dma_start3A_268 = arith.constant 0 : i32
    %dma_start3A_269 = arith.constant 0 : i32
    %dma_start3A_270 = tpu.memref_slice %arg9[%dma_start3A_268, %dma_start3A_269] : memref<128x128xf32, #tpu.memory_space<vmem>> -> memref<128x128xf32, #tpu.memory_space<vmem>>
    %dma_start3A_271 = arith.constant 0 : i32
    %dma_start3A_272 = tpu.memref_slice %arg6[%add3A_267, %dma_start3A_271] : memref<20224x128xf32, #tpu.memory_space<hbm>> -> memref<128x128xf32, #tpu.memory_space<hbm>>
    %dma_start3A_273 = arith.constant 0 : i32
    %dma_start3A_274 = tpu.memref_slice %arg6[%add3A_267, %dma_start3A_273] : memref<20224x128xf32, #tpu.memory_space<hbm>> -> memref<128x128xf32, #tpu.memory_space<hbm>>
    %dma_start3A_275 = arith.constant 0 : i32
    %dma_start3A_276 = arith.constant 0 : i32
    %dma_start3A_277 = tpu.memref_slice %arg9[%dma_start3A_275, %dma_start3A_276] : memref<128x128xf32, #tpu.memory_space<vmem>> -> memref<128x128xf32, #tpu.memory_space<vmem>>
    tpu.enqueue_dma source(%dma_start3A_277 : memref<128x128xf32, #tpu.memory_space<vmem>>) target(%dma_start3A_274 : memref<128x128xf32, #tpu.memory_space<hbm>>) target_semaphore(%arg12 : memref<!tpu.dma_semaphore, #tpu.memory_space<semaphore_mem>>)
    %mul3A_278 = arith.constant 632 : i32
    %mul3A_279 = arith.muli %arg1, %mul3A_278 : i32
    %add3A_280 = arith.constant 384 : i32
    %add3A_281 = arith.addi %mul3A_279, %add3A_280 : i32
    %mul3A_282 = arith.constant 10112 : i32
    %mul3A_283 = arith.muli %arg0, %mul3A_282 : i32
    %mul3A_284 = arith.constant 632 : i32
    %mul3A_285 = arith.muli %arg1, %mul3A_284 : i32
    %add3A_286 = arith.addi %mul3A_283, %mul3A_285 : i32
    %add3A_287 = arith.constant 128 : i32
    %add3A_288 = arith.addi %add3A_286, %add3A_287 : i32
    %dma_wait3A_289 = arith.constant 0 : i32
    %dma_wait3A_290 = arith.constant 0 : i32
    %dma_wait3A_291 = tpu.memref_slice %arg10[%dma_wait3A_289, %dma_wait3A_290] : memref<128x128xf32, #tpu.memory_space<vmem>> -> memref<128x128xf32, #tpu.memory_space<vmem>>
    %dma_wait3A_292 = arith.constant 0 : i32
    %dma_wait3A_293 = tpu.memref_slice %arg6[%add3A_288, %dma_wait3A_292] : memref<20224x128xf32, #tpu.memory_space<hbm>> -> memref<128x128xf32, #tpu.memory_space<hbm>>
    %dma_wait3A_294 = arith.constant 0 : i32
    %dma_wait3A_295 = tpu.memref_slice %arg6[%add3A_288, %dma_wait3A_294] : memref<20224x128xf32, #tpu.memory_space<hbm>> -> memref<128x128xf32, #tpu.memory_space<hbm>>
    %dma_wait3A_296 = arith.constant 0 : i32
    %dma_wait3A_297 = arith.constant 0 : i32
    %dma_wait3A_298 = tpu.memref_slice %arg10[%dma_wait3A_296, %dma_wait3A_297] : memref<128x128xf32, #tpu.memory_space<vmem>> -> memref<128x128xf32, #tpu.memory_space<vmem>>
    tpu.wait_dma2 semaphore(%arg13 : memref<!tpu.dma_semaphore, #tpu.memory_space<semaphore_mem>>) src(%dma_wait3A_298 : memref<128x128xf32, #tpu.memory_space<vmem>>) dst(%dma_wait3A_295 : memref<128x128xf32, #tpu.memory_space<hbm>>)
    "tpu.region"() ({
      %run_scoped3A = tpu.sem_alloc : memref<!tpu.dma_semaphore, #tpu.memory_space<semaphore_mem>>
      %dma_start3A_380 = arith.constant 0 : i32
      %dma_start3A_381 = arith.constant 0 : i32
      %dma_start3A_382 = tpu.memref_slice %arg10[%dma_start3A_380, %dma_start3A_381] : memref<128x128xf32, #tpu.memory_space<vmem>> -> memref<128x128xf32, #tpu.memory_space<vmem>>
      %dma_start3A_383 = arith.constant 0 : i32
      %dma_start3A_384 = tpu.memref_slice %arg11[%add3A_281, %dma_start3A_383] : memref<10112x128xf32, #tpu.memory_space<vmem_shared>> -> memref<128x128xf32, #tpu.memory_space<vmem_shared>>
      %dma_start3A_385 = arith.constant 0 : i32
      %dma_start3A_386 = arith.constant 0 : i32
      %dma_start3A_387 = tpu.memref_slice %arg10[%dma_start3A_385, %dma_start3A_386] : memref<128x128xf32, #tpu.memory_space<vmem>> -> memref<128x128xf32, #tpu.memory_space<vmem>>
      %dma_start3A_388 = arith.constant 0 : i32
      %dma_start3A_389 = tpu.memref_slice %arg11[%add3A_281, %dma_start3A_388] : memref<10112x128xf32, #tpu.memory_space<vmem_shared>> -> memref<128x128xf32, #tpu.memory_space<vmem_shared>>
      tpu.enqueue_dma source(%dma_start3A_389 : memref<128x128xf32, #tpu.memory_space<vmem_shared>>) target(%dma_start3A_387 : memref<128x128xf32, #tpu.memory_space<vmem>>) target_semaphore(%run_scoped3A : memref<!tpu.dma_semaphore, #tpu.memory_space<semaphore_mem>>)
      %dma_wait3A_390 = arith.constant 0 : i32
      %dma_wait3A_391 = arith.constant 0 : i32
      %dma_wait3A_392 = tpu.memref_slice %arg10[%dma_wait3A_390, %dma_wait3A_391] : memref<128x128xf32, #tpu.memory_space<vmem>> -> memref<128x128xf32, #tpu.memory_space<vmem>>
      %dma_wait3A_393 = arith.constant 0 : i32
      %dma_wait3A_394 = tpu.memref_slice %arg11[%add3A_281, %dma_wait3A_393] : memref<10112x128xf32, #tpu.memory_space<vmem_shared>> -> memref<128x128xf32, #tpu.memory_space<vmem_shared>>
      %dma_wait3A_395 = arith.constant 0 : i32
      %dma_wait3A_396 = arith.constant 0 : i32
      %dma_wait3A_397 = tpu.memref_slice %arg10[%dma_wait3A_395, %dma_wait3A_396] : memref<128x128xf32, #tpu.memory_space<vmem>> -> memref<128x128xf32, #tpu.memory_space<vmem>>
      %dma_wait3A_398 = arith.constant 0 : i32
      %dma_wait3A_399 = tpu.memref_slice %arg11[%add3A_281, %dma_wait3A_398] : memref<10112x128xf32, #tpu.memory_space<vmem_shared>> -> memref<128x128xf32, #tpu.memory_space<vmem_shared>>
      tpu.wait_dma2 semaphore(%run_scoped3A : memref<!tpu.dma_semaphore, #tpu.memory_space<semaphore_mem>>) src(%dma_wait3A_399 : memref<128x128xf32, #tpu.memory_space<vmem_shared>>) dst(%dma_wait3A_397 : memref<128x128xf32, #tpu.memory_space<vmem>>)
      tpu.yield
    }) : () -> ()
    %mul3A_299 = arith.constant 10112 : i32
    %mul3A_300 = arith.muli %arg0, %mul3A_299 : i32
    %add3A_301 = arith.addi %mul3A_300, %add3A_281 : i32
    %dma_start3A_302 = arith.constant 0 : i32
    %dma_start3A_303 = arith.constant 0 : i32
    %dma_start3A_304 = tpu.memref_slice %arg10[%dma_start3A_302, %dma_start3A_303] : memref<128x128xf32, #tpu.memory_space<vmem>> -> memref<128x128xf32, #tpu.memory_space<vmem>>
    %dma_start3A_305 = arith.constant 0 : i32
    %dma_start3A_306 = tpu.memref_slice %arg6[%add3A_301, %dma_start3A_305] : memref<20224x128xf32, #tpu.memory_space<hbm>> -> memref<128x128xf32, #tpu.memory_space<hbm>>
    %dma_start3A_307 = arith.constant 0 : i32
    %dma_start3A_308 = tpu.memref_slice %arg6[%add3A_301, %dma_start3A_307] : memref<20224x128xf32, #tpu.memory_space<hbm>> -> memref<128x128xf32, #tpu.memory_space<hbm>>
    %dma_start3A_309 = arith.constant 0 : i32
    %dma_start3A_310 = arith.constant 0 : i32
    %dma_start3A_311 = tpu.memref_slice %arg10[%dma_start3A_309, %dma_start3A_310] : memref<128x128xf32, #tpu.memory_space<vmem>> -> memref<128x128xf32, #tpu.memory_space<vmem>>
    tpu.enqueue_dma source(%dma_start3A_311 : memref<128x128xf32, #tpu.memory_space<vmem>>) target(%dma_start3A_308 : memref<128x128xf32, #tpu.memory_space<hbm>>) target_semaphore(%arg13 : memref<!tpu.dma_semaphore, #tpu.memory_space<semaphore_mem>>)
    %mul3A_312 = arith.constant 632 : i32
    %mul3A_313 = arith.muli %arg1, %mul3A_312 : i32
    %add3A_314 = arith.constant 512 : i32
    %add3A_315 = arith.addi %mul3A_313, %add3A_314 : i32
    %mul3A_316 = arith.constant 10112 : i32
    %mul3A_317 = arith.muli %arg0, %mul3A_316 : i32
    %mul3A_318 = arith.constant 632 : i32
    %mul3A_319 = arith.muli %arg1, %mul3A_318 : i32
    %add3A_320 = arith.addi %mul3A_317, %mul3A_319 : i32
    %add3A_321 = arith.constant 256 : i32
    %add3A_322 = arith.addi %add3A_320, %add3A_321 : i32
    %dma_wait3A_323 = arith.constant 0 : i32
    %dma_wait3A_324 = arith.constant 0 : i32
    %dma_wait3A_325 = tpu.memref_slice %arg9[%dma_wait3A_323, %dma_wait3A_324] : memref<128x128xf32, #tpu.memory_space<vmem>> -> memref<128x128xf32, #tpu.memory_space<vmem>>
    %dma_wait3A_326 = arith.constant 0 : i32
    %dma_wait3A_327 = tpu.memref_slice %arg6[%add3A_322, %dma_wait3A_326] : memref<20224x128xf32, #tpu.memory_space<hbm>> -> memref<128x128xf32, #tpu.memory_space<hbm>>
    %dma_wait3A_328 = arith.constant 0 : i32
    %dma_wait3A_329 = tpu.memref_slice %arg6[%add3A_322, %dma_wait3A_328] : memref<20224x128xf32, #tpu.memory_space<hbm>> -> memref<128x128xf32, #tpu.memory_space<hbm>>
    %dma_wait3A_330 = arith.constant 0 : i32
    %dma_wait3A_331 = arith.constant 0 : i32
    %dma_wait3A_332 = tpu.memref_slice %arg9[%dma_wait3A_330, %dma_wait3A_331] : memref<128x128xf32, #tpu.memory_space<vmem>> -> memref<128x128xf32, #tpu.memory_space<vmem>>
    tpu.wait_dma2 semaphore(%arg12 : memref<!tpu.dma_semaphore, #tpu.memory_space<semaphore_mem>>) src(%dma_wait3A_332 : memref<128x128xf32, #tpu.memory_space<vmem>>) dst(%dma_wait3A_329 : memref<128x128xf32, #tpu.memory_space<hbm>>)
    "tpu.region"() ({
      %run_scoped3A = tpu.sem_alloc : memref<!tpu.dma_semaphore, #tpu.memory_space<semaphore_mem>>
      %dma_start3A_380 = arith.constant 0 : i32
      %dma_start3A_381 = arith.constant 0 : i32
      %dma_start3A_382 = tpu.memref_slice %arg9[%dma_start3A_380, %dma_start3A_381] : memref<128x128xf32, #tpu.memory_space<vmem>> -> memref<120x128xf32, #tpu.memory_space<vmem>>
      %dma_start3A_383 = arith.constant 0 : i32
      %dma_start3A_384 = tpu.memref_slice %arg11[%add3A_315, %dma_start3A_383] : memref<10112x128xf32, #tpu.memory_space<vmem_shared>> -> memref<120x128xf32, #tpu.memory_space<vmem_shared>>
      %dma_start3A_385 = arith.constant 0 : i32
      %dma_start3A_386 = arith.constant 0 : i32
      %dma_start3A_387 = tpu.memref_slice %arg9[%dma_start3A_385, %dma_start3A_386] : memref<128x128xf32, #tpu.memory_space<vmem>> -> memref<120x128xf32, #tpu.memory_space<vmem>>
      %dma_start3A_388 = arith.constant 0 : i32
      %dma_start3A_389 = tpu.memref_slice %arg11[%add3A_315, %dma_start3A_388] : memref<10112x128xf32, #tpu.memory_space<vmem_shared>> -> memref<120x128xf32, #tpu.memory_space<vmem_shared>>
      tpu.enqueue_dma source(%dma_start3A_389 : memref<120x128xf32, #tpu.memory_space<vmem_shared>>) target(%dma_start3A_387 : memref<120x128xf32, #tpu.memory_space<vmem>>) target_semaphore(%run_scoped3A : memref<!tpu.dma_semaphore, #tpu.memory_space<semaphore_mem>>)
      %dma_wait3A_390 = arith.constant 0 : i32
      %dma_wait3A_391 = arith.constant 0 : i32
      %dma_wait3A_392 = tpu.memref_slice %arg9[%dma_wait3A_390, %dma_wait3A_391] : memref<128x128xf32, #tpu.memory_space<vmem>> -> memref<120x128xf32, #tpu.memory_space<vmem>>
      %dma_wait3A_393 = arith.constant 0 : i32
      %dma_wait3A_394 = tpu.memref_slice %arg11[%add3A_315, %dma_wait3A_393] : memref<10112x128xf32, #tpu.memory_space<vmem_shared>> -> memref<120x128xf32, #tpu.memory_space<vmem_shared>>
      %dma_wait3A_395 = arith.constant 0 : i32
      %dma_wait3A_396 = arith.constant 0 : i32
      %dma_wait3A_397 = tpu.memref_slice %arg9[%dma_wait3A_395, %dma_wait3A_396] : memref<128x128xf32, #tpu.memory_space<vmem>> -> memref<120x128xf32, #tpu.memory_space<vmem>>
      %dma_wait3A_398 = arith.constant 0 : i32
      %dma_wait3A_399 = tpu.memref_slice %arg11[%add3A_315, %dma_wait3A_398] : memref<10112x128xf32, #tpu.memory_space<vmem_shared>> -> memref<120x128xf32, #tpu.memory_space<vmem_shared>>
      tpu.wait_dma2 semaphore(%run_scoped3A : memref<!tpu.dma_semaphore, #tpu.memory_space<semaphore_mem>>) src(%dma_wait3A_399 : memref<120x128xf32, #tpu.memory_space<vmem_shared>>) dst(%dma_wait3A_397 : memref<120x128xf32, #tpu.memory_space<vmem>>)
      tpu.yield
    }) : () -> ()
    %mul3A_333 = arith.constant 10112 : i32
    %mul3A_334 = arith.muli %arg0, %mul3A_333 : i32
    %add3A_335 = arith.addi %mul3A_334, %add3A_315 : i32
    %dma_start3A_336 = arith.constant 0 : i32
    %dma_start3A_337 = arith.constant 0 : i32
    %dma_start3A_338 = tpu.memref_slice %arg9[%dma_start3A_336, %dma_start3A_337] : memref<128x128xf32, #tpu.memory_space<vmem>> -> memref<120x128xf32, #tpu.memory_space<vmem>>
    %dma_start3A_339 = arith.constant 0 : i32
    %dma_start3A_340 = tpu.memref_slice %arg6[%add3A_335, %dma_start3A_339] : memref<20224x128xf32, #tpu.memory_space<hbm>> -> memref<120x128xf32, #tpu.memory_space<hbm>>
    %dma_start3A_341 = arith.constant 0 : i32
    %dma_start3A_342 = tpu.memref_slice %arg6[%add3A_335, %dma_start3A_341] : memref<20224x128xf32, #tpu.memory_space<hbm>> -> memref<120x128xf32, #tpu.memory_space<hbm>>
    %dma_start3A_343 = arith.constant 0 : i32
    %dma_start3A_344 = arith.constant 0 : i32
    %dma_start3A_345 = tpu.memref_slice %arg9[%dma_start3A_343, %dma_start3A_344] : memref<128x128xf32, #tpu.memory_space<vmem>> -> memref<120x128xf32, #tpu.memory_space<vmem>>
    tpu.enqueue_dma source(%dma_start3A_345 : memref<120x128xf32, #tpu.memory_space<vmem>>) target(%dma_start3A_342 : memref<120x128xf32, #tpu.memory_space<hbm>>) target_semaphore(%arg12 : memref<!tpu.dma_semaphore, #tpu.memory_space<semaphore_mem>>)
    %mul3A_346 = arith.constant 10112 : i32
    %mul3A_347 = arith.muli %arg0, %mul3A_346 : i32
    %mul3A_348 = arith.constant 632 : i32
    %mul3A_349 = arith.muli %arg1, %mul3A_348 : i32
    %add3A_350 = arith.addi %mul3A_347, %mul3A_349 : i32
    %add3A_351 = arith.constant 384 : i32
    %add3A_352 = arith.addi %add3A_350, %add3A_351 : i32
    %dma_wait3A_353 = arith.constant 0 : i32
    %dma_wait3A_354 = arith.constant 0 : i32
    %dma_wait3A_355 = tpu.memref_slice %arg10[%dma_wait3A_353, %dma_wait3A_354] : memref<128x128xf32, #tpu.memory_space<vmem>> -> memref<128x128xf32, #tpu.memory_space<vmem>>
    %dma_wait3A_356 = arith.constant 0 : i32
    %dma_wait3A_357 = tpu.memref_slice %arg6[%add3A_352, %dma_wait3A_356] : memref<20224x128xf32, #tpu.memory_space<hbm>> -> memref<128x128xf32, #tpu.memory_space<hbm>>
    %dma_wait3A_358 = arith.constant 0 : i32
    %dma_wait3A_359 = tpu.memref_slice %arg6[%add3A_352, %dma_wait3A_358] : memref<20224x128xf32, #tpu.memory_space<hbm>> -> memref<128x128xf32, #tpu.memory_space<hbm>>
    %dma_wait3A_360 = arith.constant 0 : i32
    %dma_wait3A_361 = arith.constant 0 : i32
    %dma_wait3A_362 = tpu.memref_slice %arg10[%dma_wait3A_360, %dma_wait3A_361] : memref<128x128xf32, #tpu.memory_space<vmem>> -> memref<128x128xf32, #tpu.memory_space<vmem>>
    tpu.wait_dma2 semaphore(%arg13 : memref<!tpu.dma_semaphore, #tpu.memory_space<semaphore_mem>>) src(%dma_wait3A_362 : memref<128x128xf32, #tpu.memory_space<vmem>>) dst(%dma_wait3A_359 : memref<128x128xf32, #tpu.memory_space<hbm>>)
    %mul3A_363 = arith.constant 10112 : i32
    %mul3A_364 = arith.muli %arg0, %mul3A_363 : i32
    %mul3A_365 = arith.constant 632 : i32
    %mul3A_366 = arith.muli %arg1, %mul3A_365 : i32
    %add3A_367 = arith.addi %mul3A_364, %mul3A_366 : i32
    %add3A_368 = arith.constant 512 : i32
    %add3A_369 = arith.addi %add3A_367, %add3A_368 : i32
    %dma_wait3A_370 = arith.constant 0 : i32
    %dma_wait3A_371 = arith.constant 0 : i32
    %dma_wait3A_372 = tpu.memref_slice %arg9[%dma_wait3A_370, %dma_wait3A_371] : memref<128x128xf32, #tpu.memory_space<vmem>> -> memref<120x128xf32, #tpu.memory_space<vmem>>
    %dma_wait3A_373 = arith.constant 0 : i32
    %dma_wait3A_374 = tpu.memref_slice %arg6[%add3A_369, %dma_wait3A_373] : memref<20224x128xf32, #tpu.memory_space<hbm>> -> memref<120x128xf32, #tpu.memory_space<hbm>>
    %dma_wait3A_375 = arith.constant 0 : i32
    %dma_wait3A_376 = tpu.memref_slice %arg6[%add3A_369, %dma_wait3A_375] : memref<20224x128xf32, #tpu.memory_space<hbm>> -> memref<120x128xf32, #tpu.memory_space<hbm>>
    %dma_wait3A_377 = arith.constant 0 : i32
    %dma_wait3A_378 = arith.constant 0 : i32
    %dma_wait3A_379 = tpu.memref_slice %arg9[%dma_wait3A_377, %dma_wait3A_378] : memref<128x128xf32, #tpu.memory_space<vmem>> -> memref<120x128xf32, #tpu.memory_space<vmem>>
    tpu.wait_dma2 semaphore(%arg12 : memref<!tpu.dma_semaphore, #tpu.memory_space<semaphore_mem>>) src(%dma_wait3A_379 : memref<120x128xf32, #tpu.memory_space<vmem>>) dst(%dma_wait3A_376 : memref<120x128xf32, #tpu.memory_space<hbm>>)
    return
  }
}

#map = affine_map<(d0, d1) -> (0, 0, 0)>
#map1 = affine_map<(d0, d1) -> (0)>
module attributes {stable_mosaic.version = 14 : i64} {
  func.func @_deg_sc(%arg0: i32, %arg1: i32, %arg2: memref<32x81x128xi32, #tpu.memory_space<hbm>>, %arg3: memref<10112xf32, #tpu.memory_space<hbm>>, %arg4: memref<20224xf32, #tpu.memory_space<hbm>>, %arg5: memref<81x128xi32, #tpu.memory_space<vmem>>, %arg6: memref<128xf32, #tpu.memory_space<vmem>>, %arg7: memref<632xf32, #tpu.memory_space<vmem>>, %arg8: memref<10112xf32, #tpu.memory_space<vmem_shared>>, %arg9: memref<!tpu.dma_semaphore, #tpu.memory_space<semaphore_mem>>) attributes {dimension_semantics = [#tpu.dimension_semantics<core_parallel>, #tpu.dimension_semantics<subcore_parallel>], iteration_bounds = array<i64: 2, 16>, scalar_prefetch = 0 : i64, scratch_operands = 5 : i64, tpu.core_type = #tpu.core_type<sc_vector_subcore>, window_params = [{transform_indices = #map}, {transform_indices = #map1}, {transform_indices = #map1}]} {
    %mul3A = arith.constant 16 : i32
    %mul3A_0 = arith.muli %arg0, %mul3A : i32
    %add3A = arith.addi %mul3A_0, %arg1 : i32
    %mul3A_1 = arith.constant 632 : i32
    %mul3A_2 = arith.muli %arg1, %mul3A_1 : i32
    "tpu.region"() ({
      %run_scoped3A = tpu.sem_alloc : memref<!tpu.dma_semaphore, #tpu.memory_space<semaphore_mem>>
      %dma_start3A = tpu.memref_slice %arg3[%mul3A_2] : memref<10112xf32, #tpu.memory_space<hbm>> -> memref<632xf32, #tpu.memory_space<hbm>>
      %dma_start3A_70 = tpu.memref_slice %arg3[%mul3A_2] : memref<10112xf32, #tpu.memory_space<hbm>> -> memref<632xf32, #tpu.memory_space<hbm>>
      tpu.enqueue_dma source(%dma_start3A_70 : memref<632xf32, #tpu.memory_space<hbm>>) target(%arg7 : memref<632xf32, #tpu.memory_space<vmem>>) target_semaphore(%run_scoped3A : memref<!tpu.dma_semaphore, #tpu.memory_space<semaphore_mem>>)
      %dma_wait3A = tpu.memref_slice %arg3[%mul3A_2] : memref<10112xf32, #tpu.memory_space<hbm>> -> memref<632xf32, #tpu.memory_space<hbm>>
      %dma_wait3A_71 = tpu.memref_slice %arg3[%mul3A_2] : memref<10112xf32, #tpu.memory_space<hbm>> -> memref<632xf32, #tpu.memory_space<hbm>>
      tpu.wait_dma2 semaphore(%run_scoped3A : memref<!tpu.dma_semaphore, #tpu.memory_space<semaphore_mem>>) src(%dma_wait3A_71 : memref<632xf32, #tpu.memory_space<hbm>>) dst(%arg7 : memref<632xf32, #tpu.memory_space<vmem>>)
      tpu.yield
    }) : () -> ()
    %mul3A_3 = arith.constant 632 : i32
    %mul3A_4 = arith.muli %arg1, %mul3A_3 : i32
    "tpu.region"() ({
      %run_scoped3A = tpu.sem_alloc : memref<!tpu.dma_semaphore, #tpu.memory_space<semaphore_mem>>
      %dma_start3A = tpu.memref_slice %arg8[%mul3A_4] : memref<10112xf32, #tpu.memory_space<vmem_shared>> -> memref<632xf32, #tpu.memory_space<vmem_shared>>
      %dma_start3A_70 = tpu.memref_slice %arg8[%mul3A_4] : memref<10112xf32, #tpu.memory_space<vmem_shared>> -> memref<632xf32, #tpu.memory_space<vmem_shared>>
      tpu.enqueue_dma source(%arg7 : memref<632xf32, #tpu.memory_space<vmem>>) target(%dma_start3A_70 : memref<632xf32, #tpu.memory_space<vmem_shared>>) target_semaphore(%run_scoped3A : memref<!tpu.dma_semaphore, #tpu.memory_space<semaphore_mem>>)
      %dma_wait3A = tpu.memref_slice %arg8[%mul3A_4] : memref<10112xf32, #tpu.memory_space<vmem_shared>> -> memref<632xf32, #tpu.memory_space<vmem_shared>>
      %dma_wait3A_71 = tpu.memref_slice %arg8[%mul3A_4] : memref<10112xf32, #tpu.memory_space<vmem_shared>> -> memref<632xf32, #tpu.memory_space<vmem_shared>>
      tpu.wait_dma2 semaphore(%run_scoped3A : memref<!tpu.dma_semaphore, #tpu.memory_space<semaphore_mem>>) src(%arg7 : memref<632xf32, #tpu.memory_space<vmem>>) dst(%dma_wait3A_71 : memref<632xf32, #tpu.memory_space<vmem_shared>>)
      tpu.yield
    }) : () -> ()
    "tpu.region"() ({
      %run_scoped3A = tpu.sem_alloc : memref<!tpu.dma_semaphore, #tpu.memory_space<semaphore_mem>>
      %dma_start3A = arith.constant 0 : i32
      %dma_start3A_70 = arith.constant 0 : i32
      %dma_start3A_71 = tpu.memref_slice %arg2[%add3A, %dma_start3A, %dma_start3A_70] : memref<32x81x128xi32, #tpu.memory_space<hbm>> -> memref<1x81x128xi32, #tpu.memory_space<hbm>>
      %dma_start3A_72 = tpu.memref_squeeze %dma_start3A_71 : memref<1x81x128xi32, #tpu.memory_space<hbm>> -> memref<81x128xi32, #tpu.memory_space<hbm>>
      %dma_start3A_73 = arith.constant 0 : i32
      %dma_start3A_74 = arith.constant 0 : i32
      %dma_start3A_75 = tpu.memref_slice %arg2[%add3A, %dma_start3A_73, %dma_start3A_74] : memref<32x81x128xi32, #tpu.memory_space<hbm>> -> memref<1x81x128xi32, #tpu.memory_space<hbm>>
      %dma_start3A_76 = tpu.memref_squeeze %dma_start3A_75 : memref<1x81x128xi32, #tpu.memory_space<hbm>> -> memref<81x128xi32, #tpu.memory_space<hbm>>
      tpu.enqueue_dma source(%dma_start3A_76 : memref<81x128xi32, #tpu.memory_space<hbm>>) target(%arg5 : memref<81x128xi32, #tpu.memory_space<vmem>>) target_semaphore(%run_scoped3A : memref<!tpu.dma_semaphore, #tpu.memory_space<semaphore_mem>>)
      %dma_wait3A = arith.constant 0 : i32
      %dma_wait3A_77 = arith.constant 0 : i32
      %dma_wait3A_78 = tpu.memref_slice %arg2[%add3A, %dma_wait3A, %dma_wait3A_77] : memref<32x81x128xi32, #tpu.memory_space<hbm>> -> memref<1x81x128xi32, #tpu.memory_space<hbm>>
      %dma_wait3A_79 = tpu.memref_squeeze %dma_wait3A_78 : memref<1x81x128xi32, #tpu.memory_space<hbm>> -> memref<81x128xi32, #tpu.memory_space<hbm>>
      %dma_wait3A_80 = arith.constant 0 : i32
      %dma_wait3A_81 = arith.constant 0 : i32
      %dma_wait3A_82 = tpu.memref_slice %arg2[%add3A, %dma_wait3A_80, %dma_wait3A_81] : memref<32x81x128xi32, #tpu.memory_space<hbm>> -> memref<1x81x128xi32, #tpu.memory_space<hbm>>
      %dma_wait3A_83 = tpu.memref_squeeze %dma_wait3A_82 : memref<1x81x128xi32, #tpu.memory_space<hbm>> -> memref<81x128xi32, #tpu.memory_space<hbm>>
      tpu.wait_dma2 semaphore(%run_scoped3A : memref<!tpu.dma_semaphore, #tpu.memory_space<semaphore_mem>>) src(%dma_wait3A_83 : memref<81x128xi32, #tpu.memory_space<hbm>>) dst(%arg5 : memref<81x128xi32, #tpu.memory_space<vmem>>)
      tpu.yield
    }) : () -> ()
    %broadcast_in_dim3A = arith.constant 1.000000e+00 : f32
    %broadcast_in_dim3A_5 = vector.broadcast %broadcast_in_dim3A : f32 to vector<16xf32>
    %swap3A = arith.constant 0 : index
    %swap3A_6 = tpu.vector_load %arg6[%swap3A] {strides = array<i32>} : memref<128xf32, #tpu.memory_space<vmem>>, vector<16xf32>,
    %swap3A_7 = vector.shape_cast %swap3A_6 : vector<16xf32> to vector<16xf32>
    %swap3A_8 = vector.shape_cast %broadcast_in_dim3A_5 : vector<16xf32> to vector<16xf32>
    tpu.vector_store %arg6[%swap3A], %swap3A_8 {strides = array<i32>} : memref<128xf32, #tpu.memory_space<vmem>>, vector<16xf32>,
    %broadcast_in_dim3A_9 = arith.constant 1.000000e+00 : f32
    %broadcast_in_dim3A_10 = vector.broadcast %broadcast_in_dim3A_9 : f32 to vector<16xf32>
    %swap3A_11 = arith.constant 16 : index
    %swap3A_12 = tpu.vector_load %arg6[%swap3A_11] {strides = array<i32>} : memref<128xf32, #tpu.memory_space<vmem>>, vector<16xf32>,
    %swap3A_13 = vector.shape_cast %swap3A_12 : vector<16xf32> to vector<16xf32>
    %swap3A_14 = vector.shape_cast %broadcast_in_dim3A_10 : vector<16xf32> to vector<16xf32>
    tpu.vector_store %arg6[%swap3A_11], %swap3A_14 {strides = array<i32>} : memref<128xf32, #tpu.memory_space<vmem>>, vector<16xf32>,
    %broadcast_in_dim3A_15 = arith.constant 1.000000e+00 : f32
    %broadcast_in_dim3A_16 = vector.broadcast %broadcast_in_dim3A_15 : f32 to vector<16xf32>
    %swap3A_17 = arith.constant 32 : index
    %swap3A_18 = tpu.vector_load %arg6[%swap3A_17] {strides = array<i32>} : memref<128xf32, #tpu.memory_space<vmem>>, vector<16xf32>,
    %swap3A_19 = vector.shape_cast %swap3A_18 : vector<16xf32> to vector<16xf32>
    %swap3A_20 = vector.shape_cast %broadcast_in_dim3A_16 : vector<16xf32> to vector<16xf32>
    tpu.vector_store %arg6[%swap3A_17], %swap3A_20 {strides = array<i32>} : memref<128xf32, #tpu.memory_space<vmem>>, vector<16xf32>,
    %broadcast_in_dim3A_21 = arith.constant 1.000000e+00 : f32
    %broadcast_in_dim3A_22 = vector.broadcast %broadcast_in_dim3A_21 : f32 to vector<16xf32>
    %swap3A_23 = arith.constant 48 : index
    %swap3A_24 = tpu.vector_load %arg6[%swap3A_23] {strides = array<i32>} : memref<128xf32, #tpu.memory_space<vmem>>, vector<16xf32>,
    %swap3A_25 = vector.shape_cast %swap3A_24 : vector<16xf32> to vector<16xf32>
    %swap3A_26 = vector.shape_cast %broadcast_in_dim3A_22 : vector<16xf32> to vector<16xf32>
    tpu.vector_store %arg6[%swap3A_23], %swap3A_26 {strides = array<i32>} : memref<128xf32, #tpu.memory_space<vmem>>, vector<16xf32>,
    %broadcast_in_dim3A_27 = arith.constant 1.000000e+00 : f32
    %broadcast_in_dim3A_28 = vector.broadcast %broadcast_in_dim3A_27 : f32 to vector<16xf32>
    %swap3A_29 = arith.constant 64 : index
    %swap3A_30 = tpu.vector_load %arg6[%swap3A_29] {strides = array<i32>} : memref<128xf32, #tpu.memory_space<vmem>>, vector<16xf32>,
    %swap3A_31 = vector.shape_cast %swap3A_30 : vector<16xf32> to vector<16xf32>
    %swap3A_32 = vector.shape_cast %broadcast_in_dim3A_28 : vector<16xf32> to vector<16xf32>
    tpu.vector_store %arg6[%swap3A_29], %swap3A_32 {strides = array<i32>} : memref<128xf32, #tpu.memory_space<vmem>>, vector<16xf32>,
    %broadcast_in_dim3A_33 = arith.constant 1.000000e+00 : f32
    %broadcast_in_dim3A_34 = vector.broadcast %broadcast_in_dim3A_33 : f32 to vector<16xf32>
    %swap3A_35 = arith.constant 80 : index
    %swap3A_36 = tpu.vector_load %arg6[%swap3A_35] {strides = array<i32>} : memref<128xf32, #tpu.memory_space<vmem>>, vector<16xf32>,
    %swap3A_37 = vector.shape_cast %swap3A_36 : vector<16xf32> to vector<16xf32>
    %swap3A_38 = vector.shape_cast %broadcast_in_dim3A_34 : vector<16xf32> to vector<16xf32>
    tpu.vector_store %arg6[%swap3A_35], %swap3A_38 {strides = array<i32>} : memref<128xf32, #tpu.memory_space<vmem>>, vector<16xf32>,
    %broadcast_in_dim3A_39 = arith.constant 1.000000e+00 : f32
    %broadcast_in_dim3A_40 = vector.broadcast %broadcast_in_dim3A_39 : f32 to vector<16xf32>
    %swap3A_41 = arith.constant 96 : index
    %swap3A_42 = tpu.vector_load %arg6[%swap3A_41] {strides = array<i32>} : memref<128xf32, #tpu.memory_space<vmem>>, vector<16xf32>,
    %swap3A_43 = vector.shape_cast %swap3A_42 : vector<16xf32> to vector<16xf32>
    %swap3A_44 = vector.shape_cast %broadcast_in_dim3A_40 : vector<16xf32> to vector<16xf32>
    tpu.vector_store %arg6[%swap3A_41], %swap3A_44 {strides = array<i32>} : memref<128xf32, #tpu.memory_space<vmem>>, vector<16xf32>,
    %broadcast_in_dim3A_45 = arith.constant 1.000000e+00 : f32
    %broadcast_in_dim3A_46 = vector.broadcast %broadcast_in_dim3A_45 : f32 to vector<16xf32>
    %swap3A_47 = arith.constant 112 : index
    %swap3A_48 = tpu.vector_load %arg6[%swap3A_47] {strides = array<i32>} : memref<128xf32, #tpu.memory_space<vmem>>, vector<16xf32>,
    %swap3A_49 = vector.shape_cast %swap3A_48 : vector<16xf32> to vector<16xf32>
    %swap3A_50 = vector.shape_cast %broadcast_in_dim3A_46 : vector<16xf32> to vector<16xf32>
    tpu.vector_store %arg6[%swap3A_47], %swap3A_50 {strides = array<i32>} : memref<128xf32, #tpu.memory_space<vmem>>, vector<16xf32>,
    %barrier3A = arith.constant 0 : index
    tpu.barrier barrier_id(%barrier3A)
    %scan3A = arith.constant 0 : i32
    %scan3A_51 = arith.constant 0 : i32
    %scan3A_52 = arith.constant 81 : i32
    %scan3A_53 = arith.addi %scan3A_51, %scan3A_52 : i32
    %scan3A_54 = arith.constant 1 : i32
    scf.for %scan3A_70 = %scan3A_51 to %scan3A_53 step %scan3A_54  : i32 {
      %dma_start3A = arith.constant 0 : i32
      %dma_start3A_71 = tpu.memref_slice %arg5[%scan3A_70, %dma_start3A] : memref<81x128xi32, #tpu.memory_space<vmem>> -> memref<1x128xi32, #tpu.memory_space<vmem>>
      %dma_start3A_72 = tpu.memref_squeeze %dma_start3A_71 : memref<1x128xi32, #tpu.memory_space<vmem>> -> memref<128xi32, #tpu.memory_space<vmem>>
      %dma_start3A_73 = arith.constant 0 : i32
      %dma_start3A_74 = tpu.memref_slice %arg8[%dma_start3A_73] : memref<10112xf32, #tpu.memory_space<vmem_shared>> -> memref<10112xf32, #tpu.memory_space<vmem_shared>>
      tpu.enqueue_indirect_dma source(%arg6 : memref<128xf32, #tpu.memory_space<vmem>>) target(%dma_start3A_74 : memref<10112xf32, #tpu.memory_space<vmem_shared>>) offsets(%dma_start3A_72 : memref<128xi32, #tpu.memory_space<vmem>>) semaphore(%arg9 : memref<!tpu.dma_semaphore, #tpu.memory_space<semaphore_mem>>) {add = true}
    }
    %scan3A_55 = arith.constant 81 : i32
    %scan3A_56 = arith.constant 0 : i32
    %scan3A_57 = arith.constant 0 : i32
    %scan3A_58 = arith.constant 81 : i32
    %scan3A_59 = arith.addi %scan3A_57, %scan3A_58 : i32
    %scan3A_60 = arith.constant 1 : i32
    scf.for %scan3A_70 = %scan3A_57 to %scan3A_59 step %scan3A_60  : i32 {
      %dma_wait3A = arith.constant 0 : i32
      %dma_wait3A_71 = tpu.memref_slice %arg5[%scan3A_70, %dma_wait3A] : memref<81x128xi32, #tpu.memory_space<vmem>> -> memref<1x128xi32, #tpu.memory_space<vmem>>
      %dma_wait3A_72 = tpu.memref_squeeze %dma_wait3A_71 : memref<1x128xi32, #tpu.memory_space<vmem>> -> memref<128xi32, #tpu.memory_space<vmem>>
      %dma_wait3A_73 = arith.constant 0 : i32
      %dma_wait3A_74 = tpu.memref_slice %arg8[%dma_wait3A_73] : memref<10112xf32, #tpu.memory_space<vmem_shared>> -> memref<10112xf32, #tpu.memory_space<vmem_shared>>
      tpu.wait_indirect_dma semaphore(%arg9 : memref<!tpu.dma_semaphore, #tpu.memory_space<semaphore_mem>>) src(%arg6 : memref<128xf32, #tpu.memory_space<vmem>>) dst(%dma_wait3A_74 : memref<10112xf32, #tpu.memory_space<vmem_shared>>)
    }
    %scan3A_61 = arith.constant 81 : i32
    %barrier3A_62 = arith.constant 0 : index
    tpu.barrier barrier_id(%barrier3A_62)
    %mul3A_63 = arith.constant 632 : i32
    %mul3A_64 = arith.muli %arg1, %mul3A_63 : i32
    "tpu.region"() ({
      %run_scoped3A = tpu.sem_alloc : memref<!tpu.dma_semaphore, #tpu.memory_space<semaphore_mem>>
      %dma_start3A = tpu.memref_slice %arg8[%mul3A_64] : memref<10112xf32, #tpu.memory_space<vmem_shared>> -> memref<632xf32, #tpu.memory_space<vmem_shared>>
      %dma_start3A_70 = tpu.memref_slice %arg8[%mul3A_64] : memref<10112xf32, #tpu.memory_space<vmem_shared>> -> memref<632xf32, #tpu.memory_space<vmem_shared>>
      tpu.enqueue_dma source(%dma_start3A_70 : memref<632xf32, #tpu.memory_space<vmem_shared>>) target(%arg7 : memref<632xf32, #tpu.memory_space<vmem>>) target_semaphore(%run_scoped3A : memref<!tpu.dma_semaphore, #tpu.memory_space<semaphore_mem>>)
      %dma_wait3A = tpu.memref_slice %arg8[%mul3A_64] : memref<10112xf32, #tpu.memory_space<vmem_shared>> -> memref<632xf32, #tpu.memory_space<vmem_shared>>
      %dma_wait3A_71 = tpu.memref_slice %arg8[%mul3A_64] : memref<10112xf32, #tpu.memory_space<vmem_shared>> -> memref<632xf32, #tpu.memory_space<vmem_shared>>
      tpu.wait_dma2 semaphore(%run_scoped3A : memref<!tpu.dma_semaphore, #tpu.memory_space<semaphore_mem>>) src(%dma_wait3A_71 : memref<632xf32, #tpu.memory_space<vmem_shared>>) dst(%arg7 : memref<632xf32, #tpu.memory_space<vmem>>)
      tpu.yield
    }) : () -> ()
    %mul3A_65 = arith.constant 10112 : i32
    %mul3A_66 = arith.muli %arg0, %mul3A_65 : i32
    %mul3A_67 = arith.constant 632 : i32
    %mul3A_68 = arith.muli %arg1, %mul3A_67 : i32
    %add3A_69 = arith.addi %mul3A_66, %mul3A_68 : i32
    "tpu.region"() ({
      %run_scoped3A = tpu.sem_alloc : memref<!tpu.dma_semaphore, #tpu.memory_space<semaphore_mem>>
      %dma_start3A = tpu.memref_slice %arg4[%add3A_69] : memref<20224xf32, #tpu.memory_space<hbm>> -> memref<632xf32, #tpu.memory_space<hbm>>
      %dma_start3A_70 = tpu.memref_slice %arg4[%add3A_69] : memref<20224xf32, #tpu.memory_space<hbm>> -> memref<632xf32, #tpu.memory_space<hbm>>
      tpu.enqueue_dma source(%arg7 : memref<632xf32, #tpu.memory_space<vmem>>) target(%dma_start3A_70 : memref<632xf32, #tpu.memory_space<hbm>>) target_semaphore(%run_scoped3A : memref<!tpu.dma_semaphore, #tpu.memory_space<semaphore_mem>>)
      %dma_wait3A = tpu.memref_slice %arg4[%add3A_69] : memref<20224xf32, #tpu.memory_space<hbm>> -> memref<632xf32, #tpu.memory_space<hbm>>
      %dma_wait3A_71 = tpu.memref_slice %arg4[%add3A_69] : memref<20224xf32, #tpu.memory_space<hbm>> -> memref<632xf32, #tpu.memory_space<hbm>>
      tpu.wait_dma2 semaphore(%run_scoped3A : memref<!tpu.dma_semaphore, #tpu.memory_space<semaphore_mem>>) src(%arg7 : memref<632xf32, #tpu.memory_space<vmem>>) dst(%dma_wait3A_71 : memref<632xf32, #tpu.memory_space<hbm>>)
      tpu.yield
    }) : () -> ()
    return
  }
}

#map = affine_map<(d0, d1) -> (0, 0)>
#map1 = affine_map<(d0, d1) -> (0, 0, 0)>
module attributes {stable_mosaic.version = 14 : i64} {
  func.func @_agg_sc(%arg0: i32, %arg1: i32, %arg2: memref<10112x128xf32, #tpu.memory_space<hbm>>, %arg3: memref<32x81x128xi32, #tpu.memory_space<hbm>>, %arg4: memref<32x81x128xi32, #tpu.memory_space<hbm>>, %arg5: memref<10112x128xf32, #tpu.memory_space<hbm>>, %arg6: memref<20224x128xf32, #tpu.memory_space<hbm>>, %arg7: memref<41x128xi32, #tpu.memory_space<vmem>>, %arg8: memref<41x128xi32, #tpu.memory_space<vmem>>, %arg9: memref<128x128xf32, #tpu.memory_space<vmem>>, %arg10: memref<128x128xf32, #tpu.memory_space<vmem>>, %arg11: memref<10112x128xf32, #tpu.memory_space<vmem_shared>>, %arg12: memref<!tpu.dma_semaphore, #tpu.memory_space<semaphore_mem>>, %arg13: memref<!tpu.dma_semaphore, #tpu.memory_space<semaphore_mem>>, %arg14: memref<!tpu.dma_semaphore, #tpu.memory_space<semaphore_mem>>, %arg15: memref<!tpu.dma_semaphore, #tpu.memory_space<semaphore_mem>>) attributes {dimension_semantics = [#tpu.dimension_semantics<core_parallel>, #tpu.dimension_semantics<subcore_parallel>], iteration_bounds = array<i64: 2, 16>, scalar_prefetch = 0 : i64, scratch_operands = 9 : i64, tpu.core_type = #tpu.core_type<sc_vector_subcore>, window_params = [{transform_indices = #map}, {transform_indices = #map1}, {transform_indices = #map1}, {transform_indices = #map}, {transform_indices = #map}]} {
    %mul3A = arith.constant 16 : i32
    %mul3A_0 = arith.muli %arg0, %mul3A : i32
    %add3A = arith.addi %mul3A_0, %arg1 : i32
    %mul3A_1 = arith.constant 632 : i32
    %mul3A_2 = arith.muli %arg1, %mul3A_1 : i32
    "tpu.region"() ({
      %run_scoped3A = tpu.sem_alloc : memref<!tpu.dma_semaphore, #tpu.memory_space<semaphore_mem>>
      %dma_start3A_380 = arith.constant 0 : i32
      %dma_start3A_381 = tpu.memref_slice %arg5[%mul3A_2, %dma_start3A_380] : memref<10112x128xf32, #tpu.memory_space<hbm>> -> memref<128x128xf32, #tpu.memory_space<hbm>>
      %dma_start3A_382 = arith.constant 0 : i32
      %dma_start3A_383 = tpu.memref_slice %arg5[%mul3A_2, %dma_start3A_382] : memref<10112x128xf32, #tpu.memory_space<hbm>> -> memref<128x128xf32, #tpu.memory_space<hbm>>
      tpu.enqueue_dma source(%dma_start3A_383 : memref<128x128xf32, #tpu.memory_space<hbm>>) target(%arg9 : memref<128x128xf32, #tpu.memory_space<vmem>>) target_semaphore(%run_scoped3A : memref<!tpu.dma_semaphore, #tpu.memory_space<semaphore_mem>>)
      %dma_wait3A_384 = arith.constant 0 : i32
      %dma_wait3A_385 = tpu.memref_slice %arg5[%mul3A_2, %dma_wait3A_384] : memref<10112x128xf32, #tpu.memory_space<hbm>> -> memref<128x128xf32, #tpu.memory_space<hbm>>
      %dma_wait3A_386 = arith.constant 0 : i32
      %dma_wait3A_387 = tpu.memref_slice %arg5[%mul3A_2, %dma_wait3A_386] : memref<10112x128xf32, #tpu.memory_space<hbm>> -> memref<128x128xf32, #tpu.memory_space<hbm>>
      tpu.wait_dma2 semaphore(%run_scoped3A : memref<!tpu.dma_semaphore, #tpu.memory_space<semaphore_mem>>) src(%dma_wait3A_387 : memref<128x128xf32, #tpu.memory_space<hbm>>) dst(%arg9 : memref<128x128xf32, #tpu.memory_space<vmem>>)
      tpu.yield
    }) : () -> ()
    %mul3A_3 = arith.constant 632 : i32
    %mul3A_4 = arith.muli %arg1, %mul3A_3 : i32
    %add3A_5 = arith.constant 0 : i32
    %add3A_6 = arith.addi %mul3A_4, %add3A_5 : i32
    %dma_start3A = arith.constant 0 : i32
    %dma_start3A_7 = tpu.memref_slice %arg11[%add3A_6, %dma_start3A] : memref<10112x128xf32, #tpu.memory_space<vmem_shared>> -> memref<128x128xf32, #tpu.memory_space<vmem_shared>>
    %dma_start3A_8 = arith.constant 0 : i32
    %dma_start3A_9 = tpu.memref_slice %arg11[%add3A_6, %dma_start3A_8] : memref<10112x128xf32, #tpu.memory_space<vmem_shared>> -> memref<128x128xf32, #tpu.memory_space<vmem_shared>>
    tpu.enqueue_dma source(%arg9 : memref<128x128xf32, #tpu.memory_space<vmem>>) target(%dma_start3A_9 : memref<128x128xf32, #tpu.memory_space<vmem_shared>>) target_semaphore(%arg12 : memref<!tpu.dma_semaphore, #tpu.memory_space<semaphore_mem>>)
    %mul3A_10 = arith.constant 632 : i32
    %mul3A_11 = arith.muli %arg1, %mul3A_10 : i32
    %add3A_12 = arith.constant 128 : i32
    %add3A_13 = arith.addi %mul3A_11, %add3A_12 : i32
    %dma_start3A_14 = arith.constant 0 : i32
    %dma_start3A_15 = tpu.memref_slice %arg11[%add3A_13, %dma_start3A_14] : memref<10112x128xf32, #tpu.memory_space<vmem_shared>> -> memref<128x128xf32, #tpu.memory_space<vmem_shared>>
    %dma_start3A_16 = arith.constant 0 : i32
    %dma_start3A_17 = tpu.memref_slice %arg11[%add3A_13, %dma_start3A_16] : memref<10112x128xf32, #tpu.memory_space<vmem_shared>> -> memref<128x128xf32, #tpu.memory_space<vmem_shared>>
    tpu.enqueue_dma source(%arg9 : memref<128x128xf32, #tpu.memory_space<vmem>>) target(%dma_start3A_17 : memref<128x128xf32, #tpu.memory_space<vmem_shared>>) target_semaphore(%arg12 : memref<!tpu.dma_semaphore, #tpu.memory_space<semaphore_mem>>)
    %mul3A_18 = arith.constant 632 : i32
    %mul3A_19 = arith.muli %arg1, %mul3A_18 : i32
    %add3A_20 = arith.constant 256 : i32
    %add3A_21 = arith.addi %mul3A_19, %add3A_20 : i32
    %dma_start3A_22 = arith.constant 0 : i32
    %dma_start3A_23 = tpu.memref_slice %arg11[%add3A_21, %dma_start3A_22] : memref<10112x128xf32, #tpu.memory_space<vmem_shared>> -> memref<128x128xf32, #tpu.memory_space<vmem_shared>>
    %dma_start3A_24 = arith.constant 0 : i32
    %dma_start3A_25 = tpu.memref_slice %arg11[%add3A_21, %dma_start3A_24] : memref<10112x128xf32, #tpu.memory_space<vmem_shared>> -> memref<128x128xf32, #tpu.memory_space<vmem_shared>>
    tpu.enqueue_dma source(%arg9 : memref<128x128xf32, #tpu.memory_space<vmem>>) target(%dma_start3A_25 : memref<128x128xf32, #tpu.memory_space<vmem_shared>>) target_semaphore(%arg12 : memref<!tpu.dma_semaphore, #tpu.memory_space<semaphore_mem>>)
    %mul3A_26 = arith.constant 632 : i32
    %mul3A_27 = arith.muli %arg1, %mul3A_26 : i32
    %add3A_28 = arith.constant 384 : i32
    %add3A_29 = arith.addi %mul3A_27, %add3A_28 : i32
    %dma_start3A_30 = arith.constant 0 : i32
    %dma_start3A_31 = tpu.memref_slice %arg11[%add3A_29, %dma_start3A_30] : memref<10112x128xf32, #tpu.memory_space<vmem_shared>> -> memref<128x128xf32, #tpu.memory_space<vmem_shared>>
    %dma_start3A_32 = arith.constant 0 : i32
    %dma_start3A_33 = tpu.memref_slice %arg11[%add3A_29, %dma_start3A_32] : memref<10112x128xf32, #tpu.memory_space<vmem_shared>> -> memref<128x128xf32, #tpu.memory_space<vmem_shared>>
    tpu.enqueue_dma source(%arg9 : memref<128x128xf32, #tpu.memory_space<vmem>>) target(%dma_start3A_33 : memref<128x128xf32, #tpu.memory_space<vmem_shared>>) target_semaphore(%arg12 : memref<!tpu.dma_semaphore, #tpu.memory_space<semaphore_mem>>)
    %mul3A_34 = arith.constant 632 : i32
    %mul3A_35 = arith.muli %arg1, %mul3A_34 : i32
    %add3A_36 = arith.constant 512 : i32
    %add3A_37 = arith.addi %mul3A_35, %add3A_36 : i32
    %dma_start3A_38 = arith.constant 0 : i32
    %dma_start3A_39 = arith.constant 0 : i32
    %dma_start3A_40 = tpu.memref_slice %arg9[%dma_start3A_38, %dma_start3A_39] : memref<128x128xf32, #tpu.memory_space<vmem>> -> memref<120x128xf32, #tpu.memory_space<vmem>>
    %dma_start3A_41 = arith.constant 0 : i32
    %dma_start3A_42 = tpu.memref_slice %arg11[%add3A_37, %dma_start3A_41] : memref<10112x128xf32, #tpu.memory_space<vmem_shared>> -> memref<120x128xf32, #tpu.memory_space<vmem_shared>>
    %dma_start3A_43 = arith.constant 0 : i32
    %dma_start3A_44 = tpu.memref_slice %arg11[%add3A_37, %dma_start3A_43] : memref<10112x128xf32, #tpu.memory_space<vmem_shared>> -> memref<120x128xf32, #tpu.memory_space<vmem_shared>>
    %dma_start3A_45 = arith.constant 0 : i32
    %dma_start3A_46 = arith.constant 0 : i32
    %dma_start3A_47 = tpu.memref_slice %arg9[%dma_start3A_45, %dma_start3A_46] : memref<128x128xf32, #tpu.memory_space<vmem>> -> memref<120x128xf32, #tpu.memory_space<vmem>>
    tpu.enqueue_dma source(%dma_start3A_47 : memref<120x128xf32, #tpu.memory_space<vmem>>) target(%dma_start3A_44 : memref<120x128xf32, #tpu.memory_space<vmem_shared>>) target_semaphore(%arg12 : memref<!tpu.dma_semaphore, #tpu.memory_space<semaphore_mem>>)
    %dma_start3A_48 = arith.constant 0 : i32
    %dma_start3A_49 = arith.constant 0 : i32
    %dma_start3A_50 = tpu.memref_slice %arg7[%dma_start3A_48, %dma_start3A_49] : memref<41x128xi32, #tpu.memory_space<vmem>> -> memref<40x128xi32, #tpu.memory_space<vmem>>
    %dma_start3A_51 = arith.constant 0 : i32
    %dma_start3A_52 = arith.constant 0 : i32
    %dma_start3A_53 = tpu.memref_slice %arg3[%add3A, %dma_start3A_51, %dma_start3A_52] : memref<32x81x128xi32, #tpu.memory_space<hbm>> -> memref<1x40x128xi32, #tpu.memory_space<hbm>>
    %dma_start3A_54 = tpu.memref_squeeze %dma_start3A_53 : memref<1x40x128xi32, #tpu.memory_space<hbm>> -> memref<40x128xi32, #tpu.memory_space<hbm>>
    %dma_start3A_55 = arith.constant 0 : i32
    %dma_start3A_56 = arith.constant 0 : i32
    %dma_start3A_57 = tpu.memref_slice %arg7[%dma_start3A_55, %dma_start3A_56] : memref<41x128xi32, #tpu.memory_space<vmem>> -> memref<40x128xi32, #tpu.memory_space<vmem>>
    %dma_start3A_58 = arith.constant 0 : i32
    %dma_start3A_59 = arith.constant 0 : i32
    %dma_start3A_60 = tpu.memref_slice %arg3[%add3A, %dma_start3A_58, %dma_start3A_59] : memref<32x81x128xi32, #tpu.memory_space<hbm>> -> memref<1x40x128xi32, #tpu.memory_space<hbm>>
    %dma_start3A_61 = tpu.memref_squeeze %dma_start3A_60 : memref<1x40x128xi32, #tpu.memory_space<hbm>> -> memref<40x128xi32, #tpu.memory_space<hbm>>
    tpu.enqueue_dma source(%dma_start3A_61 : memref<40x128xi32, #tpu.memory_space<hbm>>) target(%dma_start3A_57 : memref<40x128xi32, #tpu.memory_space<vmem>>) target_semaphore(%arg13 : memref<!tpu.dma_semaphore, #tpu.memory_space<semaphore_mem>>)
    %dma_start3A_62 = arith.constant 0 : i32
    %dma_start3A_63 = arith.constant 0 : i32
    %dma_start3A_64 = tpu.memref_slice %arg8[%dma_start3A_62, %dma_start3A_63] : memref<41x128xi32, #tpu.memory_space<vmem>> -> memref<40x128xi32, #tpu.memory_space<vmem>>
    %dma_start3A_65 = arith.constant 0 : i32
    %dma_start3A_66 = arith.constant 0 : i32
    %dma_start3A_67 = tpu.memref_slice %arg4[%add3A, %dma_start3A_65, %dma_start3A_66] : memref<32x81x128xi32, #tpu.memory_space<hbm>> -> memref<1x40x128xi32, #tpu.memory_space<hbm>>
    %dma_start3A_68 = tpu.memref_squeeze %dma_start3A_67 : memref<1x40x128xi32, #tpu.memory_space<hbm>> -> memref<40x128xi32, #tpu.memory_space<hbm>>
    %dma_start3A_69 = arith.constant 0 : i32
    %dma_start3A_70 = arith.constant 0 : i32
    %dma_start3A_71 = tpu.memref_slice %arg8[%dma_start3A_69, %dma_start3A_70] : memref<41x128xi32, #tpu.memory_space<vmem>> -> memref<40x128xi32, #tpu.memory_space<vmem>>
    %dma_start3A_72 = arith.constant 0 : i32
    %dma_start3A_73 = arith.constant 0 : i32
    %dma_start3A_74 = tpu.memref_slice %arg4[%add3A, %dma_start3A_72, %dma_start3A_73] : memref<32x81x128xi32, #tpu.memory_space<hbm>> -> memref<1x40x128xi32, #tpu.memory_space<hbm>>
    %dma_start3A_75 = tpu.memref_squeeze %dma_start3A_74 : memref<1x40x128xi32, #tpu.memory_space<hbm>> -> memref<40x128xi32, #tpu.memory_space<hbm>>
    tpu.enqueue_dma source(%dma_start3A_75 : memref<40x128xi32, #tpu.memory_space<hbm>>) target(%dma_start3A_71 : memref<40x128xi32, #tpu.memory_space<vmem>>) target_semaphore(%arg13 : memref<!tpu.dma_semaphore, #tpu.memory_space<semaphore_mem>>)
    %mul3A_76 = arith.constant 632 : i32
    %mul3A_77 = arith.muli %arg1, %mul3A_76 : i32
    %add3A_78 = arith.constant 0 : i32
    %add3A_79 = arith.addi %mul3A_77, %add3A_78 : i32
    %dma_wait3A = arith.constant 0 : i32
    %dma_wait3A_80 = tpu.memref_slice %arg11[%add3A_79, %dma_wait3A] : memref<10112x128xf32, #tpu.memory_space<vmem_shared>> -> memref<128x128xf32, #tpu.memory_space<vmem_shared>>
    %dma_wait3A_81 = arith.constant 0 : i32
    %dma_wait3A_82 = tpu.memref_slice %arg11[%add3A_79, %dma_wait3A_81] : memref<10112x128xf32, #tpu.memory_space<vmem_shared>> -> memref<128x128xf32, #tpu.memory_space<vmem_shared>>
    tpu.wait_dma2 semaphore(%arg12 : memref<!tpu.dma_semaphore, #tpu.memory_space<semaphore_mem>>) src(%arg9 : memref<128x128xf32, #tpu.memory_space<vmem>>) dst(%dma_wait3A_82 : memref<128x128xf32, #tpu.memory_space<vmem_shared>>)
    %mul3A_83 = arith.constant 632 : i32
    %mul3A_84 = arith.muli %arg1, %mul3A_83 : i32
    %add3A_85 = arith.constant 128 : i32
    %add3A_86 = arith.addi %mul3A_84, %add3A_85 : i32
    %dma_wait3A_87 = arith.constant 0 : i32
    %dma_wait3A_88 = tpu.memref_slice %arg11[%add3A_86, %dma_wait3A_87] : memref<10112x128xf32, #tpu.memory_space<vmem_shared>> -> memref<128x128xf32, #tpu.memory_space<vmem_shared>>
    %dma_wait3A_89 = arith.constant 0 : i32
    %dma_wait3A_90 = tpu.memref_slice %arg11[%add3A_86, %dma_wait3A_89] : memref<10112x128xf32, #tpu.memory_space<vmem_shared>> -> memref<128x128xf32, #tpu.memory_space<vmem_shared>>
    tpu.wait_dma2 semaphore(%arg12 : memref<!tpu.dma_semaphore, #tpu.memory_space<semaphore_mem>>) src(%arg9 : memref<128x128xf32, #tpu.memory_space<vmem>>) dst(%dma_wait3A_90 : memref<128x128xf32, #tpu.memory_space<vmem_shared>>)
    %mul3A_91 = arith.constant 632 : i32
    %mul3A_92 = arith.muli %arg1, %mul3A_91 : i32
    %add3A_93 = arith.constant 256 : i32
    %add3A_94 = arith.addi %mul3A_92, %add3A_93 : i32
    %dma_wait3A_95 = arith.constant 0 : i32
    %dma_wait3A_96 = tpu.memref_slice %arg11[%add3A_94, %dma_wait3A_95] : memref<10112x128xf32, #tpu.memory_space<vmem_shared>> -> memref<128x128xf32, #tpu.memory_space<vmem_shared>>
    %dma_wait3A_97 = arith.constant 0 : i32
    %dma_wait3A_98 = tpu.memref_slice %arg11[%add3A_94, %dma_wait3A_97] : memref<10112x128xf32, #tpu.memory_space<vmem_shared>> -> memref<128x128xf32, #tpu.memory_space<vmem_shared>>
    tpu.wait_dma2 semaphore(%arg12 : memref<!tpu.dma_semaphore, #tpu.memory_space<semaphore_mem>>) src(%arg9 : memref<128x128xf32, #tpu.memory_space<vmem>>) dst(%dma_wait3A_98 : memref<128x128xf32, #tpu.memory_space<vmem_shared>>)
    %mul3A_99 = arith.constant 632 : i32
    %mul3A_100 = arith.muli %arg1, %mul3A_99 : i32
    %add3A_101 = arith.constant 384 : i32
    %add3A_102 = arith.addi %mul3A_100, %add3A_101 : i32
    %dma_wait3A_103 = arith.constant 0 : i32
    %dma_wait3A_104 = tpu.memref_slice %arg11[%add3A_102, %dma_wait3A_103] : memref<10112x128xf32, #tpu.memory_space<vmem_shared>> -> memref<128x128xf32, #tpu.memory_space<vmem_shared>>
    %dma_wait3A_105 = arith.constant 0 : i32
    %dma_wait3A_106 = tpu.memref_slice %arg11[%add3A_102, %dma_wait3A_105] : memref<10112x128xf32, #tpu.memory_space<vmem_shared>> -> memref<128x128xf32, #tpu.memory_space<vmem_shared>>
    tpu.wait_dma2 semaphore(%arg12 : memref<!tpu.dma_semaphore, #tpu.memory_space<semaphore_mem>>) src(%arg9 : memref<128x128xf32, #tpu.memory_space<vmem>>) dst(%dma_wait3A_106 : memref<128x128xf32, #tpu.memory_space<vmem_shared>>)
    %mul3A_107 = arith.constant 632 : i32
    %mul3A_108 = arith.muli %arg1, %mul3A_107 : i32
    %add3A_109 = arith.constant 512 : i32
    %add3A_110 = arith.addi %mul3A_108, %add3A_109 : i32
    %dma_wait3A_111 = arith.constant 0 : i32
    %dma_wait3A_112 = arith.constant 0 : i32
    %dma_wait3A_113 = tpu.memref_slice %arg9[%dma_wait3A_111, %dma_wait3A_112] : memref<128x128xf32, #tpu.memory_space<vmem>> -> memref<120x128xf32, #tpu.memory_space<vmem>>
    %dma_wait3A_114 = arith.constant 0 : i32
    %dma_wait3A_115 = tpu.memref_slice %arg11[%add3A_110, %dma_wait3A_114] : memref<10112x128xf32, #tpu.memory_space<vmem_shared>> -> memref<120x128xf32, #tpu.memory_space<vmem_shared>>
    %dma_wait3A_116 = arith.constant 0 : i32
    %dma_wait3A_117 = tpu.memref_slice %arg11[%add3A_110, %dma_wait3A_116] : memref<10112x128xf32, #tpu.memory_space<vmem_shared>> -> memref<120x128xf32, #tpu.memory_space<vmem_shared>>
    %dma_wait3A_118 = arith.constant 0 : i32
    %dma_wait3A_119 = arith.constant 0 : i32
    %dma_wait3A_120 = tpu.memref_slice %arg9[%dma_wait3A_118, %dma_wait3A_119] : memref<128x128xf32, #tpu.memory_space<vmem>> -> memref<120x128xf32, #tpu.memory_space<vmem>>
    tpu.wait_dma2 semaphore(%arg12 : memref<!tpu.dma_semaphore, #tpu.memory_space<semaphore_mem>>) src(%dma_wait3A_120 : memref<120x128xf32, #tpu.memory_space<vmem>>) dst(%dma_wait3A_117 : memref<120x128xf32, #tpu.memory_space<vmem_shared>>)
    %dma_wait3A_121 = arith.constant 0 : i32
    %dma_wait3A_122 = arith.constant 0 : i32
    %dma_wait3A_123 = tpu.memref_slice %arg7[%dma_wait3A_121, %dma_wait3A_122] : memref<41x128xi32, #tpu.memory_space<vmem>> -> memref<40x128xi32, #tpu.memory_space<vmem>>
    %dma_wait3A_124 = arith.constant 0 : i32
    %dma_wait3A_125 = arith.constant 0 : i32
    %dma_wait3A_126 = tpu.memref_slice %arg3[%add3A, %dma_wait3A_124, %dma_wait3A_125] : memref<32x81x128xi32, #tpu.memory_space<hbm>> -> memref<1x40x128xi32, #tpu.memory_space<hbm>>
    %dma_wait3A_127 = tpu.memref_squeeze %dma_wait3A_126 : memref<1x40x128xi32, #tpu.memory_space<hbm>> -> memref<40x128xi32, #tpu.memory_space<hbm>>
    %dma_wait3A_128 = arith.constant 0 : i32
    %dma_wait3A_129 = arith.constant 0 : i32
    %dma_wait3A_130 = tpu.memref_slice %arg7[%dma_wait3A_128, %dma_wait3A_129] : memref<41x128xi32, #tpu.memory_space<vmem>> -> memref<40x128xi32, #tpu.memory_space<vmem>>
    %dma_wait3A_131 = arith.constant 0 : i32
    %dma_wait3A_132 = arith.constant 0 : i32
    %dma_wait3A_133 = tpu.memref_slice %arg3[%add3A, %dma_wait3A_131, %dma_wait3A_132] : memref<32x81x128xi32, #tpu.memory_space<hbm>> -> memref<1x40x128xi32, #tpu.memory_space<hbm>>
    %dma_wait3A_134 = tpu.memref_squeeze %dma_wait3A_133 : memref<1x40x128xi32, #tpu.memory_space<hbm>> -> memref<40x128xi32, #tpu.memory_space<hbm>>
    tpu.wait_dma2 semaphore(%arg13 : memref<!tpu.dma_semaphore, #tpu.memory_space<semaphore_mem>>) src(%dma_wait3A_134 : memref<40x128xi32, #tpu.memory_space<hbm>>) dst(%dma_wait3A_130 : memref<40x128xi32, #tpu.memory_space<vmem>>)
    %dma_wait3A_135 = arith.constant 0 : i32
    %dma_wait3A_136 = arith.constant 0 : i32
    %dma_wait3A_137 = tpu.memref_slice %arg8[%dma_wait3A_135, %dma_wait3A_136] : memref<41x128xi32, #tpu.memory_space<vmem>> -> memref<40x128xi32, #tpu.memory_space<vmem>>
    %dma_wait3A_138 = arith.constant 0 : i32
    %dma_wait3A_139 = arith.constant 0 : i32
    %dma_wait3A_140 = tpu.memref_slice %arg4[%add3A, %dma_wait3A_138, %dma_wait3A_139] : memref<32x81x128xi32, #tpu.memory_space<hbm>> -> memref<1x40x128xi32, #tpu.memory_space<hbm>>
    %dma_wait3A_141 = tpu.memref_squeeze %dma_wait3A_140 : memref<1x40x128xi32, #tpu.memory_space<hbm>> -> memref<40x128xi32, #tpu.memory_space<hbm>>
    %dma_wait3A_142 = arith.constant 0 : i32
    %dma_wait3A_143 = arith.constant 0 : i32
    %dma_wait3A_144 = tpu.memref_slice %arg8[%dma_wait3A_142, %dma_wait3A_143] : memref<41x128xi32, #tpu.memory_space<vmem>> -> memref<40x128xi32, #tpu.memory_space<vmem>>
    %dma_wait3A_145 = arith.constant 0 : i32
    %dma_wait3A_146 = arith.constant 0 : i32
    %dma_wait3A_147 = tpu.memref_slice %arg4[%add3A, %dma_wait3A_145, %dma_wait3A_146] : memref<32x81x128xi32, #tpu.memory_space<hbm>> -> memref<1x40x128xi32, #tpu.memory_space<hbm>>
    %dma_wait3A_148 = tpu.memref_squeeze %dma_wait3A_147 : memref<1x40x128xi32, #tpu.memory_space<hbm>> -> memref<40x128xi32, #tpu.memory_space<hbm>>
    tpu.wait_dma2 semaphore(%arg13 : memref<!tpu.dma_semaphore, #tpu.memory_space<semaphore_mem>>) src(%dma_wait3A_148 : memref<40x128xi32, #tpu.memory_space<hbm>>) dst(%dma_wait3A_144 : memref<40x128xi32, #tpu.memory_space<vmem>>)
    %barrier3A = arith.constant 0 : index
    tpu.barrier barrier_id(%barrier3A)
    %dma_start3A_149 = arith.constant 0 : i32
    %dma_start3A_150 = arith.constant 0 : i32
    %dma_start3A_151 = tpu.memref_slice %arg7[%dma_start3A_149, %dma_start3A_150] : memref<41x128xi32, #tpu.memory_space<vmem>> -> memref<1x128xi32, #tpu.memory_space<vmem>>
    %dma_start3A_152 = tpu.memref_squeeze %dma_start3A_151 : memref<1x128xi32, #tpu.memory_space<vmem>> -> memref<128xi32, #tpu.memory_space<vmem>>
    %dma_start3A_153 = arith.constant 0 : i32
    %dma_start3A_154 = arith.constant 0 : i32
    %dma_start3A_155 = tpu.memref_slice %arg2[%dma_start3A_153, %dma_start3A_154] : memref<10112x128xf32, #tpu.memory_space<hbm>> -> memref<10112x128xf32, #tpu.memory_space<hbm>>
    tpu.enqueue_indirect_dma source(%dma_start3A_155 : memref<10112x128xf32, #tpu.memory_space<hbm>>) target(%arg9 : memref<128x128xf32, #tpu.memory_space<vmem>>) offsets(%dma_start3A_152 : memref<128xi32, #tpu.memory_space<vmem>>) semaphore(%arg12 : memref<!tpu.dma_semaphore, #tpu.memory_space<semaphore_mem>>)
    %scan3A = arith.constant 0 : i32
    %scan3A_156 = arith.constant 0 : i32
    %scan3A_157 = arith.constant 20 : i32
    %scan3A_158 = arith.addi %scan3A_156, %scan3A_157 : i32
    %scan3A_159 = arith.constant 1 : i32
    scf.for %scan3A_380 = %scan3A_156 to %scan3A_158 step %scan3A_159  : i32 {
      %mul3A_381 = arith.constant 2 : i32
      %mul3A_382 = arith.muli %mul3A_381, %scan3A_380 : i32
      %gt3A = arith.constant 0 : i32
      %gt3A_383 = arith.cmpi sgt, %scan3A_380, %gt3A : i32
      %convert_element_type3A = arith.extui %gt3A_383 : i1 to i32
      %cond3A = arith.constant 0 : i32
      %cond3A_384 = arith.cmpi ne, %convert_element_type3A, %cond3A : i32
      scf.if %cond3A_384 {
        %sub3A = arith.constant 1 : i32
        %sub3A_433 = arith.subi %mul3A_382, %sub3A : i32
        %dma_wait3A_434 = arith.constant 0 : i32
        %dma_wait3A_435 = tpu.memref_slice %arg8[%sub3A_433, %dma_wait3A_434] : memref<41x128xi32, #tpu.memory_space<vmem>> -> memref<1x128xi32, #tpu.memory_space<vmem>>
        %dma_wait3A_436 = tpu.memref_squeeze %dma_wait3A_435 : memref<1x128xi32, #tpu.memory_space<vmem>> -> memref<128xi32, #tpu.memory_space<vmem>>
        %dma_wait3A_437 = arith.constant 0 : i32
        %dma_wait3A_438 = arith.constant 0 : i32
        %dma_wait3A_439 = tpu.memref_slice %arg11[%dma_wait3A_437, %dma_wait3A_438] : memref<10112x128xf32, #tpu.memory_space<vmem_shared>> -> memref<10112x128xf32, #tpu.memory_space<vmem_shared>>
        tpu.wait_indirect_dma semaphore(%arg15 : memref<!tpu.dma_semaphore, #tpu.memory_space<semaphore_mem>>) src(%arg10 : memref<128x128xf32, #tpu.memory_space<vmem>>) dst(%dma_wait3A_439 : memref<10112x128xf32, #tpu.memory_space<vmem_shared>>)
      } else {
      }
      %add3A_385 = arith.constant 1 : i32
      %add3A_386 = arith.addi %mul3A_382, %add3A_385 : i32
      %dma_start3A_387 = arith.constant 0 : i32
      %dma_start3A_388 = tpu.memref_slice %arg7[%add3A_386, %dma_start3A_387] : memref<41x128xi32, #tpu.memory_space<vmem>> -> memref<1x128xi32, #tpu.memory_space<vmem>>
      %dma_start3A_389 = tpu.memref_squeeze %dma_start3A_388 : memref<1x128xi32, #tpu.memory_space<vmem>> -> memref<128xi32, #tpu.memory_space<vmem>>
      %dma_start3A_390 = arith.constant 0 : i32
      %dma_start3A_391 = arith.constant 0 : i32
      %dma_start3A_392 = tpu.memref_slice %arg2[%dma_start3A_390, %dma_start3A_391] : memref<10112x128xf32, #tpu.memory_space<hbm>> -> memref<10112x128xf32, #tpu.memory_space<hbm>>
      tpu.enqueue_indirect_dma source(%dma_start3A_392 : memref<10112x128xf32, #tpu.memory_space<hbm>>) target(%arg10 : memref<128x128xf32, #tpu.memory_space<vmem>>) offsets(%dma_start3A_389 : memref<128xi32, #tpu.memory_space<vmem>>) semaphore(%arg13 : memref<!tpu.dma_semaphore, #tpu.memory_space<semaphore_mem>>)
      %dma_wait3A_393 = arith.constant 0 : i32
      %dma_wait3A_394 = tpu.memref_slice %arg7[%mul3A_382, %dma_wait3A_393] : memref<41x128xi32, #tpu.memory_space<vmem>> -> memref<1x128xi32, #tpu.memory_space<vmem>>
      %dma_wait3A_395 = tpu.memref_squeeze %dma_wait3A_394 : memref<1x128xi32, #tpu.memory_space<vmem>> -> memref<128xi32, #tpu.memory_space<vmem>>
      %dma_wait3A_396 = arith.constant 0 : i32
      %dma_wait3A_397 = arith.constant 0 : i32
      %dma_wait3A_398 = tpu.memref_slice %arg2[%dma_wait3A_396, %dma_wait3A_397] : memref<10112x128xf32, #tpu.memory_space<hbm>> -> memref<10112x128xf32, #tpu.memory_space<hbm>>
      tpu.wait_indirect_dma semaphore(%arg12 : memref<!tpu.dma_semaphore, #tpu.memory_space<semaphore_mem>>) src(%dma_wait3A_398 : memref<10112x128xf32, #tpu.memory_space<hbm>>) dst(%arg9 : memref<128x128xf32, #tpu.memory_space<vmem>>)
      %dma_start3A_399 = arith.constant 0 : i32
      %dma_start3A_400 = tpu.memref_slice %arg8[%mul3A_382, %dma_start3A_399] : memref<41x128xi32, #tpu.memory_space<vmem>> -> memref<1x128xi32, #tpu.memory_space<vmem>>
      %dma_start3A_401 = tpu.memref_squeeze %dma_start3A_400 : memref<1x128xi32, #tpu.memory_space<vmem>> -> memref<128xi32, #tpu.memory_space<vmem>>
      %dma_start3A_402 = arith.constant 0 : i32
      %dma_start3A_403 = arith.constant 0 : i32
      %dma_start3A_404 = tpu.memref_slice %arg11[%dma_start3A_402, %dma_start3A_403] : memref<10112x128xf32, #tpu.memory_space<vmem_shared>> -> memref<10112x128xf32, #tpu.memory_space<vmem_shared>>
      tpu.enqueue_indirect_dma source(%arg9 : memref<128x128xf32, #tpu.memory_space<vmem>>) target(%dma_start3A_404 : memref<10112x128xf32, #tpu.memory_space<vmem_shared>>) offsets(%dma_start3A_401 : memref<128xi32, #tpu.memory_space<vmem>>) semaphore(%arg14 : memref<!tpu.dma_semaphore, #tpu.memory_space<semaphore_mem>>) {add = true}
      %dma_wait3A_405 = arith.constant 0 : i32
      %dma_wait3A_406 = tpu.memref_slice %arg8[%mul3A_382, %dma_wait3A_405] : memref<41x128xi32, #tpu.memory_space<vmem>> -> memref<1x128xi32, #tpu.memory_space<vmem>>
      %dma_wait3A_407 = tpu.memref_squeeze %dma_wait3A_406 : memref<1x128xi32, #tpu.memory_space<vmem>> -> memref<128xi32, #tpu.memory_space<vmem>>
      %dma_wait3A_408 = arith.constant 0 : i32
      %dma_wait3A_409 = arith.constant 0 : i32
      %dma_wait3A_410 = tpu.memref_slice %arg11[%dma_wait3A_408, %dma_wait3A_409] : memref<10112x128xf32, #tpu.memory_space<vmem_shared>> -> memref<10112x128xf32, #tpu.memory_space<vmem_shared>>
      tpu.wait_indirect_dma semaphore(%arg14 : memref<!tpu.dma_semaphore, #tpu.memory_space<semaphore_mem>>) src(%arg9 : memref<128x128xf32, #tpu.memory_space<vmem>>) dst(%dma_wait3A_410 : memref<10112x128xf32, #tpu.memory_space<vmem_shared>>)
      %add3A_411 = arith.constant 2 : i32
      %add3A_412 = arith.addi %mul3A_382, %add3A_411 : i32
      %lt3A = arith.constant 40 : i32
      %lt3A_413 = arith.cmpi slt, %add3A_412, %lt3A : i32
      %convert_element_type3A_414 = arith.extui %lt3A_413 : i1 to i32
      %cond3A_415 = arith.constant 0 : i32
      %cond3A_416 = arith.cmpi ne, %convert_element_type3A_414, %cond3A_415 : i32
      scf.if %cond3A_416 {
        %add3A_433 = arith.constant 2 : i32
        %add3A_434 = arith.addi %mul3A_382, %add3A_433 : i32
        %dma_start3A_435 = arith.constant 0 : i32
        %dma_start3A_436 = tpu.memref_slice %arg7[%add3A_434, %dma_start3A_435] : memref<41x128xi32, #tpu.memory_space<vmem>> -> memref<1x128xi32, #tpu.memory_space<vmem>>
        %dma_start3A_437 = tpu.memref_squeeze %dma_start3A_436 : memref<1x128xi32, #tpu.memory_space<vmem>> -> memref<128xi32, #tpu.memory_space<vmem>>
        %dma_start3A_438 = arith.constant 0 : i32
        %dma_start3A_439 = arith.constant 0 : i32
        %dma_start3A_440 = tpu.memref_slice %arg2[%dma_start3A_438, %dma_start3A_439] : memref<10112x128xf32, #tpu.memory_space<hbm>> -> memref<10112x128xf32, #tpu.memory_space<hbm>>
        tpu.enqueue_indirect_dma source(%dma_start3A_440 : memref<10112x128xf32, #tpu.memory_space<hbm>>) target(%arg9 : memref<128x128xf32, #tpu.memory_space<vmem>>) offsets(%dma_start3A_437 : memref<128xi32, #tpu.memory_space<vmem>>) semaphore(%arg12 : memref<!tpu.dma_semaphore, #tpu.memory_space<semaphore_mem>>)
      } else {
      }
      %add3A_417 = arith.constant 1 : i32
      %add3A_418 = arith.addi %mul3A_382, %add3A_417 : i32
      %dma_wait3A_419 = arith.constant 0 : i32
      %dma_wait3A_420 = tpu.memref_slice %arg7[%add3A_418, %dma_wait3A_419] : memref<41x128xi32, #tpu.memory_space<vmem>> -> memref<1x128xi32, #tpu.memory_space<vmem>>
      %dma_wait3A_421 = tpu.memref_squeeze %dma_wait3A_420 : memref<1x128xi32, #tpu.memory_space<vmem>> -> memref<128xi32, #tpu.memory_space<vmem>>
      %dma_wait3A_422 = arith.constant 0 : i32
      %dma_wait3A_423 = arith.constant 0 : i32
      %dma_wait3A_424 = tpu.memref_slice %arg2[%dma_wait3A_422, %dma_wait3A_423] : memref<10112x128xf32, #tpu.memory_space<hbm>> -> memref<10112x128xf32, #tpu.memory_space<hbm>>
      tpu.wait_indirect_dma semaphore(%arg13 : memref<!tpu.dma_semaphore, #tpu.memory_space<semaphore_mem>>) src(%dma_wait3A_424 : memref<10112x128xf32, #tpu.memory_space<hbm>>) dst(%arg10 : memref<128x128xf32, #tpu.memory_space<vmem>>)
      %add3A_425 = arith.constant 1 : i32
      %add3A_426 = arith.addi %mul3A_382, %add3A_425 : i32
      %dma_start3A_427 = arith.constant 0 : i32
      %dma_start3A_428 = tpu.memref_slice %arg8[%add3A_426, %dma_start3A_427] : memref<41x128xi32, #tpu.memory_space<vmem>> -> memref<1x128xi32, #tpu.memory_space<vmem>>
      %dma_start3A_429 = tpu.memref_squeeze %dma_start3A_428 : memref<1x128xi32, #tpu.memory_space<vmem>> -> memref<128xi32, #tpu.memory_space<vmem>>
      %dma_start3A_430 = arith.constant 0 : i32
      %dma_start3A_431 = arith.constant 0 : i32
      %dma_start3A_432 = tpu.memref_slice %arg11[%dma_start3A_430, %dma_start3A_431] : memref<10112x128xf32, #tpu.memory_space<vmem_shared>> -> memref<10112x128xf32, #tpu.memory_space<vmem_shared>>
      tpu.enqueue_indirect_dma source(%arg10 : memref<128x128xf32, #tpu.memory_space<vmem>>) target(%dma_start3A_432 : memref<10112x128xf32, #tpu.memory_space<vmem_shared>>) offsets(%dma_start3A_429 : memref<128xi32, #tpu.memory_space<vmem>>) semaphore(%arg15 : memref<!tpu.dma_semaphore, #tpu.memory_space<semaphore_mem>>) {add = true}
    }
    %scan3A_160 = arith.constant 20 : i32
    %dma_wait3A_161 = arith.constant 39 : i32
    %dma_wait3A_162 = arith.constant 0 : i32
    %dma_wait3A_163 = tpu.memref_slice %arg8[%dma_wait3A_161, %dma_wait3A_162] : memref<41x128xi32, #tpu.memory_space<vmem>> -> memref<1x128xi32, #tpu.memory_space<vmem>>
    %dma_wait3A_164 = tpu.memref_squeeze %dma_wait3A_163 : memref<1x128xi32, #tpu.memory_space<vmem>> -> memref<128xi32, #tpu.memory_space<vmem>>
    %dma_wait3A_165 = arith.constant 0 : i32
    %dma_wait3A_166 = arith.constant 0 : i32
    %dma_wait3A_167 = tpu.memref_slice %arg11[%dma_wait3A_165, %dma_wait3A_166] : memref<10112x128xf32, #tpu.memory_space<vmem_shared>> -> memref<10112x128xf32, #tpu.memory_space<vmem_shared>>
    tpu.wait_indirect_dma semaphore(%arg15 : memref<!tpu.dma_semaphore, #tpu.memory_space<semaphore_mem>>) src(%arg10 : memref<128x128xf32, #tpu.memory_space<vmem>>) dst(%dma_wait3A_167 : memref<10112x128xf32, #tpu.memory_space<vmem_shared>>)
    "tpu.region"() ({
      %run_scoped3A = tpu.sem_alloc : memref<!tpu.dma_semaphore, #tpu.memory_space<semaphore_mem>>
      %dma_start3A_380 = arith.constant 40 : i32
      %dma_start3A_381 = arith.constant 0 : i32
      %dma_start3A_382 = tpu.memref_slice %arg3[%add3A, %dma_start3A_380, %dma_start3A_381] : memref<32x81x128xi32, #tpu.memory_space<hbm>> -> memref<1x41x128xi32, #tpu.memory_space<hbm>>
      %dma_start3A_383 = tpu.memref_squeeze %dma_start3A_382 : memref<1x41x128xi32, #tpu.memory_space<hbm>> -> memref<41x128xi32, #tpu.memory_space<hbm>>
      %dma_start3A_384 = arith.constant 40 : i32
      %dma_start3A_385 = arith.constant 0 : i32
      %dma_start3A_386 = tpu.memref_slice %arg3[%add3A, %dma_start3A_384, %dma_start3A_385] : memref<32x81x128xi32, #tpu.memory_space<hbm>> -> memref<1x41x128xi32, #tpu.memory_space<hbm>>
      %dma_start3A_387 = tpu.memref_squeeze %dma_start3A_386 : memref<1x41x128xi32, #tpu.memory_space<hbm>> -> memref<41x128xi32, #tpu.memory_space<hbm>>
      tpu.enqueue_dma source(%dma_start3A_387 : memref<41x128xi32, #tpu.memory_space<hbm>>) target(%arg7 : memref<41x128xi32, #tpu.memory_space<vmem>>) target_semaphore(%run_scoped3A : memref<!tpu.dma_semaphore, #tpu.memory_space<semaphore_mem>>)
      %dma_wait3A_388 = arith.constant 40 : i32
      %dma_wait3A_389 = arith.constant 0 : i32
      %dma_wait3A_390 = tpu.memref_slice %arg3[%add3A, %dma_wait3A_388, %dma_wait3A_389] : memref<32x81x128xi32, #tpu.memory_space<hbm>> -> memref<1x41x128xi32, #tpu.memory_space<hbm>>
      %dma_wait3A_391 = tpu.memref_squeeze %dma_wait3A_390 : memref<1x41x128xi32, #tpu.memory_space<hbm>> -> memref<41x128xi32, #tpu.memory_space<hbm>>
      %dma_wait3A_392 = arith.constant 40 : i32
      %dma_wait3A_393 = arith.constant 0 : i32
      %dma_wait3A_394 = tpu.memref_slice %arg3[%add3A, %dma_wait3A_392, %dma_wait3A_393] : memref<32x81x128xi32, #tpu.memory_space<hbm>> -> memref<1x41x128xi32, #tpu.memory_space<hbm>>
      %dma_wait3A_395 = tpu.memref_squeeze %dma_wait3A_394 : memref<1x41x128xi32, #tpu.memory_space<hbm>> -> memref<41x128xi32, #tpu.memory_space<hbm>>
      tpu.wait_dma2 semaphore(%run_scoped3A : memref<!tpu.dma_semaphore, #tpu.memory_space<semaphore_mem>>) src(%dma_wait3A_395 : memref<41x128xi32, #tpu.memory_space<hbm>>) dst(%arg7 : memref<41x128xi32, #tpu.memory_space<vmem>>)
      tpu.yield
    }) : () -> ()
    "tpu.region"() ({
      %run_scoped3A = tpu.sem_alloc : memref<!tpu.dma_semaphore, #tpu.memory_space<semaphore_mem>>
      %dma_start3A_380 = arith.constant 40 : i32
      %dma_start3A_381 = arith.constant 0 : i32
      %dma_start3A_382 = tpu.memref_slice %arg4[%add3A, %dma_start3A_380, %dma_start3A_381] : memref<32x81x128xi32, #tpu.memory_space<hbm>> -> memref<1x41x128xi32, #tpu.memory_space<hbm>>
      %dma_start3A_383 = tpu.memref_squeeze %dma_start3A_382 : memref<1x41x128xi32, #tpu.memory_space<hbm>> -> memref<41x128xi32, #tpu.memory_space<hbm>>
      %dma_start3A_384 = arith.constant 40 : i32
      %dma_start3A_385 = arith.constant 0 : i32
      %dma_start3A_386 = tpu.memref_slice %arg4[%add3A, %dma_start3A_384, %dma_start3A_385] : memref<32x81x128xi32, #tpu.memory_space<hbm>> -> memref<1x41x128xi32, #tpu.memory_space<hbm>>
      %dma_start3A_387 = tpu.memref_squeeze %dma_start3A_386 : memref<1x41x128xi32, #tpu.memory_space<hbm>> -> memref<41x128xi32, #tpu.memory_space<hbm>>
      tpu.enqueue_dma source(%dma_start3A_387 : memref<41x128xi32, #tpu.memory_space<hbm>>) target(%arg8 : memref<41x128xi32, #tpu.memory_space<vmem>>) target_semaphore(%run_scoped3A : memref<!tpu.dma_semaphore, #tpu.memory_space<semaphore_mem>>)
      %dma_wait3A_388 = arith.constant 40 : i32
      %dma_wait3A_389 = arith.constant 0 : i32
      %dma_wait3A_390 = tpu.memref_slice %arg4[%add3A, %dma_wait3A_388, %dma_wait3A_389] : memref<32x81x128xi32, #tpu.memory_space<hbm>> -> memref<1x41x128xi32, #tpu.memory_space<hbm>>
      %dma_wait3A_391 = tpu.memref_squeeze %dma_wait3A_390 : memref<1x41x128xi32, #tpu.memory_space<hbm>> -> memref<41x128xi32, #tpu.memory_space<hbm>>
      %dma_wait3A_392 = arith.constant 40 : i32
      %dma_wait3A_393 = arith.constant 0 : i32
      %dma_wait3A_394 = tpu.memref_slice %arg4[%add3A, %dma_wait3A_392, %dma_wait3A_393] : memref<32x81x128xi32, #tpu.memory_space<hbm>> -> memref<1x41x128xi32, #tpu.memory_space<hbm>>
      %dma_wait3A_395 = tpu.memref_squeeze %dma_wait3A_394 : memref<1x41x128xi32, #tpu.memory_space<hbm>> -> memref<41x128xi32, #tpu.memory_space<hbm>>
      tpu.wait_dma2 semaphore(%run_scoped3A : memref<!tpu.dma_semaphore, #tpu.memory_space<semaphore_mem>>) src(%dma_wait3A_395 : memref<41x128xi32, #tpu.memory_space<hbm>>) dst(%arg8 : memref<41x128xi32, #tpu.memory_space<vmem>>)
      tpu.yield
    }) : () -> ()
    %dma_start3A_168 = arith.constant 0 : i32
    %dma_start3A_169 = arith.constant 0 : i32
    %dma_start3A_170 = tpu.memref_slice %arg7[%dma_start3A_168, %dma_start3A_169] : memref<41x128xi32, #tpu.memory_space<vmem>> -> memref<1x128xi32, #tpu.memory_space<vmem>>
    %dma_start3A_171 = tpu.memref_squeeze %dma_start3A_170 : memref<1x128xi32, #tpu.memory_space<vmem>> -> memref<128xi32, #tpu.memory_space<vmem>>
    %dma_start3A_172 = arith.constant 0 : i32
    %dma_start3A_173 = arith.constant 0 : i32
    %dma_start3A_174 = tpu.memref_slice %arg2[%dma_start3A_172, %dma_start3A_173] : memref<10112x128xf32, #tpu.memory_space<hbm>> -> memref<10112x128xf32, #tpu.memory_space<hbm>>
    tpu.enqueue_indirect_dma source(%dma_start3A_174 : memref<10112x128xf32, #tpu.memory_space<hbm>>) target(%arg9 : memref<128x128xf32, #tpu.memory_space<vmem>>) offsets(%dma_start3A_171 : memref<128xi32, #tpu.memory_space<vmem>>) semaphore(%arg12 : memref<!tpu.dma_semaphore, #tpu.memory_space<semaphore_mem>>)
    %scan3A_175 = arith.constant 0 : i32
    %scan3A_176 = arith.constant 0 : i32
    %scan3A_177 = arith.constant 20 : i32
    %scan3A_178 = arith.addi %scan3A_176, %scan3A_177 : i32
    %scan3A_179 = arith.constant 1 : i32
    scf.for %scan3A_380 = %scan3A_176 to %scan3A_178 step %scan3A_179  : i32 {
      %mul3A_381 = arith.constant 2 : i32
      %mul3A_382 = arith.muli %mul3A_381, %scan3A_380 : i32
      %gt3A = arith.constant 0 : i32
      %gt3A_383 = arith.cmpi sgt, %scan3A_380, %gt3A : i32
      %convert_element_type3A = arith.extui %gt3A_383 : i1 to i32
      %cond3A = arith.constant 0 : i32
      %cond3A_384 = arith.cmpi ne, %convert_element_type3A, %cond3A : i32
      scf.if %cond3A_384 {
        %sub3A = arith.constant 1 : i32
        %sub3A_433 = arith.subi %mul3A_382, %sub3A : i32
        %dma_wait3A_434 = arith.constant 0 : i32
        %dma_wait3A_435 = tpu.memref_slice %arg8[%sub3A_433, %dma_wait3A_434] : memref<41x128xi32, #tpu.memory_space<vmem>> -> memref<1x128xi32, #tpu.memory_space<vmem>>
        %dma_wait3A_436 = tpu.memref_squeeze %dma_wait3A_435 : memref<1x128xi32, #tpu.memory_space<vmem>> -> memref<128xi32, #tpu.memory_space<vmem>>
        %dma_wait3A_437 = arith.constant 0 : i32
        %dma_wait3A_438 = arith.constant 0 : i32
        %dma_wait3A_439 = tpu.memref_slice %arg11[%dma_wait3A_437, %dma_wait3A_438] : memref<10112x128xf32, #tpu.memory_space<vmem_shared>> -> memref<10112x128xf32, #tpu.memory_space<vmem_shared>>
        tpu.wait_indirect_dma semaphore(%arg15 : memref<!tpu.dma_semaphore, #tpu.memory_space<semaphore_mem>>) src(%arg10 : memref<128x128xf32, #tpu.memory_space<vmem>>) dst(%dma_wait3A_439 : memref<10112x128xf32, #tpu.memory_space<vmem_shared>>)
      } else {
      }
      %add3A_385 = arith.constant 1 : i32
      %add3A_386 = arith.addi %mul3A_382, %add3A_385 : i32
      %dma_start3A_387 = arith.constant 0 : i32
      %dma_start3A_388 = tpu.memref_slice %arg7[%add3A_386, %dma_start3A_387] : memref<41x128xi32, #tpu.memory_space<vmem>> -> memref<1x128xi32, #tpu.memory_space<vmem>>
      %dma_start3A_389 = tpu.memref_squeeze %dma_start3A_388 : memref<1x128xi32, #tpu.memory_space<vmem>> -> memref<128xi32, #tpu.memory_space<vmem>>
      %dma_start3A_390 = arith.constant 0 : i32
      %dma_start3A_391 = arith.constant 0 : i32
      %dma_start3A_392 = tpu.memref_slice %arg2[%dma_start3A_390, %dma_start3A_391] : memref<10112x128xf32, #tpu.memory_space<hbm>> -> memref<10112x128xf32, #tpu.memory_space<hbm>>
      tpu.enqueue_indirect_dma source(%dma_start3A_392 : memref<10112x128xf32, #tpu.memory_space<hbm>>) target(%arg10 : memref<128x128xf32, #tpu.memory_space<vmem>>) offsets(%dma_start3A_389 : memref<128xi32, #tpu.memory_space<vmem>>) semaphore(%arg13 : memref<!tpu.dma_semaphore, #tpu.memory_space<semaphore_mem>>)
      %dma_wait3A_393 = arith.constant 0 : i32
      %dma_wait3A_394 = tpu.memref_slice %arg7[%mul3A_382, %dma_wait3A_393] : memref<41x128xi32, #tpu.memory_space<vmem>> -> memref<1x128xi32, #tpu.memory_space<vmem>>
      %dma_wait3A_395 = tpu.memref_squeeze %dma_wait3A_394 : memref<1x128xi32, #tpu.memory_space<vmem>> -> memref<128xi32, #tpu.memory_space<vmem>>
      %dma_wait3A_396 = arith.constant 0 : i32
      %dma_wait3A_397 = arith.constant 0 : i32
      %dma_wait3A_398 = tpu.memref_slice %arg2[%dma_wait3A_396, %dma_wait3A_397] : memref<10112x128xf32, #tpu.memory_space<hbm>> -> memref<10112x128xf32, #tpu.memory_space<hbm>>
      tpu.wait_indirect_dma semaphore(%arg12 : memref<!tpu.dma_semaphore, #tpu.memory_space<semaphore_mem>>) src(%dma_wait3A_398 : memref<10112x128xf32, #tpu.memory_space<hbm>>) dst(%arg9 : memref<128x128xf32, #tpu.memory_space<vmem>>)
      %dma_start3A_399 = arith.constant 0 : i32
      %dma_start3A_400 = tpu.memref_slice %arg8[%mul3A_382, %dma_start3A_399] : memref<41x128xi32, #tpu.memory_space<vmem>> -> memref<1x128xi32, #tpu.memory_space<vmem>>
      %dma_start3A_401 = tpu.memref_squeeze %dma_start3A_400 : memref<1x128xi32, #tpu.memory_space<vmem>> -> memref<128xi32, #tpu.memory_space<vmem>>
      %dma_start3A_402 = arith.constant 0 : i32
      %dma_start3A_403 = arith.constant 0 : i32
      %dma_start3A_404 = tpu.memref_slice %arg11[%dma_start3A_402, %dma_start3A_403] : memref<10112x128xf32, #tpu.memory_space<vmem_shared>> -> memref<10112x128xf32, #tpu.memory_space<vmem_shared>>
      tpu.enqueue_indirect_dma source(%arg9 : memref<128x128xf32, #tpu.memory_space<vmem>>) target(%dma_start3A_404 : memref<10112x128xf32, #tpu.memory_space<vmem_shared>>) offsets(%dma_start3A_401 : memref<128xi32, #tpu.memory_space<vmem>>) semaphore(%arg14 : memref<!tpu.dma_semaphore, #tpu.memory_space<semaphore_mem>>) {add = true}
      %dma_wait3A_405 = arith.constant 0 : i32
      %dma_wait3A_406 = tpu.memref_slice %arg8[%mul3A_382, %dma_wait3A_405] : memref<41x128xi32, #tpu.memory_space<vmem>> -> memref<1x128xi32, #tpu.memory_space<vmem>>
      %dma_wait3A_407 = tpu.memref_squeeze %dma_wait3A_406 : memref<1x128xi32, #tpu.memory_space<vmem>> -> memref<128xi32, #tpu.memory_space<vmem>>
      %dma_wait3A_408 = arith.constant 0 : i32
      %dma_wait3A_409 = arith.constant 0 : i32
      %dma_wait3A_410 = tpu.memref_slice %arg11[%dma_wait3A_408, %dma_wait3A_409] : memref<10112x128xf32, #tpu.memory_space<vmem_shared>> -> memref<10112x128xf32, #tpu.memory_space<vmem_shared>>
      tpu.wait_indirect_dma semaphore(%arg14 : memref<!tpu.dma_semaphore, #tpu.memory_space<semaphore_mem>>) src(%arg9 : memref<128x128xf32, #tpu.memory_space<vmem>>) dst(%dma_wait3A_410 : memref<10112x128xf32, #tpu.memory_space<vmem_shared>>)
      %add3A_411 = arith.constant 2 : i32
      %add3A_412 = arith.addi %mul3A_382, %add3A_411 : i32
      %lt3A = arith.constant 41 : i32
      %lt3A_413 = arith.cmpi slt, %add3A_412, %lt3A : i32
      %convert_element_type3A_414 = arith.extui %lt3A_413 : i1 to i32
      %cond3A_415 = arith.constant 0 : i32
      %cond3A_416 = arith.cmpi ne, %convert_element_type3A_414, %cond3A_415 : i32
      scf.if %cond3A_416 {
        %add3A_433 = arith.constant 2 : i32
        %add3A_434 = arith.addi %mul3A_382, %add3A_433 : i32
        %dma_start3A_435 = arith.constant 0 : i32
        %dma_start3A_436 = tpu.memref_slice %arg7[%add3A_434, %dma_start3A_435] : memref<41x128xi32, #tpu.memory_space<vmem>> -> memref<1x128xi32, #tpu.memory_space<vmem>>
        %dma_start3A_437 = tpu.memref_squeeze %dma_start3A_436 : memref<1x128xi32, #tpu.memory_space<vmem>> -> memref<128xi32, #tpu.memory_space<vmem>>
        %dma_start3A_438 = arith.constant 0 : i32
        %dma_start3A_439 = arith.constant 0 : i32
        %dma_start3A_440 = tpu.memref_slice %arg2[%dma_start3A_438, %dma_start3A_439] : memref<10112x128xf32, #tpu.memory_space<hbm>> -> memref<10112x128xf32, #tpu.memory_space<hbm>>
        tpu.enqueue_indirect_dma source(%dma_start3A_440 : memref<10112x128xf32, #tpu.memory_space<hbm>>) target(%arg9 : memref<128x128xf32, #tpu.memory_space<vmem>>) offsets(%dma_start3A_437 : memref<128xi32, #tpu.memory_space<vmem>>) semaphore(%arg12 : memref<!tpu.dma_semaphore, #tpu.memory_space<semaphore_mem>>)
      } else {
      }
      %add3A_417 = arith.constant 1 : i32
      %add3A_418 = arith.addi %mul3A_382, %add3A_417 : i32
      %dma_wait3A_419 = arith.constant 0 : i32
      %dma_wait3A_420 = tpu.memref_slice %arg7[%add3A_418, %dma_wait3A_419] : memref<41x128xi32, #tpu.memory_space<vmem>> -> memref<1x128xi32, #tpu.memory_space<vmem>>
      %dma_wait3A_421 = tpu.memref_squeeze %dma_wait3A_420 : memref<1x128xi32, #tpu.memory_space<vmem>> -> memref<128xi32, #tpu.memory_space<vmem>>
      %dma_wait3A_422 = arith.constant 0 : i32
      %dma_wait3A_423 = arith.constant 0 : i32
      %dma_wait3A_424 = tpu.memref_slice %arg2[%dma_wait3A_422, %dma_wait3A_423] : memref<10112x128xf32, #tpu.memory_space<hbm>> -> memref<10112x128xf32, #tpu.memory_space<hbm>>
      tpu.wait_indirect_dma semaphore(%arg13 : memref<!tpu.dma_semaphore, #tpu.memory_space<semaphore_mem>>) src(%dma_wait3A_424 : memref<10112x128xf32, #tpu.memory_space<hbm>>) dst(%arg10 : memref<128x128xf32, #tpu.memory_space<vmem>>)
      %add3A_425 = arith.constant 1 : i32
      %add3A_426 = arith.addi %mul3A_382, %add3A_425 : i32
      %dma_start3A_427 = arith.constant 0 : i32
      %dma_start3A_428 = tpu.memref_slice %arg8[%add3A_426, %dma_start3A_427] : memref<41x128xi32, #tpu.memory_space<vmem>> -> memref<1x128xi32, #tpu.memory_space<vmem>>
      %dma_start3A_429 = tpu.memref_squeeze %dma_start3A_428 : memref<1x128xi32, #tpu.memory_space<vmem>> -> memref<128xi32, #tpu.memory_space<vmem>>
      %dma_start3A_430 = arith.constant 0 : i32
      %dma_start3A_431 = arith.constant 0 : i32
      %dma_start3A_432 = tpu.memref_slice %arg11[%dma_start3A_430, %dma_start3A_431] : memref<10112x128xf32, #tpu.memory_space<vmem_shared>> -> memref<10112x128xf32, #tpu.memory_space<vmem_shared>>
      tpu.enqueue_indirect_dma source(%arg10 : memref<128x128xf32, #tpu.memory_space<vmem>>) target(%dma_start3A_432 : memref<10112x128xf32, #tpu.memory_space<vmem_shared>>) offsets(%dma_start3A_429 : memref<128xi32, #tpu.memory_space<vmem>>) semaphore(%arg15 : memref<!tpu.dma_semaphore, #tpu.memory_space<semaphore_mem>>) {add = true}
    }
    %scan3A_180 = arith.constant 20 : i32
    %dma_wait3A_181 = arith.constant 39 : i32
    %dma_wait3A_182 = arith.constant 0 : i32
    %dma_wait3A_183 = tpu.memref_slice %arg8[%dma_wait3A_181, %dma_wait3A_182] : memref<41x128xi32, #tpu.memory_space<vmem>> -> memref<1x128xi32, #tpu.memory_space<vmem>>
    %dma_wait3A_184 = tpu.memref_squeeze %dma_wait3A_183 : memref<1x128xi32, #tpu.memory_space<vmem>> -> memref<128xi32, #tpu.memory_space<vmem>>
    %dma_wait3A_185 = arith.constant 0 : i32
    %dma_wait3A_186 = arith.constant 0 : i32
    %dma_wait3A_187 = tpu.memref_slice %arg11[%dma_wait3A_185, %dma_wait3A_186] : memref<10112x128xf32, #tpu.memory_space<vmem_shared>> -> memref<10112x128xf32, #tpu.memory_space<vmem_shared>>
    tpu.wait_indirect_dma semaphore(%arg15 : memref<!tpu.dma_semaphore, #tpu.memory_space<semaphore_mem>>) src(%arg10 : memref<128x128xf32, #tpu.memory_space<vmem>>) dst(%dma_wait3A_187 : memref<10112x128xf32, #tpu.memory_space<vmem_shared>>)
    %dma_wait3A_188 = arith.constant 40 : i32
    %dma_wait3A_189 = arith.constant 0 : i32
    %dma_wait3A_190 = tpu.memref_slice %arg7[%dma_wait3A_188, %dma_wait3A_189] : memref<41x128xi32, #tpu.memory_space<vmem>> -> memref<1x128xi32, #tpu.memory_space<vmem>>
    %dma_wait3A_191 = tpu.memref_squeeze %dma_wait3A_190 : memref<1x128xi32, #tpu.memory_space<vmem>> -> memref<128xi32, #tpu.memory_space<vmem>>
    %dma_wait3A_192 = arith.constant 0 : i32
    %dma_wait3A_193 = arith.constant 0 : i32
    %dma_wait3A_194 = tpu.memref_slice %arg2[%dma_wait3A_192, %dma_wait3A_193] : memref<10112x128xf32, #tpu.memory_space<hbm>> -> memref<10112x128xf32, #tpu.memory_space<hbm>>
    tpu.wait_indirect_dma semaphore(%arg12 : memref<!tpu.dma_semaphore, #tpu.memory_space<semaphore_mem>>) src(%dma_wait3A_194 : memref<10112x128xf32, #tpu.memory_space<hbm>>) dst(%arg9 : memref<128x128xf32, #tpu.memory_space<vmem>>)
    %dma_start3A_195 = arith.constant 40 : i32
    %dma_start3A_196 = arith.constant 0 : i32
    %dma_start3A_197 = tpu.memref_slice %arg8[%dma_start3A_195, %dma_start3A_196] : memref<41x128xi32, #tpu.memory_space<vmem>> -> memref<1x128xi32, #tpu.memory_space<vmem>>
    %dma_start3A_198 = tpu.memref_squeeze %dma_start3A_197 : memref<1x128xi32, #tpu.memory_space<vmem>> -> memref<128xi32, #tpu.memory_space<vmem>>
    %dma_start3A_199 = arith.constant 0 : i32
    %dma_start3A_200 = arith.constant 0 : i32
    %dma_start3A_201 = tpu.memref_slice %arg11[%dma_start3A_199, %dma_start3A_200] : memref<10112x128xf32, #tpu.memory_space<vmem_shared>> -> memref<10112x128xf32, #tpu.memory_space<vmem_shared>>
    tpu.enqueue_indirect_dma source(%arg9 : memref<128x128xf32, #tpu.memory_space<vmem>>) target(%dma_start3A_201 : memref<10112x128xf32, #tpu.memory_space<vmem_shared>>) offsets(%dma_start3A_198 : memref<128xi32, #tpu.memory_space<vmem>>) semaphore(%arg14 : memref<!tpu.dma_semaphore, #tpu.memory_space<semaphore_mem>>) {add = true}
    %dma_wait3A_202 = arith.constant 40 : i32
    %dma_wait3A_203 = arith.constant 0 : i32
    %dma_wait3A_204 = tpu.memref_slice %arg8[%dma_wait3A_202, %dma_wait3A_203] : memref<41x128xi32, #tpu.memory_space<vmem>> -> memref<1x128xi32, #tpu.memory_space<vmem>>
    %dma_wait3A_205 = tpu.memref_squeeze %dma_wait3A_204 : memref<1x128xi32, #tpu.memory_space<vmem>> -> memref<128xi32, #tpu.memory_space<vmem>>
    %dma_wait3A_206 = arith.constant 0 : i32
    %dma_wait3A_207 = arith.constant 0 : i32
    %dma_wait3A_208 = tpu.memref_slice %arg11[%dma_wait3A_206, %dma_wait3A_207] : memref<10112x128xf32, #tpu.memory_space<vmem_shared>> -> memref<10112x128xf32, #tpu.memory_space<vmem_shared>>
    tpu.wait_indirect_dma semaphore(%arg14 : memref<!tpu.dma_semaphore, #tpu.memory_space<semaphore_mem>>) src(%arg9 : memref<128x128xf32, #tpu.memory_space<vmem>>) dst(%dma_wait3A_208 : memref<10112x128xf32, #tpu.memory_space<vmem_shared>>)
    %barrier3A_209 = arith.constant 0 : index
    tpu.barrier barrier_id(%barrier3A_209)
    %mul3A_210 = arith.constant 632 : i32
    %mul3A_211 = arith.muli %arg1, %mul3A_210 : i32
    %add3A_212 = arith.constant 0 : i32
    %add3A_213 = arith.addi %mul3A_211, %add3A_212 : i32
    "tpu.region"() ({
      %run_scoped3A = tpu.sem_alloc : memref<!tpu.dma_semaphore, #tpu.memory_space<semaphore_mem>>
      %dma_start3A_380 = arith.constant 0 : i32
      %dma_start3A_381 = arith.constant 0 : i32
      %dma_start3A_382 = tpu.memref_slice %arg9[%dma_start3A_380, %dma_start3A_381] : memref<128x128xf32, #tpu.memory_space<vmem>> -> memref<128x128xf32, #tpu.memory_space<vmem>>
      %dma_start3A_383 = arith.constant 0 : i32
      %dma_start3A_384 = tpu.memref_slice %arg11[%add3A_213, %dma_start3A_383] : memref<10112x128xf32, #tpu.memory_space<vmem_shared>> -> memref<128x128xf32, #tpu.memory_space<vmem_shared>>
      %dma_start3A_385 = arith.constant 0 : i32
      %dma_start3A_386 = arith.constant 0 : i32
      %dma_start3A_387 = tpu.memref_slice %arg9[%dma_start3A_385, %dma_start3A_386] : memref<128x128xf32, #tpu.memory_space<vmem>> -> memref<128x128xf32, #tpu.memory_space<vmem>>
      %dma_start3A_388 = arith.constant 0 : i32
      %dma_start3A_389 = tpu.memref_slice %arg11[%add3A_213, %dma_start3A_388] : memref<10112x128xf32, #tpu.memory_space<vmem_shared>> -> memref<128x128xf32, #tpu.memory_space<vmem_shared>>
      tpu.enqueue_dma source(%dma_start3A_389 : memref<128x128xf32, #tpu.memory_space<vmem_shared>>) target(%dma_start3A_387 : memref<128x128xf32, #tpu.memory_space<vmem>>) target_semaphore(%run_scoped3A : memref<!tpu.dma_semaphore, #tpu.memory_space<semaphore_mem>>)
      %dma_wait3A_390 = arith.constant 0 : i32
      %dma_wait3A_391 = arith.constant 0 : i32
      %dma_wait3A_392 = tpu.memref_slice %arg9[%dma_wait3A_390, %dma_wait3A_391] : memref<128x128xf32, #tpu.memory_space<vmem>> -> memref<128x128xf32, #tpu.memory_space<vmem>>
      %dma_wait3A_393 = arith.constant 0 : i32
      %dma_wait3A_394 = tpu.memref_slice %arg11[%add3A_213, %dma_wait3A_393] : memref<10112x128xf32, #tpu.memory_space<vmem_shared>> -> memref<128x128xf32, #tpu.memory_space<vmem_shared>>
      %dma_wait3A_395 = arith.constant 0 : i32
      %dma_wait3A_396 = arith.constant 0 : i32
      %dma_wait3A_397 = tpu.memref_slice %arg9[%dma_wait3A_395, %dma_wait3A_396] : memref<128x128xf32, #tpu.memory_space<vmem>> -> memref<128x128xf32, #tpu.memory_space<vmem>>
      %dma_wait3A_398 = arith.constant 0 : i32
      %dma_wait3A_399 = tpu.memref_slice %arg11[%add3A_213, %dma_wait3A_398] : memref<10112x128xf32, #tpu.memory_space<vmem_shared>> -> memref<128x128xf32, #tpu.memory_space<vmem_shared>>
      tpu.wait_dma2 semaphore(%run_scoped3A : memref<!tpu.dma_semaphore, #tpu.memory_space<semaphore_mem>>) src(%dma_wait3A_399 : memref<128x128xf32, #tpu.memory_space<vmem_shared>>) dst(%dma_wait3A_397 : memref<128x128xf32, #tpu.memory_space<vmem>>)
      tpu.yield
    }) : () -> ()
    %mul3A_214 = arith.constant 10112 : i32
    %mul3A_215 = arith.muli %arg0, %mul3A_214 : i32
    %add3A_216 = arith.addi %mul3A_215, %add3A_213 : i32
    %dma_start3A_217 = arith.constant 0 : i32
    %dma_start3A_218 = arith.constant 0 : i32
    %dma_start3A_219 = tpu.memref_slice %arg9[%dma_start3A_217, %dma_start3A_218] : memref<128x128xf32, #tpu.memory_space<vmem>> -> memref<128x128xf32, #tpu.memory_space<vmem>>
    %dma_start3A_220 = arith.constant 0 : i32
    %dma_start3A_221 = tpu.memref_slice %arg6[%add3A_216, %dma_start3A_220] : memref<20224x128xf32, #tpu.memory_space<hbm>> -> memref<128x128xf32, #tpu.memory_space<hbm>>
    %dma_start3A_222 = arith.constant 0 : i32
    %dma_start3A_223 = tpu.memref_slice %arg6[%add3A_216, %dma_start3A_222] : memref<20224x128xf32, #tpu.memory_space<hbm>> -> memref<128x128xf32, #tpu.memory_space<hbm>>
    %dma_start3A_224 = arith.constant 0 : i32
    %dma_start3A_225 = arith.constant 0 : i32
    %dma_start3A_226 = tpu.memref_slice %arg9[%dma_start3A_224, %dma_start3A_225] : memref<128x128xf32, #tpu.memory_space<vmem>> -> memref<128x128xf32, #tpu.memory_space<vmem>>
    tpu.enqueue_dma source(%dma_start3A_226 : memref<128x128xf32, #tpu.memory_space<vmem>>) target(%dma_start3A_223 : memref<128x128xf32, #tpu.memory_space<hbm>>) target_semaphore(%arg12 : memref<!tpu.dma_semaphore, #tpu.memory_space<semaphore_mem>>)
    %mul3A_227 = arith.constant 632 : i32
    %mul3A_228 = arith.muli %arg1, %mul3A_227 : i32
    %add3A_229 = arith.constant 128 : i32
    %add3A_230 = arith.addi %mul3A_228, %add3A_229 : i32
    "tpu.region"() ({
      %run_scoped3A = tpu.sem_alloc : memref<!tpu.dma_semaphore, #tpu.memory_space<semaphore_mem>>
      %dma_start3A_380 = arith.constant 0 : i32
      %dma_start3A_381 = arith.constant 0 : i32
      %dma_start3A_382 = tpu.memref_slice %arg10[%dma_start3A_380, %dma_start3A_381] : memref<128x128xf32, #tpu.memory_space<vmem>> -> memref<128x128xf32, #tpu.memory_space<vmem>>
      %dma_start3A_383 = arith.constant 0 : i32
      %dma_start3A_384 = tpu.memref_slice %arg11[%add3A_230, %dma_start3A_383] : memref<10112x128xf32, #tpu.memory_space<vmem_shared>> -> memref<128x128xf32, #tpu.memory_space<vmem_shared>>
      %dma_start3A_385 = arith.constant 0 : i32
      %dma_start3A_386 = arith.constant 0 : i32
      %dma_start3A_387 = tpu.memref_slice %arg10[%dma_start3A_385, %dma_start3A_386] : memref<128x128xf32, #tpu.memory_space<vmem>> -> memref<128x128xf32, #tpu.memory_space<vmem>>
      %dma_start3A_388 = arith.constant 0 : i32
      %dma_start3A_389 = tpu.memref_slice %arg11[%add3A_230, %dma_start3A_388] : memref<10112x128xf32, #tpu.memory_space<vmem_shared>> -> memref<128x128xf32, #tpu.memory_space<vmem_shared>>
      tpu.enqueue_dma source(%dma_start3A_389 : memref<128x128xf32, #tpu.memory_space<vmem_shared>>) target(%dma_start3A_387 : memref<128x128xf32, #tpu.memory_space<vmem>>) target_semaphore(%run_scoped3A : memref<!tpu.dma_semaphore, #tpu.memory_space<semaphore_mem>>)
      %dma_wait3A_390 = arith.constant 0 : i32
      %dma_wait3A_391 = arith.constant 0 : i32
      %dma_wait3A_392 = tpu.memref_slice %arg10[%dma_wait3A_390, %dma_wait3A_391] : memref<128x128xf32, #tpu.memory_space<vmem>> -> memref<128x128xf32, #tpu.memory_space<vmem>>
      %dma_wait3A_393 = arith.constant 0 : i32
      %dma_wait3A_394 = tpu.memref_slice %arg11[%add3A_230, %dma_wait3A_393] : memref<10112x128xf32, #tpu.memory_space<vmem_shared>> -> memref<128x128xf32, #tpu.memory_space<vmem_shared>>
      %dma_wait3A_395 = arith.constant 0 : i32
      %dma_wait3A_396 = arith.constant 0 : i32
      %dma_wait3A_397 = tpu.memref_slice %arg10[%dma_wait3A_395, %dma_wait3A_396] : memref<128x128xf32, #tpu.memory_space<vmem>> -> memref<128x128xf32, #tpu.memory_space<vmem>>
      %dma_wait3A_398 = arith.constant 0 : i32
      %dma_wait3A_399 = tpu.memref_slice %arg11[%add3A_230, %dma_wait3A_398] : memref<10112x128xf32, #tpu.memory_space<vmem_shared>> -> memref<128x128xf32, #tpu.memory_space<vmem_shared>>
      tpu.wait_dma2 semaphore(%run_scoped3A : memref<!tpu.dma_semaphore, #tpu.memory_space<semaphore_mem>>) src(%dma_wait3A_399 : memref<128x128xf32, #tpu.memory_space<vmem_shared>>) dst(%dma_wait3A_397 : memref<128x128xf32, #tpu.memory_space<vmem>>)
      tpu.yield
    }) : () -> ()
    %mul3A_231 = arith.constant 10112 : i32
    %mul3A_232 = arith.muli %arg0, %mul3A_231 : i32
    %add3A_233 = arith.addi %mul3A_232, %add3A_230 : i32
    %dma_start3A_234 = arith.constant 0 : i32
    %dma_start3A_235 = arith.constant 0 : i32
    %dma_start3A_236 = tpu.memref_slice %arg10[%dma_start3A_234, %dma_start3A_235] : memref<128x128xf32, #tpu.memory_space<vmem>> -> memref<128x128xf32, #tpu.memory_space<vmem>>
    %dma_start3A_237 = arith.constant 0 : i32
    %dma_start3A_238 = tpu.memref_slice %arg6[%add3A_233, %dma_start3A_237] : memref<20224x128xf32, #tpu.memory_space<hbm>> -> memref<128x128xf32, #tpu.memory_space<hbm>>
    %dma_start3A_239 = arith.constant 0 : i32
    %dma_start3A_240 = tpu.memref_slice %arg6[%add3A_233, %dma_start3A_239] : memref<20224x128xf32, #tpu.memory_space<hbm>> -> memref<128x128xf32, #tpu.memory_space<hbm>>
    %dma_start3A_241 = arith.constant 0 : i32
    %dma_start3A_242 = arith.constant 0 : i32
    %dma_start3A_243 = tpu.memref_slice %arg10[%dma_start3A_241, %dma_start3A_242] : memref<128x128xf32, #tpu.memory_space<vmem>> -> memref<128x128xf32, #tpu.memory_space<vmem>>
    tpu.enqueue_dma source(%dma_start3A_243 : memref<128x128xf32, #tpu.memory_space<vmem>>) target(%dma_start3A_240 : memref<128x128xf32, #tpu.memory_space<hbm>>) target_semaphore(%arg13 : memref<!tpu.dma_semaphore, #tpu.memory_space<semaphore_mem>>)
    %mul3A_244 = arith.constant 632 : i32
    %mul3A_245 = arith.muli %arg1, %mul3A_244 : i32
    %add3A_246 = arith.constant 256 : i32
    %add3A_247 = arith.addi %mul3A_245, %add3A_246 : i32
    %mul3A_248 = arith.constant 10112 : i32
    %mul3A_249 = arith.muli %arg0, %mul3A_248 : i32
    %mul3A_250 = arith.constant 632 : i32
    %mul3A_251 = arith.muli %arg1, %mul3A_250 : i32
    %add3A_252 = arith.addi %mul3A_249, %mul3A_251 : i32
    %add3A_253 = arith.constant 0 : i32
    %add3A_254 = arith.addi %add3A_252, %add3A_253 : i32
    %dma_wait3A_255 = arith.constant 0 : i32
    %dma_wait3A_256 = arith.constant 0 : i32
    %dma_wait3A_257 = tpu.memref_slice %arg9[%dma_wait3A_255, %dma_wait3A_256] : memref<128x128xf32, #tpu.memory_space<vmem>> -> memref<128x128xf32, #tpu.memory_space<vmem>>
    %dma_wait3A_258 = arith.constant 0 : i32
    %dma_wait3A_259 = tpu.memref_slice %arg6[%add3A_254, %dma_wait3A_258] : memref<20224x128xf32, #tpu.memory_space<hbm>> -> memref<128x128xf32, #tpu.memory_space<hbm>>
    %dma_wait3A_260 = arith.constant 0 : i32
    %dma_wait3A_261 = tpu.memref_slice %arg6[%add3A_254, %dma_wait3A_260] : memref<20224x128xf32, #tpu.memory_space<hbm>> -> memref<128x128xf32, #tpu.memory_space<hbm>>
    %dma_wait3A_262 = arith.constant 0 : i32
    %dma_wait3A_263 = arith.constant 0 : i32
    %dma_wait3A_264 = tpu.memref_slice %arg9[%dma_wait3A_262, %dma_wait3A_263] : memref<128x128xf32, #tpu.memory_space<vmem>> -> memref<128x128xf32, #tpu.memory_space<vmem>>
    tpu.wait_dma2 semaphore(%arg12 : memref<!tpu.dma_semaphore, #tpu.memory_space<semaphore_mem>>) src(%dma_wait3A_264 : memref<128x128xf32, #tpu.memory_space<vmem>>) dst(%dma_wait3A_261 : memref<128x128xf32, #tpu.memory_space<hbm>>)
    "tpu.region"() ({
      %run_scoped3A = tpu.sem_alloc : memref<!tpu.dma_semaphore, #tpu.memory_space<semaphore_mem>>
      %dma_start3A_380 = arith.constant 0 : i32
      %dma_start3A_381 = arith.constant 0 : i32
      %dma_start3A_382 = tpu.memref_slice %arg9[%dma_start3A_380, %dma_start3A_381] : memref<128x128xf32, #tpu.memory_space<vmem>> -> memref<128x128xf32, #tpu.memory_space<vmem>>
      %dma_start3A_383 = arith.constant 0 : i32
      %dma_start3A_384 = tpu.memref_slice %arg11[%add3A_247, %dma_start3A_383] : memref<10112x128xf32, #tpu.memory_space<vmem_shared>> -> memref<128x128xf32, #tpu.memory_space<vmem_shared>>
      %dma_start3A_385 = arith.constant 0 : i32
      %dma_start3A_386 = arith.constant 0 : i32
      %dma_start3A_387 = tpu.memref_slice %arg9[%dma_start3A_385, %dma_start3A_386] : memref<128x128xf32, #tpu.memory_space<vmem>> -> memref<128x128xf32, #tpu.memory_space<vmem>>
      %dma_start3A_388 = arith.constant 0 : i32
      %dma_start3A_389 = tpu.memref_slice %arg11[%add3A_247, %dma_start3A_388] : memref<10112x128xf32, #tpu.memory_space<vmem_shared>> -> memref<128x128xf32, #tpu.memory_space<vmem_shared>>
      tpu.enqueue_dma source(%dma_start3A_389 : memref<128x128xf32, #tpu.memory_space<vmem_shared>>) target(%dma_start3A_387 : memref<128x128xf32, #tpu.memory_space<vmem>>) target_semaphore(%run_scoped3A : memref<!tpu.dma_semaphore, #tpu.memory_space<semaphore_mem>>)
      %dma_wait3A_390 = arith.constant 0 : i32
      %dma_wait3A_391 = arith.constant 0 : i32
      %dma_wait3A_392 = tpu.memref_slice %arg9[%dma_wait3A_390, %dma_wait3A_391] : memref<128x128xf32, #tpu.memory_space<vmem>> -> memref<128x128xf32, #tpu.memory_space<vmem>>
      %dma_wait3A_393 = arith.constant 0 : i32
      %dma_wait3A_394 = tpu.memref_slice %arg11[%add3A_247, %dma_wait3A_393] : memref<10112x128xf32, #tpu.memory_space<vmem_shared>> -> memref<128x128xf32, #tpu.memory_space<vmem_shared>>
      %dma_wait3A_395 = arith.constant 0 : i32
      %dma_wait3A_396 = arith.constant 0 : i32
      %dma_wait3A_397 = tpu.memref_slice %arg9[%dma_wait3A_395, %dma_wait3A_396] : memref<128x128xf32, #tpu.memory_space<vmem>> -> memref<128x128xf32, #tpu.memory_space<vmem>>
      %dma_wait3A_398 = arith.constant 0 : i32
      %dma_wait3A_399 = tpu.memref_slice %arg11[%add3A_247, %dma_wait3A_398] : memref<10112x128xf32, #tpu.memory_space<vmem_shared>> -> memref<128x128xf32, #tpu.memory_space<vmem_shared>>
      tpu.wait_dma2 semaphore(%run_scoped3A : memref<!tpu.dma_semaphore, #tpu.memory_space<semaphore_mem>>) src(%dma_wait3A_399 : memref<128x128xf32, #tpu.memory_space<vmem_shared>>) dst(%dma_wait3A_397 : memref<128x128xf32, #tpu.memory_space<vmem>>)
      tpu.yield
    }) : () -> ()
    %mul3A_265 = arith.constant 10112 : i32
    %mul3A_266 = arith.muli %arg0, %mul3A_265 : i32
    %add3A_267 = arith.addi %mul3A_266, %add3A_247 : i32
    %dma_start3A_268 = arith.constant 0 : i32
    %dma_start3A_269 = arith.constant 0 : i32
    %dma_start3A_270 = tpu.memref_slice %arg9[%dma_start3A_268, %dma_start3A_269] : memref<128x128xf32, #tpu.memory_space<vmem>> -> memref<128x128xf32, #tpu.memory_space<vmem>>
    %dma_start3A_271 = arith.constant 0 : i32
    %dma_start3A_272 = tpu.memref_slice %arg6[%add3A_267, %dma_start3A_271] : memref<20224x128xf32, #tpu.memory_space<hbm>> -> memref<128x128xf32, #tpu.memory_space<hbm>>
    %dma_start3A_273 = arith.constant 0 : i32
    %dma_start3A_274 = tpu.memref_slice %arg6[%add3A_267, %dma_start3A_273] : memref<20224x128xf32, #tpu.memory_space<hbm>> -> memref<128x128xf32, #tpu.memory_space<hbm>>
    %dma_start3A_275 = arith.constant 0 : i32
    %dma_start3A_276 = arith.constant 0 : i32
    %dma_start3A_277 = tpu.memref_slice %arg9[%dma_start3A_275, %dma_start3A_276] : memref<128x128xf32, #tpu.memory_space<vmem>> -> memref<128x128xf32, #tpu.memory_space<vmem>>
    tpu.enqueue_dma source(%dma_start3A_277 : memref<128x128xf32, #tpu.memory_space<vmem>>) target(%dma_start3A_274 : memref<128x128xf32, #tpu.memory_space<hbm>>) target_semaphore(%arg12 : memref<!tpu.dma_semaphore, #tpu.memory_space<semaphore_mem>>)
    %mul3A_278 = arith.constant 632 : i32
    %mul3A_279 = arith.muli %arg1, %mul3A_278 : i32
    %add3A_280 = arith.constant 384 : i32
    %add3A_281 = arith.addi %mul3A_279, %add3A_280 : i32
    %mul3A_282 = arith.constant 10112 : i32
    %mul3A_283 = arith.muli %arg0, %mul3A_282 : i32
    %mul3A_284 = arith.constant 632 : i32
    %mul3A_285 = arith.muli %arg1, %mul3A_284 : i32
    %add3A_286 = arith.addi %mul3A_283, %mul3A_285 : i32
    %add3A_287 = arith.constant 128 : i32
    %add3A_288 = arith.addi %add3A_286, %add3A_287 : i32
    %dma_wait3A_289 = arith.constant 0 : i32
    %dma_wait3A_290 = arith.constant 0 : i32
    %dma_wait3A_291 = tpu.memref_slice %arg10[%dma_wait3A_289, %dma_wait3A_290] : memref<128x128xf32, #tpu.memory_space<vmem>> -> memref<128x128xf32, #tpu.memory_space<vmem>>
    %dma_wait3A_292 = arith.constant 0 : i32
    %dma_wait3A_293 = tpu.memref_slice %arg6[%add3A_288, %dma_wait3A_292] : memref<20224x128xf32, #tpu.memory_space<hbm>> -> memref<128x128xf32, #tpu.memory_space<hbm>>
    %dma_wait3A_294 = arith.constant 0 : i32
    %dma_wait3A_295 = tpu.memref_slice %arg6[%add3A_288, %dma_wait3A_294] : memref<20224x128xf32, #tpu.memory_space<hbm>> -> memref<128x128xf32, #tpu.memory_space<hbm>>
    %dma_wait3A_296 = arith.constant 0 : i32
    %dma_wait3A_297 = arith.constant 0 : i32
    %dma_wait3A_298 = tpu.memref_slice %arg10[%dma_wait3A_296, %dma_wait3A_297] : memref<128x128xf32, #tpu.memory_space<vmem>> -> memref<128x128xf32, #tpu.memory_space<vmem>>
    tpu.wait_dma2 semaphore(%arg13 : memref<!tpu.dma_semaphore, #tpu.memory_space<semaphore_mem>>) src(%dma_wait3A_298 : memref<128x128xf32, #tpu.memory_space<vmem>>) dst(%dma_wait3A_295 : memref<128x128xf32, #tpu.memory_space<hbm>>)
    "tpu.region"() ({
      %run_scoped3A = tpu.sem_alloc : memref<!tpu.dma_semaphore, #tpu.memory_space<semaphore_mem>>
      %dma_start3A_380 = arith.constant 0 : i32
      %dma_start3A_381 = arith.constant 0 : i32
      %dma_start3A_382 = tpu.memref_slice %arg10[%dma_start3A_380, %dma_start3A_381] : memref<128x128xf32, #tpu.memory_space<vmem>> -> memref<128x128xf32, #tpu.memory_space<vmem>>
      %dma_start3A_383 = arith.constant 0 : i32
      %dma_start3A_384 = tpu.memref_slice %arg11[%add3A_281, %dma_start3A_383] : memref<10112x128xf32, #tpu.memory_space<vmem_shared>> -> memref<128x128xf32, #tpu.memory_space<vmem_shared>>
      %dma_start3A_385 = arith.constant 0 : i32
      %dma_start3A_386 = arith.constant 0 : i32
      %dma_start3A_387 = tpu.memref_slice %arg10[%dma_start3A_385, %dma_start3A_386] : memref<128x128xf32, #tpu.memory_space<vmem>> -> memref<128x128xf32, #tpu.memory_space<vmem>>
      %dma_start3A_388 = arith.constant 0 : i32
      %dma_start3A_389 = tpu.memref_slice %arg11[%add3A_281, %dma_start3A_388] : memref<10112x128xf32, #tpu.memory_space<vmem_shared>> -> memref<128x128xf32, #tpu.memory_space<vmem_shared>>
      tpu.enqueue_dma source(%dma_start3A_389 : memref<128x128xf32, #tpu.memory_space<vmem_shared>>) target(%dma_start3A_387 : memref<128x128xf32, #tpu.memory_space<vmem>>) target_semaphore(%run_scoped3A : memref<!tpu.dma_semaphore, #tpu.memory_space<semaphore_mem>>)
      %dma_wait3A_390 = arith.constant 0 : i32
      %dma_wait3A_391 = arith.constant 0 : i32
      %dma_wait3A_392 = tpu.memref_slice %arg10[%dma_wait3A_390, %dma_wait3A_391] : memref<128x128xf32, #tpu.memory_space<vmem>> -> memref<128x128xf32, #tpu.memory_space<vmem>>
      %dma_wait3A_393 = arith.constant 0 : i32
      %dma_wait3A_394 = tpu.memref_slice %arg11[%add3A_281, %dma_wait3A_393] : memref<10112x128xf32, #tpu.memory_space<vmem_shared>> -> memref<128x128xf32, #tpu.memory_space<vmem_shared>>
      %dma_wait3A_395 = arith.constant 0 : i32
      %dma_wait3A_396 = arith.constant 0 : i32
      %dma_wait3A_397 = tpu.memref_slice %arg10[%dma_wait3A_395, %dma_wait3A_396] : memref<128x128xf32, #tpu.memory_space<vmem>> -> memref<128x128xf32, #tpu.memory_space<vmem>>
      %dma_wait3A_398 = arith.constant 0 : i32
      %dma_wait3A_399 = tpu.memref_slice %arg11[%add3A_281, %dma_wait3A_398] : memref<10112x128xf32, #tpu.memory_space<vmem_shared>> -> memref<128x128xf32, #tpu.memory_space<vmem_shared>>
      tpu.wait_dma2 semaphore(%run_scoped3A : memref<!tpu.dma_semaphore, #tpu.memory_space<semaphore_mem>>) src(%dma_wait3A_399 : memref<128x128xf32, #tpu.memory_space<vmem_shared>>) dst(%dma_wait3A_397 : memref<128x128xf32, #tpu.memory_space<vmem>>)
      tpu.yield
    }) : () -> ()
    %mul3A_299 = arith.constant 10112 : i32
    %mul3A_300 = arith.muli %arg0, %mul3A_299 : i32
    %add3A_301 = arith.addi %mul3A_300, %add3A_281 : i32
    %dma_start3A_302 = arith.constant 0 : i32
    %dma_start3A_303 = arith.constant 0 : i32
    %dma_start3A_304 = tpu.memref_slice %arg10[%dma_start3A_302, %dma_start3A_303] : memref<128x128xf32, #tpu.memory_space<vmem>> -> memref<128x128xf32, #tpu.memory_space<vmem>>
    %dma_start3A_305 = arith.constant 0 : i32
    %dma_start3A_306 = tpu.memref_slice %arg6[%add3A_301, %dma_start3A_305] : memref<20224x128xf32, #tpu.memory_space<hbm>> -> memref<128x128xf32, #tpu.memory_space<hbm>>
    %dma_start3A_307 = arith.constant 0 : i32
    %dma_start3A_308 = tpu.memref_slice %arg6[%add3A_301, %dma_start3A_307] : memref<20224x128xf32, #tpu.memory_space<hbm>> -> memref<128x128xf32, #tpu.memory_space<hbm>>
    %dma_start3A_309 = arith.constant 0 : i32
    %dma_start3A_310 = arith.constant 0 : i32
    %dma_start3A_311 = tpu.memref_slice %arg10[%dma_start3A_309, %dma_start3A_310] : memref<128x128xf32, #tpu.memory_space<vmem>> -> memref<128x128xf32, #tpu.memory_space<vmem>>
    tpu.enqueue_dma source(%dma_start3A_311 : memref<128x128xf32, #tpu.memory_space<vmem>>) target(%dma_start3A_308 : memref<128x128xf32, #tpu.memory_space<hbm>>) target_semaphore(%arg13 : memref<!tpu.dma_semaphore, #tpu.memory_space<semaphore_mem>>)
    %mul3A_312 = arith.constant 632 : i32
    %mul3A_313 = arith.muli %arg1, %mul3A_312 : i32
    %add3A_314 = arith.constant 512 : i32
    %add3A_315 = arith.addi %mul3A_313, %add3A_314 : i32
    %mul3A_316 = arith.constant 10112 : i32
    %mul3A_317 = arith.muli %arg0, %mul3A_316 : i32
    %mul3A_318 = arith.constant 632 : i32
    %mul3A_319 = arith.muli %arg1, %mul3A_318 : i32
    %add3A_320 = arith.addi %mul3A_317, %mul3A_319 : i32
    %add3A_321 = arith.constant 256 : i32
    %add3A_322 = arith.addi %add3A_320, %add3A_321 : i32
    %dma_wait3A_323 = arith.constant 0 : i32
    %dma_wait3A_324 = arith.constant 0 : i32
    %dma_wait3A_325 = tpu.memref_slice %arg9[%dma_wait3A_323, %dma_wait3A_324] : memref<128x128xf32, #tpu.memory_space<vmem>> -> memref<128x128xf32, #tpu.memory_space<vmem>>
    %dma_wait3A_326 = arith.constant 0 : i32
    %dma_wait3A_327 = tpu.memref_slice %arg6[%add3A_322, %dma_wait3A_326] : memref<20224x128xf32, #tpu.memory_space<hbm>> -> memref<128x128xf32, #tpu.memory_space<hbm>>
    %dma_wait3A_328 = arith.constant 0 : i32
    %dma_wait3A_329 = tpu.memref_slice %arg6[%add3A_322, %dma_wait3A_328] : memref<20224x128xf32, #tpu.memory_space<hbm>> -> memref<128x128xf32, #tpu.memory_space<hbm>>
    %dma_wait3A_330 = arith.constant 0 : i32
    %dma_wait3A_331 = arith.constant 0 : i32
    %dma_wait3A_332 = tpu.memref_slice %arg9[%dma_wait3A_330, %dma_wait3A_331] : memref<128x128xf32, #tpu.memory_space<vmem>> -> memref<128x128xf32, #tpu.memory_space<vmem>>
    tpu.wait_dma2 semaphore(%arg12 : memref<!tpu.dma_semaphore, #tpu.memory_space<semaphore_mem>>) src(%dma_wait3A_332 : memref<128x128xf32, #tpu.memory_space<vmem>>) dst(%dma_wait3A_329 : memref<128x128xf32, #tpu.memory_space<hbm>>)
    "tpu.region"() ({
      %run_scoped3A = tpu.sem_alloc : memref<!tpu.dma_semaphore, #tpu.memory_space<semaphore_mem>>
      %dma_start3A_380 = arith.constant 0 : i32
      %dma_start3A_381 = arith.constant 0 : i32
      %dma_start3A_382 = tpu.memref_slice %arg9[%dma_start3A_380, %dma_start3A_381] : memref<128x128xf32, #tpu.memory_space<vmem>> -> memref<120x128xf32, #tpu.memory_space<vmem>>
      %dma_start3A_383 = arith.constant 0 : i32
      %dma_start3A_384 = tpu.memref_slice %arg11[%add3A_315, %dma_start3A_383] : memref<10112x128xf32, #tpu.memory_space<vmem_shared>> -> memref<120x128xf32, #tpu.memory_space<vmem_shared>>
      %dma_start3A_385 = arith.constant 0 : i32
      %dma_start3A_386 = arith.constant 0 : i32
      %dma_start3A_387 = tpu.memref_slice %arg9[%dma_start3A_385, %dma_start3A_386] : memref<128x128xf32, #tpu.memory_space<vmem>> -> memref<120x128xf32, #tpu.memory_space<vmem>>
      %dma_start3A_388 = arith.constant 0 : i32
      %dma_start3A_389 = tpu.memref_slice %arg11[%add3A_315, %dma_start3A_388] : memref<10112x128xf32, #tpu.memory_space<vmem_shared>> -> memref<120x128xf32, #tpu.memory_space<vmem_shared>>
      tpu.enqueue_dma source(%dma_start3A_389 : memref<120x128xf32, #tpu.memory_space<vmem_shared>>) target(%dma_start3A_387 : memref<120x128xf32, #tpu.memory_space<vmem>>) target_semaphore(%run_scoped3A : memref<!tpu.dma_semaphore, #tpu.memory_space<semaphore_mem>>)
      %dma_wait3A_390 = arith.constant 0 : i32
      %dma_wait3A_391 = arith.constant 0 : i32
      %dma_wait3A_392 = tpu.memref_slice %arg9[%dma_wait3A_390, %dma_wait3A_391] : memref<128x128xf32, #tpu.memory_space<vmem>> -> memref<120x128xf32, #tpu.memory_space<vmem>>
      %dma_wait3A_393 = arith.constant 0 : i32
      %dma_wait3A_394 = tpu.memref_slice %arg11[%add3A_315, %dma_wait3A_393] : memref<10112x128xf32, #tpu.memory_space<vmem_shared>> -> memref<120x128xf32, #tpu.memory_space<vmem_shared>>
      %dma_wait3A_395 = arith.constant 0 : i32
      %dma_wait3A_396 = arith.constant 0 : i32
      %dma_wait3A_397 = tpu.memref_slice %arg9[%dma_wait3A_395, %dma_wait3A_396] : memref<128x128xf32, #tpu.memory_space<vmem>> -> memref<120x128xf32, #tpu.memory_space<vmem>>
      %dma_wait3A_398 = arith.constant 0 : i32
      %dma_wait3A_399 = tpu.memref_slice %arg11[%add3A_315, %dma_wait3A_398] : memref<10112x128xf32, #tpu.memory_space<vmem_shared>> -> memref<120x128xf32, #tpu.memory_space<vmem_shared>>
      tpu.wait_dma2 semaphore(%run_scoped3A : memref<!tpu.dma_semaphore, #tpu.memory_space<semaphore_mem>>) src(%dma_wait3A_399 : memref<120x128xf32, #tpu.memory_space<vmem_shared>>) dst(%dma_wait3A_397 : memref<120x128xf32, #tpu.memory_space<vmem>>)
      tpu.yield
    }) : () -> ()
    %mul3A_333 = arith.constant 10112 : i32
    %mul3A_334 = arith.muli %arg0, %mul3A_333 : i32
    %add3A_335 = arith.addi %mul3A_334, %add3A_315 : i32
    %dma_start3A_336 = arith.constant 0 : i32
    %dma_start3A_337 = arith.constant 0 : i32
    %dma_start3A_338 = tpu.memref_slice %arg9[%dma_start3A_336, %dma_start3A_337] : memref<128x128xf32, #tpu.memory_space<vmem>> -> memref<120x128xf32, #tpu.memory_space<vmem>>
    %dma_start3A_339 = arith.constant 0 : i32
    %dma_start3A_340 = tpu.memref_slice %arg6[%add3A_335, %dma_start3A_339] : memref<20224x128xf32, #tpu.memory_space<hbm>> -> memref<120x128xf32, #tpu.memory_space<hbm>>
    %dma_start3A_341 = arith.constant 0 : i32
    %dma_start3A_342 = tpu.memref_slice %arg6[%add3A_335, %dma_start3A_341] : memref<20224x128xf32, #tpu.memory_space<hbm>> -> memref<120x128xf32, #tpu.memory_space<hbm>>
    %dma_start3A_343 = arith.constant 0 : i32
    %dma_start3A_344 = arith.constant 0 : i32
    %dma_start3A_345 = tpu.memref_slice %arg9[%dma_start3A_343, %dma_start3A_344] : memref<128x128xf32, #tpu.memory_space<vmem>> -> memref<120x128xf32, #tpu.memory_space<vmem>>
    tpu.enqueue_dma source(%dma_start3A_345 : memref<120x128xf32, #tpu.memory_space<vmem>>) target(%dma_start3A_342 : memref<120x128xf32, #tpu.memory_space<hbm>>) target_semaphore(%arg12 : memref<!tpu.dma_semaphore, #tpu.memory_space<semaphore_mem>>)
    %mul3A_346 = arith.constant 10112 : i32
    %mul3A_347 = arith.muli %arg0, %mul3A_346 : i32
    %mul3A_348 = arith.constant 632 : i32
    %mul3A_349 = arith.muli %arg1, %mul3A_348 : i32
    %add3A_350 = arith.addi %mul3A_347, %mul3A_349 : i32
    %add3A_351 = arith.constant 384 : i32
    %add3A_352 = arith.addi %add3A_350, %add3A_351 : i32
    %dma_wait3A_353 = arith.constant 0 : i32
    %dma_wait3A_354 = arith.constant 0 : i32
    %dma_wait3A_355 = tpu.memref_slice %arg10[%dma_wait3A_353, %dma_wait3A_354] : memref<128x128xf32, #tpu.memory_space<vmem>> -> memref<128x128xf32, #tpu.memory_space<vmem>>
    %dma_wait3A_356 = arith.constant 0 : i32
    %dma_wait3A_357 = tpu.memref_slice %arg6[%add3A_352, %dma_wait3A_356] : memref<20224x128xf32, #tpu.memory_space<hbm>> -> memref<128x128xf32, #tpu.memory_space<hbm>>
    %dma_wait3A_358 = arith.constant 0 : i32
    %dma_wait3A_359 = tpu.memref_slice %arg6[%add3A_352, %dma_wait3A_358] : memref<20224x128xf32, #tpu.memory_space<hbm>> -> memref<128x128xf32, #tpu.memory_space<hbm>>
    %dma_wait3A_360 = arith.constant 0 : i32
    %dma_wait3A_361 = arith.constant 0 : i32
    %dma_wait3A_362 = tpu.memref_slice %arg10[%dma_wait3A_360, %dma_wait3A_361] : memref<128x128xf32, #tpu.memory_space<vmem>> -> memref<128x128xf32, #tpu.memory_space<vmem>>
    tpu.wait_dma2 semaphore(%arg13 : memref<!tpu.dma_semaphore, #tpu.memory_space<semaphore_mem>>) src(%dma_wait3A_362 : memref<128x128xf32, #tpu.memory_space<vmem>>) dst(%dma_wait3A_359 : memref<128x128xf32, #tpu.memory_space<hbm>>)
    %mul3A_363 = arith.constant 10112 : i32
    %mul3A_364 = arith.muli %arg0, %mul3A_363 : i32
    %mul3A_365 = arith.constant 632 : i32
    %mul3A_366 = arith.muli %arg1, %mul3A_365 : i32
    %add3A_367 = arith.addi %mul3A_364, %mul3A_366 : i32
    %add3A_368 = arith.constant 512 : i32
    %add3A_369 = arith.addi %add3A_367, %add3A_368 : i32
    %dma_wait3A_370 = arith.constant 0 : i32
    %dma_wait3A_371 = arith.constant 0 : i32
    %dma_wait3A_372 = tpu.memref_slice %arg9[%dma_wait3A_370, %dma_wait3A_371] : memref<128x128xf32, #tpu.memory_space<vmem>> -> memref<120x128xf32, #tpu.memory_space<vmem>>
    %dma_wait3A_373 = arith.constant 0 : i32
    %dma_wait3A_374 = tpu.memref_slice %arg6[%add3A_369, %dma_wait3A_373] : memref<20224x128xf32, #tpu.memory_space<hbm>> -> memref<120x128xf32, #tpu.memory_space<hbm>>
    %dma_wait3A_375 = arith.constant 0 : i32
    %dma_wait3A_376 = tpu.memref_slice %arg6[%add3A_369, %dma_wait3A_375] : memref<20224x128xf32, #tpu.memory_space<hbm>> -> memref<120x128xf32, #tpu.memory_space<hbm>>
    %dma_wait3A_377 = arith.constant 0 : i32
    %dma_wait3A_378 = arith.constant 0 : i32
    %dma_wait3A_379 = tpu.memref_slice %arg9[%dma_wait3A_377, %dma_wait3A_378] : memref<128x128xf32, #tpu.memory_space<vmem>> -> memref<120x128xf32, #tpu.memory_space<vmem>>
    tpu.wait_dma2 semaphore(%arg12 : memref<!tpu.dma_semaphore, #tpu.memory_space<semaphore_mem>>) src(%dma_wait3A_379 : memref<120x128xf32, #tpu.memory_space<vmem>>) dst(%dma_wait3A_376 : memref<120x128xf32, #tpu.memory_space<hbm>>)
    return
  }
}

module attributes {stable_mosaic.version = 14 : i64} {
  func.func @_xw_body(%arg0: i32, %arg1: memref<5056x128xf32, #tpu.memory_space<vmem>>, %arg2: memref<128x128xf32, #tpu.memory_space<vmem>>, %arg3: memref<5056x128xf32, #tpu.memory_space<vmem>>) attributes {dimension_semantics = [#tpu.dimension_semantics<arbitrary>], iteration_bounds = array<i64: 2>, scalar_prefetch = 0 : i64, scratch_operands = 0 : i64, tpu.core_type = #tpu.core_type<tc>, window_params = [{transform_indices = @transform_0, window_bounds = array<i64: 5056, 128>}, {pipeline_mode = #tpu.pipeline_mode<synchronous>, transform_indices = @transform_1, window_bounds = array<i64: 128, 128>}, {transform_indices = @transform_2, window_bounds = array<i64: 5056, 128>}]} {
    %get3A = arith.constant 0 : index
    %get3A_0 = arith.constant 0 : index
    %get3A_1 = vector.load %arg1[%get3A, %get3A_0] : memref<5056x128xf32, #tpu.memory_space<vmem>>, vector<5056x128xf32>
    %get3A_2 = arith.constant 0 : index
    %get3A_3 = arith.constant 0 : index
    %get3A_4 = vector.load %arg2[%get3A_2, %get3A_3] : memref<128x128xf32, #tpu.memory_space<vmem>>, vector<128x128xf32>
    %dot_general3A = arith.constant dense<0.000000e+00> : vector<5056x128xf32>
    %dot_general3A_5 = tpu.matmul %get3A_1, %get3A_4, %dot_general3A {dimension_numbers = #tpu.dot_dimension_numbers<[1], [0], [0], [1], [0, 0, 1, 1], [], []>, transpose_lhs_hint = false} : vector<5056x128xf32>, vector<128x128xf32>, vector<5056x128xf32> -> vector<5056x128xf32>
    %swap3A = arith.constant 0 : index
    %swap3A_6 = arith.constant 0 : index
    %swap3A_7 = vector.load %arg3[%swap3A, %swap3A_6] : memref<5056x128xf32, #tpu.memory_space<vmem>>, vector<5056x128xf32>
    tpu.vector_store %arg3[%swap3A, %swap3A_6], %dot_general3A_5 {strides = array<i32>} : memref<5056x128xf32, #tpu.memory_space<vmem>>, vector<5056x128xf32>,
    return
  }
  func.func @transform_0(%arg0: i32) -> (i32, i32) {
    %c0_i32 = arith.constant 0 : i32
    %c0_i32_0 = arith.constant 0 : i32
    return %arg0, %c0_i32 : i32, i32
  }
  func.func @transform_1(%arg0: i32) -> (i32, i32) {
    %c0_i32 = arith.constant 0 : i32
    %c0_i32_0 = arith.constant 0 : i32
    %c0_i32_1 = arith.constant 0 : i32
    return %c0_i32, %c0_i32_0 : i32, i32
  }
  func.func @transform_2(%arg0: i32) -> (i32, i32) {
    %c0_i32 = arith.constant 0 : i32
    %c0_i32_0 = arith.constant 0 : i32
    return %arg0, %c0_i32 : i32, i32
  }
}

module attributes {stable_mosaic.version = 14 : i64} {
  func.func @_scale_body(%arg0: i32, %arg1: memref<5056x128xf32, #tpu.memory_space<vmem>>, %arg2: memref<1x1x5056xf32, #tpu.memory_space<vmem>>, %arg3: memref<1x1x5056xf32, #tpu.memory_space<vmem>>, %arg4: memref<5056x128xf32, #tpu.memory_space<vmem>>, %arg5: memref<5056x1xf32, #tpu.memory_space<vmem>>) attributes {dimension_semantics = [#tpu.dimension_semantics<arbitrary>], iteration_bounds = array<i64: 2>, scalar_prefetch = 0 : i64, scratch_operands = 0 : i64, tpu.core_type = #tpu.core_type<tc>, window_params = [{transform_indices = @transform_0, window_bounds = array<i64: 5056, 128>}, {transform_indices = @transform_1, window_bounds = array<i64: 1, 1, 5056>}, {transform_indices = @transform_2, window_bounds = array<i64: 1, 1, 5056>}, {transform_indices = @transform_3, window_bounds = array<i64: 5056, 128>}, {transform_indices = @transform_4, window_bounds = array<i64: 5056, 1>}]} {
    %get3A = arith.constant 0 : index
    %get3A_0 = arith.constant 0 : index
    %get3A_1 = arith.constant 0 : index
    %get3A_2 = vector.load %arg2[%get3A, %get3A_0, %get3A_1] : memref<1x1x5056xf32, #tpu.memory_space<vmem>>, vector<1x1x5056xf32>
    %get3A_3 = vector.shape_cast %get3A_2 : vector<1x1x5056xf32> to vector<1x5056xf32>
    %get3A_4 = arith.constant 0 : index
    %get3A_5 = arith.constant 0 : index
    %get3A_6 = arith.constant 0 : index
    %get3A_7 = vector.load %arg3[%get3A_4, %get3A_5, %get3A_6] : memref<1x1x5056xf32, #tpu.memory_space<vmem>>, vector<1x1x5056xf32>
    %get3A_8 = vector.shape_cast %get3A_7 : vector<1x1x5056xf32> to vector<1x5056xf32>
    %add3A = arith.addf %get3A_3, %get3A_8 : vector<1x5056xf32>
    %max3A = arith.constant 9.99999996E-13 : f32
    %max3A_9 = vector.broadcast %max3A : f32 to vector<1x5056xf32>
    %max3A_10 = arith.maximumf %add3A, %max3A_9 : vector<1x5056xf32>
    %rsqrt3A = math.rsqrt %max3A_10 : vector<1x5056xf32>
    %transpose3A = tpu.transpose %rsqrt3A, [1, 0] : vector<1x5056xf32> -> vector<5056x1xf32>
    %swap3A = arith.constant 0 : index
    %swap3A_11 = arith.constant 0 : index
    %swap3A_12 = vector.load %arg5[%swap3A, %swap3A_11] : memref<5056x1xf32, #tpu.memory_space<vmem>>, vector<5056x1xf32>
    tpu.vector_store %arg5[%swap3A, %swap3A_11], %transpose3A {strides = array<i32>} : memref<5056x1xf32, #tpu.memory_space<vmem>>, vector<5056x1xf32>,
    %get3A_13 = arith.constant 0 : index
    %get3A_14 = arith.constant 0 : index
    %get3A_15 = vector.load %arg1[%get3A_13, %get3A_14] : memref<5056x128xf32, #tpu.memory_space<vmem>>, vector<5056x128xf32>
    %mul3A = vector.broadcast %transpose3A : vector<5056x1xf32> to vector<5056x128xf32>
    %mul3A_16 = arith.mulf %get3A_15, %mul3A : vector<5056x128xf32>
    %swap3A_17 = arith.constant 0 : index
    %swap3A_18 = arith.constant 0 : index
    %swap3A_19 = vector.load %arg4[%swap3A_17, %swap3A_18] : memref<5056x128xf32, #tpu.memory_space<vmem>>, vector<5056x128xf32>
    tpu.vector_store %arg4[%swap3A_17, %swap3A_18], %mul3A_16 {strides = array<i32>} : memref<5056x128xf32, #tpu.memory_space<vmem>>, vector<5056x128xf32>,
    return
  }
  func.func @transform_0(%arg0: i32) -> (i32, i32) {
    %c0_i32 = arith.constant 0 : i32
    %c0_i32_0 = arith.constant 0 : i32
    return %arg0, %c0_i32 : i32, i32
  }
  func.func @transform_1(%arg0: i32) -> (i32, i32, i32) {
    %c0_i32 = arith.constant 0 : i32
    %c0_i32_0 = arith.constant 0 : i32
    %c0_i32_1 = arith.constant 0 : i32
    return %arg0, %c0_i32, %c0_i32_0 : i32, i32, i32
  }
  func.func @transform_2(%arg0: i32) -> (i32, i32, i32) {
    %add3A = arith.constant 2 : i32
    %add3A_0 = arith.addi %arg0, %add3A : i32
    %c0_i32 = arith.constant 0 : i32
    %c0_i32_1 = arith.constant 0 : i32
    %c0_i32_2 = arith.constant 0 : i32
    return %add3A_0, %c0_i32, %c0_i32_1 : i32, i32, i32
  }
  func.func @transform_3(%arg0: i32) -> (i32, i32) {
    %c0_i32 = arith.constant 0 : i32
    %c0_i32_0 = arith.constant 0 : i32
    return %arg0, %c0_i32 : i32, i32
  }
  func.func @transform_4(%arg0: i32) -> (i32, i32) {
    %c0_i32 = arith.constant 0 : i32
    %c0_i32_0 = arith.constant 0 : i32
    return %arg0, %c0_i32 : i32, i32
  }
}

module attributes {stable_mosaic.version = 14 : i64} {
  func.func @_mid_body(%arg0: i32, %arg1: memref<2x5056x128xf32, #tpu.memory_space<vmem>>, %arg2: memref<5056x1xf32, #tpu.memory_space<vmem>>, %arg3: memref<1x128xf32, #tpu.memory_space<vmem>>, %arg4: memref<128x128xf32, #tpu.memory_space<vmem>>, %arg5: memref<5056x128xf32, #tpu.memory_space<vmem>>) attributes {dimension_semantics = [#tpu.dimension_semantics<arbitrary>], iteration_bounds = array<i64: 2>, scalar_prefetch = 0 : i64, scratch_operands = 0 : i64, tpu.core_type = #tpu.core_type<tc>, window_params = [{transform_indices = @transform_0, window_bounds = array<i64: 2, 5056, 128>}, {transform_indices = @transform_1, window_bounds = array<i64: 5056, 1>}, {pipeline_mode = #tpu.pipeline_mode<synchronous>, transform_indices = @transform_2, window_bounds = array<i64: 1, 128>}, {pipeline_mode = #tpu.pipeline_mode<synchronous>, transform_indices = @transform_3, window_bounds = array<i64: 128, 128>}, {transform_indices = @transform_4, window_bounds = array<i64: 5056, 128>}]} {
    %get3A = arith.constant 0 : index
    %get3A_0 = arith.constant 0 : index
    %get3A_1 = vector.load %arg2[%get3A, %get3A_0] : memref<5056x1xf32, #tpu.memory_space<vmem>>, vector<5056x1xf32>
    %get3A_2 = arith.constant 0 : index
    %get3A_3 = arith.constant 0 : index
    %get3A_4 = arith.constant 0 : index
    %get3A_5 = vector.load %arg1[%get3A_2, %get3A_3, %get3A_4] : memref<2x5056x128xf32, #tpu.memory_space<vmem>>, vector<1x5056x128xf32>
    %get3A_6 = vector.shape_cast %get3A_5 : vector<1x5056x128xf32> to vector<5056x128xf32>
    %get3A_7 = arith.constant 1 : index
    %get3A_8 = arith.constant 0 : index
    %get3A_9 = arith.constant 0 : index
    %get3A_10 = vector.load %arg1[%get3A_7, %get3A_8, %get3A_9] : memref<2x5056x128xf32, #tpu.memory_space<vmem>>, vector<1x5056x128xf32>
    %get3A_11 = vector.shape_cast %get3A_10 : vector<1x5056x128xf32> to vector<5056x128xf32>
    %add3A = arith.addf %get3A_6, %get3A_11 : vector<5056x128xf32>
    %mul3A = vector.broadcast %get3A_1 : vector<5056x1xf32> to vector<5056x128xf32>
    %mul3A_12 = arith.mulf %add3A, %mul3A : vector<5056x128xf32>
    %get3A_13 = arith.constant 0 : index
    %get3A_14 = arith.constant 0 : index
    %get3A_15 = vector.load %arg3[%get3A_13, %get3A_14] : memref<1x128xf32, #tpu.memory_space<vmem>>, vector<1x128xf32>
    %add3A_16 = vector.broadcast %get3A_15 : vector<1x128xf32> to vector<5056x128xf32>
    %add3A_17 = arith.addf %mul3A_12, %add3A_16 : vector<5056x128xf32>
    %max3A = arith.constant 0.000000e+00 : f32
    %max3A_18 = vector.broadcast %max3A : f32 to vector<5056x128xf32>
    %max3A_19 = arith.maximumf %add3A_17, %max3A_18 : vector<5056x128xf32>
    %get3A_20 = arith.constant 0 : index
    %get3A_21 = arith.constant 0 : index
    %get3A_22 = vector.load %arg4[%get3A_20, %get3A_21] : memref<128x128xf32, #tpu.memory_space<vmem>>, vector<128x128xf32>
    %dot_general3A = arith.constant dense<0.000000e+00> : vector<5056x128xf32>
    %dot_general3A_23 = tpu.matmul %max3A_19, %get3A_22, %dot_general3A {dimension_numbers = #tpu.dot_dimension_numbers<[1], [0], [0], [1], [0, 0, 1, 1], [], []>, transpose_lhs_hint = false} : vector<5056x128xf32>, vector<128x128xf32>, vector<5056x128xf32> -> vector<5056x128xf32>
    %mul3A_24 = vector.broadcast %get3A_1 : vector<5056x1xf32> to vector<5056x128xf32>
    %mul3A_25 = arith.mulf %dot_general3A_23, %mul3A_24 : vector<5056x128xf32>
    %swap3A = arith.constant 0 : index
    %swap3A_26 = arith.constant 0 : index
    %swap3A_27 = vector.load %arg5[%swap3A, %swap3A_26] : memref<5056x128xf32, #tpu.memory_space<vmem>>, vector<5056x128xf32>
    tpu.vector_store %arg5[%swap3A, %swap3A_26], %mul3A_25 {strides = array<i32>} : memref<5056x128xf32, #tpu.memory_space<vmem>>, vector<5056x128xf32>,
    return
  }
  func.func @transform_0(%arg0: i32) -> (i32, i32, i32) {
    %c0_i32 = arith.constant 0 : i32
    %c0_i32_0 = arith.constant 0 : i32
    %c0_i32_1 = arith.constant 0 : i32
    return %c0_i32, %arg0, %c0_i32_0 : i32, i32, i32
  }
  func.func @transform_1(%arg0: i32) -> (i32, i32) {
    %c0_i32 = arith.constant 0 : i32
    %c0_i32_0 = arith.constant 0 : i32
    return %arg0, %c0_i32 : i32, i32
  }
  func.func @transform_2(%arg0: i32) -> (i32, i32) {
    %c0_i32 = arith.constant 0 : i32
    %c0_i32_0 = arith.constant 0 : i32
    %c0_i32_1 = arith.constant 0 : i32
    return %c0_i32, %c0_i32_0 : i32, i32
  }
  func.func @transform_3(%arg0: i32) -> (i32, i32) {
    %c0_i32 = arith.constant 0 : i32
    %c0_i32_0 = arith.constant 0 : i32
    %c0_i32_1 = arith.constant 0 : i32
    return %c0_i32, %c0_i32_0 : i32, i32
  }
  func.func @transform_4(%arg0: i32) -> (i32, i32) {
    %c0_i32 = arith.constant 0 : i32
    %c0_i32_0 = arith.constant 0 : i32
    return %arg0, %c0_i32 : i32, i32
  }
}

module attributes {stable_mosaic.version = 14 : i64} {
  func.func @_fin_body(%arg0: i32, %arg1: memref<2x5056x128xf32, #tpu.memory_space<vmem>>, %arg2: memref<5056x1xf32, #tpu.memory_space<vmem>>, %arg3: memref<1x128xf32, #tpu.memory_space<vmem>>, %arg4: memref<128x128xf32, #tpu.memory_space<vmem>>, %arg5: memref<1x128xf32, #tpu.memory_space<vmem>>, %arg6: memref<128x64xf32, #tpu.memory_space<vmem>>, %arg7: memref<1x64xf32, #tpu.memory_space<vmem>>, %arg8: memref<5056x128xf32, #tpu.memory_space<vmem>>, %arg9: memref<5056x64xf32, #tpu.memory_space<vmem>>) attributes {dimension_semantics = [#tpu.dimension_semantics<arbitrary>], iteration_bounds = array<i64: 2>, scalar_prefetch = 0 : i64, scratch_operands = 0 : i64, tpu.core_type = #tpu.core_type<tc>, window_params = [{transform_indices = @transform_0, window_bounds = array<i64: 2, 5056, 128>}, {transform_indices = @transform_1, window_bounds = array<i64: 5056, 1>}, {pipeline_mode = #tpu.pipeline_mode<synchronous>, transform_indices = @transform_2, window_bounds = array<i64: 1, 128>}, {pipeline_mode = #tpu.pipeline_mode<synchronous>, transform_indices = @transform_3, window_bounds = array<i64: 128, 128>}, {pipeline_mode = #tpu.pipeline_mode<synchronous>, transform_indices = @transform_4, window_bounds = array<i64: 1, 128>}, {pipeline_mode = #tpu.pipeline_mode<synchronous>, transform_indices = @transform_5, window_bounds = array<i64: 128, 64>}, {pipeline_mode = #tpu.pipeline_mode<synchronous>, transform_indices = @transform_6, window_bounds = array<i64: 1, 64>}, {transform_indices = @transform_7, window_bounds = array<i64: 5056, 128>}, {transform_indices = @transform_8, window_bounds = array<i64: 5056, 64>}]} {
    %get3A = arith.constant 0 : index
    %get3A_0 = arith.constant 0 : index
    %get3A_1 = vector.load %arg2[%get3A, %get3A_0] : memref<5056x1xf32, #tpu.memory_space<vmem>>, vector<5056x1xf32>
    %get3A_2 = arith.constant 0 : index
    %get3A_3 = arith.constant 0 : index
    %get3A_4 = arith.constant 0 : index
    %get3A_5 = vector.load %arg1[%get3A_2, %get3A_3, %get3A_4] : memref<2x5056x128xf32, #tpu.memory_space<vmem>>, vector<1x5056x128xf32>
    %get3A_6 = vector.shape_cast %get3A_5 : vector<1x5056x128xf32> to vector<5056x128xf32>
    %get3A_7 = arith.constant 1 : index
    %get3A_8 = arith.constant 0 : index
    %get3A_9 = arith.constant 0 : index
    %get3A_10 = vector.load %arg1[%get3A_7, %get3A_8, %get3A_9] : memref<2x5056x128xf32, #tpu.memory_space<vmem>>, vector<1x5056x128xf32>
    %get3A_11 = vector.shape_cast %get3A_10 : vector<1x5056x128xf32> to vector<5056x128xf32>
    %add3A = arith.addf %get3A_6, %get3A_11 : vector<5056x128xf32>
    %mul3A = vector.broadcast %get3A_1 : vector<5056x1xf32> to vector<5056x128xf32>
    %mul3A_12 = arith.mulf %add3A, %mul3A : vector<5056x128xf32>
    %get3A_13 = arith.constant 0 : index
    %get3A_14 = arith.constant 0 : index
    %get3A_15 = vector.load %arg3[%get3A_13, %get3A_14] : memref<1x128xf32, #tpu.memory_space<vmem>>, vector<1x128xf32>
    %add3A_16 = vector.broadcast %get3A_15 : vector<1x128xf32> to vector<5056x128xf32>
    %add3A_17 = arith.addf %mul3A_12, %add3A_16 : vector<5056x128xf32>
    %swap3A = arith.constant 0 : index
    %swap3A_18 = arith.constant 0 : index
    %swap3A_19 = vector.load %arg8[%swap3A, %swap3A_18] : memref<5056x128xf32, #tpu.memory_space<vmem>>, vector<5056x128xf32>
    tpu.vector_store %arg8[%swap3A, %swap3A_18], %add3A_17 {strides = array<i32>} : memref<5056x128xf32, #tpu.memory_space<vmem>>, vector<5056x128xf32>,
    %get3A_20 = arith.constant 0 : index
    %get3A_21 = arith.constant 0 : index
    %get3A_22 = vector.load %arg4[%get3A_20, %get3A_21] : memref<128x128xf32, #tpu.memory_space<vmem>>, vector<128x128xf32>
    %dot_general3A = arith.constant dense<0.000000e+00> : vector<5056x128xf32>
    %dot_general3A_23 = tpu.matmul %add3A_17, %get3A_22, %dot_general3A {dimension_numbers = #tpu.dot_dimension_numbers<[1], [0], [0], [1], [0, 0, 1, 1], [], []>, transpose_lhs_hint = false} : vector<5056x128xf32>, vector<128x128xf32>, vector<5056x128xf32> -> vector<5056x128xf32>
    %get3A_24 = arith.constant 0 : index
    %get3A_25 = arith.constant 0 : index
    %get3A_26 = vector.load %arg5[%get3A_24, %get3A_25] : memref<1x128xf32, #tpu.memory_space<vmem>>, vector<1x128xf32>
    %add3A_27 = vector.broadcast %get3A_26 : vector<1x128xf32> to vector<5056x128xf32>
    %add3A_28 = arith.addf %dot_general3A_23, %add3A_27 : vector<5056x128xf32>
    %max3A = arith.constant 0.000000e+00 : f32
    %max3A_29 = vector.broadcast %max3A : f32 to vector<5056x128xf32>
    %max3A_30 = arith.maximumf %add3A_28, %max3A_29 : vector<5056x128xf32>
    %get3A_31 = arith.constant 0 : index
    %get3A_32 = arith.constant 0 : index
    %get3A_33 = vector.load %arg6[%get3A_31, %get3A_32] : memref<128x64xf32, #tpu.memory_space<vmem>>, vector<128x64xf32>
    %dot_general3A_34 = arith.constant dense<0.000000e+00> : vector<5056x64xf32>
    %dot_general3A_35 = tpu.matmul %max3A_30, %get3A_33, %dot_general3A_34 {dimension_numbers = #tpu.dot_dimension_numbers<[1], [0], [0], [1], [0, 0, 1, 1], [], []>, transpose_lhs_hint = false} : vector<5056x128xf32>, vector<128x64xf32>, vector<5056x64xf32> -> vector<5056x64xf32>
    %get3A_36 = arith.constant 0 : index
    %get3A_37 = arith.constant 0 : index
    %get3A_38 = vector.load %arg7[%get3A_36, %get3A_37] : memref<1x64xf32, #tpu.memory_space<vmem>>, vector<1x64xf32>
    %add3A_39 = vector.broadcast %get3A_38 : vector<1x64xf32> to vector<5056x64xf32>
    %add3A_40 = arith.addf %dot_general3A_35, %add3A_39 : vector<5056x64xf32>
    %swap3A_41 = arith.constant 0 : index
    %swap3A_42 = arith.constant 0 : index
    %swap3A_43 = vector.load %arg9[%swap3A_41, %swap3A_42] : memref<5056x64xf32, #tpu.memory_space<vmem>>, vector<5056x64xf32>
    tpu.vector_store %arg9[%swap3A_41, %swap3A_42], %add3A_40 {strides = array<i32>} : memref<5056x64xf32, #tpu.memory_space<vmem>>, vector<5056x64xf32>,
    return
  }
  func.func @transform_0(%arg0: i32) -> (i32, i32, i32) {
    %c0_i32 = arith.constant 0 : i32
    %c0_i32_0 = arith.constant 0 : i32
    %c0_i32_1 = arith.constant 0 : i32
    return %c0_i32, %arg0, %c0_i32_0 : i32, i32, i32
  }
  func.func @transform_1(%arg0: i32) -> (i32, i32) {
    %c0_i32 = arith.constant 0 : i32
    %c0_i32_0 = arith.constant 0 : i32
    return %arg0, %c0_i32 : i32, i32
  }
  func.func @transform_2(%arg0: i32) -> (i32, i32) {
    %c0_i32 = arith.constant 0 : i32
    %c0_i32_0 = arith.constant 0 : i32
    %c0_i32_1 = arith.constant 0 : i32
    return %c0_i32, %c0_i32_0 : i32, i32
  }
  func.func @transform_3(%arg0: i32) -> (i32, i32) {
    %c0_i32 = arith.constant 0 : i32
    %c0_i32_0 = arith.constant 0 : i32
    %c0_i32_1 = arith.constant 0 : i32
    return %c0_i32, %c0_i32_0 : i32, i32
  }
  func.func @transform_4(%arg0: i32) -> (i32, i32) {
    %c0_i32 = arith.constant 0 : i32
    %c0_i32_0 = arith.constant 0 : i32
    %c0_i32_1 = arith.constant 0 : i32
    return %c0_i32, %c0_i32_0 : i32, i32
  }
  func.func @transform_5(%arg0: i32) -> (i32, i32) {
    %c0_i32 = arith.constant 0 : i32
    %c0_i32_0 = arith.constant 0 : i32
    %c0_i32_1 = arith.constant 0 : i32
    return %c0_i32, %c0_i32_0 : i32, i32
  }
  func.func @transform_6(%arg0: i32) -> (i32, i32) {
    %c0_i32 = arith.constant 0 : i32
    %c0_i32_0 = arith.constant 0 : i32
    %c0_i32_1 = arith.constant 0 : i32
    return %c0_i32, %c0_i32_0 : i32, i32
  }
  func.func @transform_7(%arg0: i32) -> (i32, i32) {
    %c0_i32 = arith.constant 0 : i32
    %c0_i32_0 = arith.constant 0 : i32
    return %arg0, %c0_i32 : i32, i32
  }
  func.func @transform_8(%arg0: i32) -> (i32, i32) {
    %c0_i32 = arith.constant 0 : i32
    %c0_i32_0 = arith.constant 0 : i32
    return %arg0, %c0_i32 : i32, i32
  }
}

</mosaic_0001>

<sc_bundles>
// kernel: kernel.12.cloned.1.call-start
scs
__scs_entry_jumppad:
0x0: {  	(pc) =	sbr.rel $0x88, $3  }
0x1: {  	(tag) =	ssettag $0x0;
	lr =	simm.s32 $0x1  }
0x2: {  	[smem:$0x3F97] =	sst lr;
	_ =	strace $0xD0000000  }
0x3: {  	_ = 	snop  }
0x4: {  	_ = 	snop  }
0x5: {  	_ = 	snop  }
0x6: {  	_ = 	snop  }
0x7: {  	_ = 	snop  }
__scs_overlays_trampoline_lowered:
0x8: {  	[smem:$0x3FA6] =	sst s0  }
0x9: {  	[smem:$0x3FA7] =	sst s1  }
0xa: {  	[smem:$0x3FA8] =	sst s2  }
0xb: {  	[smem:$0x3FA9] =	sst s3  }
0xc: {  	[smem:$0x3FAA] =	sst s4  }
0xd: {  	[smem:$0x3FAB] =	sst s5  }
0xe: {  	[smem:$0x3FAC] =	sst s6  }
0xf: {  	[smem:$0x3FAD] =	sst s7  }
0x10: {  	[smem:$0x3FAE] =	sst s8  }
0x11: {  	[smem:$0x3FAF] =	sst s9;
	s0 =	simm.s32 @!p0 $0x0  }
0x12: {  	s1 =	sld [smem:$0x3F95];
	s0 =	simm.s32 @p0 $0x1  }
0x13: {  	[smem:$0x3FB0] =	sst s0;
	s0 =	simm.s32 @!p1 $0x0  }
0x14: {  	s2 =	sld [smem:$0x3F94];
	s0 =	simm.s32 @p1 $0x1  }
0x15: {  	[smem:$0x3FB1] =	sst s0;
	s0 =	simm.s32 @!p2 $0x0  }
0x16: {  	s3 =	sld [smem:$0x3FDB];
	s0 =	simm.s32 @p2 $0x1  }
0x17: {  	s4 =	simm.s32 $0x1BF5;
	[smem:$0x3FB3] =	sst s0  }
0x18: {  	s0 =	sld [smem:$0x3F96];
	_ =	swait.ge [sflag:s4], $0x0  }
0x19: {  	s7 =	sld [smem:$0x3F97]  }
0x1a: {  	s8 =	sadd.s32 $0xFFFFE003, lr  }
0x1b: {  	s9 =	sadd.s32 $0xFFFFFEF7, lr;
	s5 =	simm.s32 $0xFFFFFFFF;
	p2 =	slt.u32 s8, $0xFFFFF086  }
0x1c: {  	p1 =	slt.u32 s9, $0xF7A;
	s5 =	simm.s32 @!p2 $0x0  }
0x1d: {  	s5 =	simm.s32 @p1 $0x1;
	p0 =	seq.s32 s7, s2  }
0x1e: {  	s7 =	smul.u32 @!p0 $0xF7A, s2;
	p2 =	seq.s32 @!p0 s5, $0x0  }
0x1f: {  	s9 =	smul.u32 $0xF7A, s1;
	s8 =	simm.s32 @!p0 $0x1BF5;
	p2 =	por !p2, p0  }
0x20: {  	[sflag:s8] =	ssyncset.s32 @!p0 $0xFFFFF086;
	s6 =	sadd.s32 @!p0 s3, s7;
	s7 =	simm.s32 @!p0 $0x108  }
0x21: {  	s3 =	sadd.s32 s3, s9;
	s6 =	sadd.s32 @!p0 $0x88, s6;
	s7 =	simm.s32 @p2 $0x1082  }
0x22: {  	[simem:s7], [sflag:s8] =	dma.local @!p0 [hbm:s6], $0xF7A  }
0x23: {  	s9 =	sor.u32 $0xD0000000, s2;
	s6 =	simm.s32 $0x108;
	_ =	swait.ge @!p0 [sflag:s8], $0x0  }
0x24: {  	s3 =	sadd.s32 $0x88, s3;
	s6 =	simm.s32 @!p1 $0x1082;
	[sflag:s4] =	ssyncset.s32 $0xFFFFF086  }
0x25: {  	[simem:s6], [sflag:s4] =	dma.local [hbm:s3], $0xF7A  }
0x26: {  	[smem:$0x3F97] =	sst s1;
	(tag) =	ssettag s2;
	_ =	strace s9  }
0x27: {  	s1 =	sld [smem:$0x3FA7]  }
0x28: {  	s2 =	sld [smem:$0x3FA8]  }
0x29: {  	s4 =	sld [smem:$0x3FAA]  }
0x2a: {  	p0 =	seq.s32 s5, $0x0;
	s5 =	sld [smem:$0x3FAB]  }
0x2b: {  	s6 =	sld [smem:$0x3FAC]  }
0x2c: {  	s7 =	sld [smem:$0x3FAD]  }
0x2d: {  	s3 =	simm.s32 $0x108;
	s8 =	sld [smem:$0x3FAE]  }
0x2e: {  	s3 =	simm.s32 @!p0 $0x1082;
	s9 =	sld [smem:$0x3FAF]  }
0x2f: {  	lr =	sadd.s32 s0, s3;
	s0 =	sld [smem:$0x3FA6]  }
0x30: {  	s3 =	sld [smem:$0x3FA9]  }
0x31: {  	[smem:$0x3FB2] =	sst s10  }
0x32: {  	s10 =	sld [smem:$0x3FB0];
	_ =	sdelay $0x3  }
0x33: {  	p0 =	seq.s32 s10, $0x1;
	s10 =	sld [smem:$0x3FB2];
	_ =	sdelay $0x3  }
0x34: {  	[smem:$0x3FB2] =	sst s10  }
0x35: {  	s10 =	sld [smem:$0x3FB1];
	_ =	sdelay $0x3  }
0x36: {  	p1 =	seq.s32 s10, $0x1;
	s10 =	sld [smem:$0x3FB2];
	_ =	sdelay $0x3  }
0x37: {  	[smem:$0x3FB2] =	sst s10  }
0x38: {  	s10 =	sld [smem:$0x3FB3]  }
0x39: {  	_ = 	snop;
	(pc) =	sbr.ind lr, $3  }
0x3a: {  	_ = 	snop  }
0x3b: {  	_ = 	snop  }
0x3c: {  	p2 =	seq.s32 s10, $0x1;
	s10 =	sld [smem:$0x3FB2]  }
0x3d: {  	_ =	shalt  }
0x3e: {  	_ =	shalt  }
0x3f: {  	_ =	shalt  }
0x40: {  	_ =	shalt  }
0x41: {  	_ =	shalt  }
0x42: {  	_ =	shalt  }
0x43: {  	_ =	shalt  }
0x44: {  	_ =	shalt  }
0x45: {  	_ =	shalt  }
0x46: {  	_ =	shalt  }
0x47: {  	_ =	shalt  }
0x48: {  	_ =	shalt  }
0x49: {  	_ =	shalt  }
0x4a: {  	_ =	shalt  }
0x4b: {  	_ =	shalt  }
0x4c: {  	_ =	shalt  }
0x4d: {  	_ =	shalt  }
0x4e: {  	_ =	shalt  }
0x4f: {  	_ =	shalt  }
0x50: {  	_ =	shalt  }
0x51: {  	_ =	shalt  }
0x52: {  	_ =	shalt  }
0x53: {  	_ =	shalt  }
0x54: {  	_ =	shalt  }
0x55: {  	_ =	shalt  }
0x56: {  	_ =	shalt  }
0x57: {  	_ =	shalt  }
0x58: {  	_ =	shalt  }
0x59: {  	_ =	shalt  }
0x5a: {  	_ =	shalt  }
0x5b: {  	_ =	shalt  }
0x5c: {  	_ =	shalt  }
0x5d: {  	_ =	shalt  }
0x5e: {  	_ =	shalt  }
0x5f: {  	_ =	shalt  }
0x60: {  	_ =	shalt  }
0x61: {  	_ =	shalt  }
0x62: {  	_ =	shalt  }
0x63: {  	_ =	shalt  }
0x64: {  	_ =	shalt  }
0x65: {  	_ =	shalt  }
0x66: {  	_ =	shalt  }
0x67: {  	_ =	shalt  }
0x68: {  	_ =	shalt  }
0x69: {  	_ =	shalt  }
0x6a: {  	_ =	shalt  }
0x6b: {  	_ =	shalt  }
0x6c: {  	_ =	shalt  }
0x6d: {  	_ =	shalt  }
0x6e: {  	_ =	shalt  }
0x6f: {  	_ =	shalt  }
0x70: {  	_ =	shalt  }
0x71: {  	_ =	shalt  }
0x72: {  	_ =	shalt  }
0x73: {  	_ =	shalt  }
0x74: {  	_ =	shalt  }
0x75: {  	_ =	shalt  }
0x76: {  	_ =	shalt  }
0x77: {  	_ =	shalt  }
0x78: {  	_ =	shalt  }
0x79: {  	_ =	shalt  }
0x7a: {  	_ =	shalt  }
0x7b: {  	_ =	shalt  }
0x7c: {  	_ =	shalt  }
0x7d: {  	_ =	shalt  }
0x7e: {  	_ =	shalt  }
0x7f: {  	_ =	shalt  }
0x80: {  	_ =	shalt  }
0x81: {  	_ =	shalt  }
0x82: {  	_ =	shalt  }
0x83: {  	_ =	shalt  }
0x84: {  	_ =	shalt  }
0x85: {  	_ =	shalt  }
0x86: {  	_ =	shalt  }
0x87: {  	_ =	shalt  }
.Lfunc_end0:
.L_simem_size_0:
called_computation.1_lowered:
.L_overlay_start_0:
0x88: {  	s2 =	sld [smem:$0x3FD9]  }
0x89: {  	s3 =	sld [smem:$0x3FFE];
	_ =	sdelay $0x1  }
0x8a: {  	s1 =	srdreg.scid  }
0x8b: {  	s0 =	sand.u32 $0x1, s1  }
0x8c: {  	s14 =	sshll.u32 s0, $0xA;
	s2 =	sadd.s32 s3, s2  }
0x8d: {  	s2 =	sadd.s32 s2, s14  }
0x8e: {  	[smem:$0x3FBE] =	sst s2  }
0x8f: {  	_ = 	snop  }
0x90: {  	s2 =	sld [smem:$0x3FD0];
	_ =	sdelay $0x2  }
0x91: {  	s15 =	simm.s32 $0xA;
	s4 =	simm.s32 $0x10  }
0x92: {  	[smem:s4], [sflag:s15] =	dma.local [hbm:s2], $0x1  }
0x93: {  	_ =	swait.eq [sflag:s15], $0x1  }
0x94: {  	[sflag:s15] =	ssyncset.done $0x0  }
0x95: {  	s16 =	sld [smem:$0x10];
	[sflag:s15] =	ssyncadd.s32 $0xFFFFFFFF  }
0x96: {  	s17 =	sld [smem:$0x11];
	(tm) =	ssettm $0x1  }
0x97: {  	s18 =	sld [smem:$0x3FFB];
	_ =	sdelay $0x3  }
0x98: {  	_ =	strace s18  }
0x99: {  	s4 =	sld [smem:$0x3FFC];
	_ =	sdelay $0x3  }
0x9a: {  	_ =	strace s4  }
0x9b: {  	s4 =	sld [smem:$0x3FFD];
	_ =	sdelay $0x3  }
0x9c: {  	_ =	strace s4  }
0x9d: {  	_ =	strace $0x8FFFFFFF  }
0x9e: {  	s19 =	sld [smem:$0x3FDB];
	_ =	sdelay $0x1  }
0x9f: {  	s5 =	simm.s32 $_scs_section_size  }
0xa0: {  	s6 =	simm.s32 $_size__tile_overlayer_lowered;
	s7 =	simm.s32 $_tile_overlayer_lowered  }
0xa1: {  	s22 =	simm.s32 $0x1BFF;
	s21 =	sshll.u32 s7, $0x1;
	s4 =	sadd.s32 s5, s19  }
0xa2: {  	s8 =	simm.s32 $0x0;
	s20 =	sshll.u32 s6, $0x1;
	s6 =	sadd.s32 s21, s4  }
0xa3: {  	[timem:s8], [sflag:s22] =	dma.local [hbm:s6], s20  }
0xa4: {  	_ =	swait.ge [sflag:s22], s20  }
0xa5: {  	s5 =	ssub.s32 $0x0, s20;
	[sflag:s22] =	ssyncset.done $0x0  }
0xa6: {  	[sflag:s22] =	ssyncadd.s32 s5;
	_ =	sdelay $0x1  }
0xa7: {  	s23 =	simm.s32 $0x1B8B  }
0xa8: {  	_ =	swait.ge [sflag:s23], $0x1  }
0xa9: {  	[sflag:s23] =	ssyncset.done $0x0  }
0xaa: {  	s25 =	simm.s32 $0x1B8E;
	s24 =	sld [smem:$0x3FFE];
	[sflag:s23] =	ssyncadd.s32 $0xFFFFFFFF  }
0xab: {  	s26 =	simm.s32 $execute0_lowered;
	[smem:$0x3FD2] =	sst s25  }
0xac: {  	s6 =	sshll.u32 s26, $0x1;
	_ =	strace $0x80000049;
	[dreg:$0x1] =	wrdreg $0xFFFFFFFF  }
0xad: {  	s28 =	simm.s32 $_size_execute0_lowered;
	s4 =	sadd.s32 s4, s6;
	[dreg:$0x0] =	wrdreg $0x0  }
0xae: {  	s6 =	sshll.u32 s28, $0x1;
	[dreg:$0x2] =	wrdreg s4  }
0xaf: {  	[dreg:$0x3] =	wrdreg s6  }
0xb0: {  	[dreg:$0x4] =	wrdreg $0xC0  }
0xb1: {  	_ =	task [dreg:s8], $0x5FFFF  }
0xb2: {  	[dreg:$0x1] =	wrdreg $0xFFFFFFFF  }
0xb3: {  	[dreg:$0x0] =	wrdreg $0x60  }
0xb4: {  	[dreg:$0x2] =	wrdreg s24  }
0xb5: {  	[dreg:$0x3] =	wrdreg s16  }
0xb6: {  	[dreg:$0x4] =	wrdreg s17  }
0xb7: {  	[dreg:$0x5] =	wrdreg $0xB0000  }
0xb8: {  	[dreg:$0x6] =	wrdreg $0x9  }
0xb9: {  	_ =	task.clear_ibuf [dreg:s8], $0x7FFFF;
	_ =	strace $0x90000049  }
0xba: {  	s29 =	simm.s32 $0x9;
	_ =	strace $0x8000004B  }
0xbb: {  	_ =	swait.ge [sflag:s29], $0x1  }
0xbc: {  	[sflag:s29] =	ssyncadd.s32 $0xFFFFFFFF  }
0xbd: {  	_ =	strace $0x9000004B  }
0xbe: {  	_ =	sfence  }
0xbf: {  	s30 =	sld [smem:$0x0];
	_ =	sdelay $0x2  }
0xc0: {  	s31 =	sshll.u32 s1, $0xD;
	s1 =	sshrl.u32 s1, $0x2  }
0xc1: {  	s3 =	sand.u32 $0x4000, s31;
	s1 =	sadd.s32 s1, s30  }
0xc2: {  	s0 =	sor.u32 s3, s0;
	s1 =	sshll.u32 s1, $0x11  }
0xc3: {  	s0 =	sor.u32 s1, s0  }
0xc4: {  	s0 =	sadd.s32 $0x8F2B, s0  }
0xc5: {  	[sflag:s0] =	ssyncadd.remote.s32 $0x1  }
0xc6: {  	_ =	sfence.sel $0xFFFF  }
0xc7: {  	[dreg:$0x0] =	wrdreg $0xFFFFFFFF;
	(pc) =	sbr.abs _section_cstart, $3  }
0xc8: {  	[dreg:$0x1] =	wrdreg $0xFFFFFFFF  }
0xc9: {  	_ =	task.clear_ibuf [dreg:s8], $0x2FFFF;
	_ =	strace $0x9FFFFFFF  }
0xca: {  	(tm) =	ssettm $0x7FFFFFFF  }
0xcb: {  	_ =	shalt  }
tec
execute0_lowered:
.L_overlay_start_1:
0x0: {  	(tag) =	ssettag $0x1  }
0x1: {  	s0 =	rddreg [dreg:$0x0]  }
0x2: {  	s1 =	rddreg [dreg:$0x1]  }
0x3: {  	s5 =	rddreg [dreg:$0x2]  }
0x4: {  	s2 =	rddreg [dreg:$0x3];
	s3 =	simm.s32 $0x0;
	s13 =	stileid.u32  }
0x5: {  	s7 =	srdreg.scid;
	s28 =	simm.s32 $0x7000;
	s29 =	simm.s32 $0x3  }
0x6: {  	s30 =	simm.s32 $0x100;
	s31 =	simm.s32 $0x1880;
	s6 =	smul.u32 $0x2780, s13  }
0x7: {  	[smem:$0x7FF] =	sst s3;
	s4 =	sadd.s32 $0x2E00, s0;
	s11 =	smul.u32 $0x278, s13  }
0x8: {  	s9 =	sand.u32 $0x1, s7;
	s12 =	smul.u32 $0x4F000, s13;
	_ =	strace $0x8000004A  }
0x9: {  	s7 =	ssub.s32 $0x2, s9;
	s10 =	sshll.u32 s9, $0x4;
	s6 =	sadd.s32 s6, s0  }
0xa: {  	s0 =	sadd.s32 $0x51E00, s0;
	s8 =	sshrl.u32 s7, $0x1;
	s16 =	sor.u32 s13, s10  }
0xb: {  	s14 =	sadd.s32 $0x80, s11;
	s19 =	sshrl.u32 s12, $0x2;
	s17 =	sadd.s32 $0x100, s11  }
0xc: {  	s18 =	sadd.s32 $0x180, s11;
	s20 =	ssub.s32 s7, s8;
	s6 =	sadd.s32 $0x2A600, s6  }
0xd: {  	s21 =	sshll.u32 s14, $0x7;
	s22 =	sshll.u32 s17, $0x7;
	s23 =	smul.u32 $0x2C00, s16  }
0xe: {  	s24 =	sshll.u32 s18, $0x7;
	[dreg:$0x5] =	wrdreg s6;
	s6 =	sadd.s32 s19, s2  }
0xf: {  	s7 =	sadd.s32 s21, s2;
	s8 =	sadd.s32 s22, s2;
	s19 =	sadd.s32 $0x200, s11  }
0x10: {  	s21 =	smul.u32 $0x2780, s9;
	s9 =	sadd.s32 s24, s2;
	s25 =	sshll.u32 s19, $0x7  }
0x11: {  	s20 =	smax.u32 s20, $0x1;
	s15 =	sshrl.u32 s23, $0x3;
	s10 =	sadd.s32 s25, s2  }
0x12: {  	s12 =	sadd.s32 s1, s15;
	s26 =	sadd.s32 s5, s15;
	s15 =	sadd.s32 $0x280, s15  }
0x13: {  	s11 =	sadd.s32 s11, s21;
	s16 =	sadd.s32 s21, s14;
	s23 =	sadd.s32 s21, s17  }
0x14: {  	s24 =	sadd.s32 s21, s18;
	s25 =	sadd.s32 s21, s19;
	[dreg:$0x6] =	wrdreg s12  }
0x15: {  	s21 =	simm.s32 $0x3000;
	[dreg:$0x7] =	wrdreg s26;
	s13 =	sadd.s32 s1, s15  }
0x16: {  	s12 =	sshll.u32 s11, $0x4;
	s14 =	sadd.s32 s5, s15;
	s22 =	sshll.u32 s16, $0x4  }
0x17: {  	s1 =	sshll.u32 s23, $0x4;
	s5 =	sshll.u32 s24, $0x4;
	s26 =	sshll.u32 s25, $0x4  }
0x18: {  	s23 =	simm.s32 $0x1800;
	s24 =	simm.s32 $0x1;
	s25 =	simm.s32 $0x2  }
0x19: {  	s15 =	sadd.s32 s0, s12;
	s16 =	sadd.s32 s0, s22;
	s17 =	sadd.s32 s0, s1  }
0x1a: {  	s18 =	sadd.s32 s0, s5;
	s19 =	sadd.s32 s0, s26;
	s22 =	simm.s32 $0x5  }
0x1b: {  	s26 =	simm.s32 $0x80;
	s0 =	simm.s32 $0x4;
	s1 =	simm.s32 $0x0  }
.LBB2_1:
0x1c: {  	s5 =	rddreg [dreg:$0x5]  }
0x1d: {  	[tilespmem:s21], [sflag:$0x5] =	stream.linear.gather [hbm4b:s5+s3], $0x4000, $0x38;
	[tilespmem:$0x1EC00] =	vst v63  }
0x1e: {  	_ =	swait.ge [sflag:s22], $0x4000  }
0x1f: {  	[sflag:s22] =	ssyncset.done $0x0  }
0x20: {  	[sflag:s22] =	ssyncadd.s32 $0xFFFFC000  }
0x21: {  	[spmem:s6] =	stream.linear.scatter [tilespmem:s21], [sflag:$0x1], $0x4000, $0x38;
	[tilespmem:$0x1EC00] =	vst v63  }
0x22: {  	_ = 	snop  }
0x23: {  	[spmem:s7] =	stream.linear.scatter [tilespmem:s21], [sflag:$0x1], $0x4000, $0x38;
	[tilespmem:$0x1EC00] =	vst v63  }
0x24: {  	_ = 	snop  }
0x25: {  	[spmem:s8] =	stream.linear.scatter [tilespmem:s21], [sflag:$0x1], $0x4000, $0x38;
	[tilespmem:$0x1EC00] =	vst v63  }
0x26: {  	_ = 	snop  }
0x27: {  	[spmem:s9] =	stream.linear.scatter [tilespmem:s21], [sflag:$0x1], $0x4000, $0x38;
	[tilespmem:$0x1EC00] =	vst v63  }
0x28: {  	_ = 	snop  }
0x29: {  	[spmem:s10] =	stream.linear.scatter [tilespmem:s21], [sflag:$0x1], $0x3C00, $0x38;
	[tilespmem:$0x1EC00] =	vst v63  }
0x2a: {  	s12 =	rddreg [dreg:$0x6]  }
0x2b: {  	[tilespmem:s3], [sflag:$0x2] =	stream.linear.gather [hbm4b:s12+s3], $0x1400, $0x38;
	[tilespmem:$0x1EC00] =	vst v63  }
0x2c: {  	s11 =	rddreg [dreg:$0x7]  }
0x2d: {  	[tilespmem:s23], [sflag:$0x2] =	stream.linear.gather [hbm4b:s11+s3], $0x1400, $0x38;
	[tilespmem:$0x1EC00] =	vst v63  }
0x2e: {  	_ =	swait.ge [sflag:s24], $0x4000  }
0x2f: {  	[sflag:s24] =	ssyncset.done $0x0  }
0x30: {  	[sflag:s24] =	ssyncadd.s32 $0xFFFFC000  }
0x31: {  	_ =	swait.ge [sflag:s24], $0x4000  }
0x32: {  	[sflag:s24] =	ssyncset.done $0x0  }
0x33: {  	[sflag:s24] =	ssyncadd.s32 $0xFFFFC000  }
0x34: {  	_ =	swait.ge [sflag:s24], $0x4000  }
0x35: {  	[sflag:s24] =	ssyncset.done $0x0  }
0x36: {  	[sflag:s24] =	ssyncadd.s32 $0xFFFFC000  }
0x37: {  	_ =	swait.ge [sflag:s24], $0x4000  }
0x38: {  	[sflag:s24] =	ssyncset.done $0x0  }
0x39: {  	[sflag:s24] =	ssyncadd.s32 $0xFFFFC000  }
0x3a: {  	_ =	swait.ge [sflag:s24], $0x3C00  }
0x3b: {  	[sflag:s24] =	ssyncset.done $0x0  }
0x3c: {  	[sflag:s24] =	ssyncadd.s32 $0xFFFFC400  }
0x3d: {  	_ =	swait.ge [sflag:s25], $0x1400  }
0x3e: {  	[sflag:s25] =	ssyncset.done $0x0  }
0x3f: {  	[sflag:s25] =	ssyncadd.s32 $0xFFFFEC00  }
0x40: {  	_ =	swait.ge [sflag:s25], $0x1400  }
0x41: {  	[sflag:s25] =	ssyncset.done $0x0  }
0x42: {  	[sflag:s25] =	ssyncadd.s32 $0xFFFFEC00  }
0x43: {  	[bflag:$0x0] =	sbarrier.arrive $0xFFFF  }
0x44: {  	[tilespmem:s21], [sflag:$0x1] =	stream.indirect.gather [hbm4b:s4+s26], $0x80, s3, s26, $0xb8;
	[tilespmem:$0x1EC00] =	vst v63  }
0x45: {  	_ = 	snop  }
0x46: {  	[tilespmem:s28], [sflag:$0x2] =	stream.indirect.gather [hbm4b:s4+s26], $0x80, s26, s26, $0xb8;
	[tilespmem:$0x1EC00] =	vst v63  }
0x47: {  	_ =	swait.ge [sflag:s24], $0x4000  }
0x48: {  	[sflag:s24] =	ssyncset.done $0x0  }
0x49: {  	[sflag:s24] =	ssyncadd.s32 $0xFFFFC000  }
0x4a: {  	[spmem:s2] =	stream.indirect.scatter.add.f32 [tilespmem:s21], [sflag:$0x3], $0x80, s23, s26, $0xb8;
	[tilespmem:$0x1EC00] =	vst v63  }
0x4b: {  	_ =	swait.ge [sflag:s29], $0x4000  }
0x4c: {  	[sflag:s29] =	ssyncset.done $0x0  }
0x4d: {  	[sflag:s29] =	ssyncadd.s32 $0xFFFFC000  }
0x4e: {  	[tilespmem:s21], [sflag:$0x1] =	stream.indirect.gather [hbm4b:s4+s26], $0x80, s30, s26, $0xb8;
	[tilespmem:$0x1EC00] =	vst v63  }
0x4f: {  	_ =	swait.ge [sflag:s25], $0x4000  }
0x50: {  	[sflag:s25] =	ssyncset.done $0x0  }
0x51: {  	[sflag:s25] =	ssyncadd.s32 $0xFFFFC000  }
0x52: {  	[spmem:s2] =	stream.indirect.scatter.add.f32 [tilespmem:s28], [sflag:$0x4], $0x80, s31, s26, $0xb8;
	[tilespmem:$0x1EC00] =	vst v63  }
0x53: {  	_ =	swait.ge [sflag:s0], $0x4000  }
0x54: {  	[sflag:s0] =	ssyncset.done $0x0  }
0x55: {  	s12 =	simm.s32 $0x180;
	[sflag:s0] =	ssyncadd.s32 $0xFFFFC000  }
0x56: {  	[tilespmem:s28], [sflag:$0x2] =	stream.indirect.gather [hbm4b:s4+s26], $0x80, s12, s26, $0xb8;
	[tilespmem:$0x1EC00] =	vst v63  }
0x57: {  	_ =	swait.ge [sflag:s24], $0x4000  }
0x58: {  	[sflag:s24] =	ssyncset.done $0x0  }
0x59: {  	s11 =	simm.s32 $0x1900;
	[sflag:s24] =	ssyncadd.s32 $0xFFFFC000  }
0x5a: {  	[spmem:s2] =	stream.indirect.scatter.add.f32 [tilespmem:s21], [sflag:$0x3], $0x80, s11, s26, $0xb8;
	[tilespmem:$0x1EC00] =	vst v63  }
0x5b: {  	_ =	swait.ge [sflag:s29], $0x4000  }
0x5c: {  	[sflag:s29] =	ssyncset.done $0x0  }
0x5d: {  	s12 =	simm.s32 $0x200;
	[sflag:s29] =	ssyncadd.s32 $0xFFFFC000  }
0x5e: {  	[tilespmem:s21], [sflag:$0x1] =	stream.indirect.gather [hbm4b:s4+s26], $0x80, s12, s26, $0xb8;
	[tilespmem:$0x1EC00] =	vst v63  }
0x5f: {  	_ =	swait.ge [sflag:s25], $0x4000  }
0x60: {  	[sflag:s25] =	ssyncset.done $0x0  }
0x61: {  	s5 =	simm.s32 $0xFFFFBC00;
	s11 =	simm.s32 $0x1980;
	[sflag:s25] =	ssyncadd.s32 $0xFFFFC000  }
.LBB2_2:
0x62: {  	[spmem:s2] =	stream.indirect.scatter.add.f32 [tilespmem:s28], [sflag:$0x4], $0x80, s11, s26, $0xb8;
	[tilespmem:$0x1EC00] =	vst v63  }
0x63: {  	s11 =	smov.u32 s5  }
0x64: {  	p0 =	sne.s32 s5, $0xFFFFFC00;
	s5 =	sadd.s32 $0x400, s5;
	_ =	swait.ge [sflag:s0], $0x4000  }
0x65: {  	s11 =	sshra.s32 s11, $0x2;
	[sflag:s0] =	ssyncset.done $0x0  }
0x66: {  	s12 =	sadd.s32 $0x1380, s11;
	[sflag:s0] =	ssyncadd.s32 $0xFFFFC000  }
0x67: {  	[tilespmem:s28], [sflag:$0x2] =	stream.indirect.gather [hbm4b:s4+s26], $0x80, s12, s26, $0xb8;
	[tilespmem:$0x1EC00] =	vst v63  }
0x68: {  	_ =	swait.ge [sflag:s24], $0x4000  }
0x69: {  	[sflag:s24] =	ssyncset.done $0x0  }
0x6a: {  	s12 =	sadd.s32 $0x2B00, s11;
	[sflag:s24] =	ssyncadd.s32 $0xFFFFC000  }
0x6b: {  	[spmem:s2] =	stream.indirect.scatter.add.f32 [tilespmem:s21], [sflag:$0x3], $0x80, s12, s26, $0xb8;
	[tilespmem:$0x1EC00] =	vst v63  }
0x6c: {  	_ =	swait.ge [sflag:s29], $0x4000  }
0x6d: {  	[sflag:s29] =	ssyncset.done $0x0  }
.Ltmp0:
0x6e: {  	s12 =	sadd.s32 $0x1400, s11;
	[sflag:s29] =	ssyncadd.s32 $0xFFFFC000;
	(pc) =	sbr.rel @p0 .LBB2_2-.Ltmp0, $4  }
0x6f: {  	[tilespmem:s21], [sflag:$0x1] =	stream.indirect.gather [hbm4b:s4+s26], $0x80, s12, s26, $0xb8;
	[tilespmem:$0x1EC00] =	vst v63  }
0x70: {  	_ =	swait.ge [sflag:s25], $0x4000  }
0x71: {  	[sflag:s25] =	ssyncset.done $0x0  }
0x72: {  	s11 =	sadd.s32 $0x2B80, s11;
	[sflag:s25] =	ssyncadd.s32 $0xFFFFC000  }
0x73: {  	[spmem:s2] =	stream.indirect.scatter.add.f32 [tilespmem:s28], [sflag:$0x4], $0x80, s11, s26, $0xb8;
	[tilespmem:$0x1EC00] =	vst v63  }
0x74: {  	_ =	swait.ge [sflag:s0], $0x4000  }
0x75: {  	[sflag:s0] =	ssyncset.done $0x0  }
0x76: {  	s5 =	simm.s32 $0x1380;
	[sflag:s0] =	ssyncadd.s32 $0xFFFFC000  }
0x77: {  	[tilespmem:s28], [sflag:$0x2] =	stream.indirect.gather [hbm4b:s4+s26], $0x80, s5, s26, $0xb8;
	[tilespmem:$0x1EC00] =	vst v63  }
0x78: {  	_ =	swait.ge [sflag:s24], $0x4000  }
0x79: {  	[sflag:s24] =	ssyncset.done $0x0  }
0x7a: {  	s12 =	simm.s32 $0x2B00;
	[sflag:s24] =	ssyncadd.s32 $0xFFFFC000  }
0x7b: {  	[spmem:s2] =	stream.indirect.scatter.add.f32 [tilespmem:s21], [sflag:$0x3], $0x80, s12, s26, $0xb8;
	[tilespmem:$0x1EC00] =	vst v63  }
0x7c: {  	_ =	swait.ge [sflag:s29], $0x4000  }
0x7d: {  	[sflag:s29] =	ssyncset.done $0x0  }
0x7e: {  	[sflag:s29] =	ssyncadd.s32 $0xFFFFC000  }
0x7f: {  	_ =	swait.ge [sflag:s25], $0x4000  }
0x80: {  	[sflag:s25] =	ssyncset.done $0x0  }
0x81: {  	s11 =	simm.s32 $0x2B80;
	[sflag:s25] =	ssyncadd.s32 $0xFFFFC000  }
0x82: {  	[spmem:s2] =	stream.indirect.scatter.add.f32 [tilespmem:s28], [sflag:$0x4], $0x80, s11, s26, $0xb8;
	[tilespmem:$0x1EC00] =	vst v63  }
0x83: {  	_ =	swait.ge [sflag:s0], $0x4000  }
0x84: {  	[sflag:s0] =	ssyncset.done $0x0  }
0x85: {  	[sflag:s0] =	ssyncadd.s32 $0xFFFFC000  }
0x86: {  	[tilespmem:s3], [sflag:$0x5] =	stream.linear.gather [hbm4b:s13+s3], $0x1480, $0x38;
	[tilespmem:$0x1EC00] =	vst v63  }
0x87: {  	_ =	swait.ge [sflag:s22], $0x1480  }
0x88: {  	[sflag:s22] =	ssyncset.done $0x0  }
0x89: {  	[sflag:s22] =	ssyncadd.s32 $0xFFFFEB80  }
0x8a: {  	[tilespmem:s23], [sflag:$0x5] =	stream.linear.gather [hbm4b:s14+s3], $0x1480, $0x38;
	[tilespmem:$0x1EC00] =	vst v63  }
0x8b: {  	_ =	swait.ge [sflag:s22], $0x1480  }
0x8c: {  	[sflag:s22] =	ssyncset.done $0x0  }
0x8d: {  	[sflag:s22] =	ssyncadd.s32 $0xFFFFEB80  }
0x8e: {  	[tilespmem:s21], [sflag:$0x1] =	stream.indirect.gather [hbm4b:s4+s26], $0x80, s3, s26, $0xb8;
	[tilespmem:$0x1EC00] =	vst v63  }
0x8f: {  	_ = 	snop  }
0x90: {  	[tilespmem:s28], [sflag:$0x2] =	stream.indirect.gather [hbm4b:s4+s26], $0x80, s26, s26, $0xb8;
	[tilespmem:$0x1EC00] =	vst v63  }
0x91: {  	_ =	swait.ge [sflag:s24], $0x4000  }
0x92: {  	[sflag:s24] =	ssyncset.done $0x0  }
0x93: {  	[sflag:s24] =	ssyncadd.s32 $0xFFFFC000  }
0x94: {  	[spmem:s2] =	stream.indirect.scatter.add.f32 [tilespmem:s21], [sflag:$0x3], $0x80, s23, s26, $0xb8;
	[tilespmem:$0x1EC00] =	vst v63  }
0x95: {  	_ =	swait.ge [sflag:s29], $0x4000  }
0x96: {  	[sflag:s29] =	ssyncset.done $0x0  }
0x97: {  	[sflag:s29] =	ssyncadd.s32 $0xFFFFC000  }
0x98: {  	[tilespmem:s21], [sflag:$0x1] =	stream.indirect.gather [hbm4b:s4+s26], $0x80, s30, s26, $0xb8;
	[tilespmem:$0x1EC00] =	vst v63  }
0x99: {  	_ =	swait.ge [sflag:s25], $0x4000  }
0x9a: {  	[sflag:s25] =	ssyncset.done $0x0  }
0x9b: {  	[sflag:s25] =	ssyncadd.s32 $0xFFFFC000  }
0x9c: {  	[spmem:s2] =	stream.indirect.scatter.add.f32 [tilespmem:s28], [sflag:$0x4], $0x80, s31, s26, $0xb8;
	[tilespmem:$0x1EC00] =	vst v63  }
0x9d: {  	_ =	swait.ge [sflag:s0], $0x4000  }
0x9e: {  	[sflag:s0] =	ssyncset.done $0x0  }
0x9f: {  	s12 =	simm.s32 $0x180;
	[sflag:s0] =	ssyncadd.s32 $0xFFFFC000  }
0xa0: {  	[tilespmem:s28], [sflag:$0x2] =	stream.indirect.gather [hbm4b:s4+s26], $0x80, s12, s26, $0xb8;
	[tilespmem:$0x1EC00] =	vst v63  }
0xa1: {  	_ =	swait.ge [sflag:s24], $0x4000  }
0xa2: {  	[sflag:s24] =	ssyncset.done $0x0  }
0xa3: {  	s11 =	simm.s32 $0x1900;
	[sflag:s24] =	ssyncadd.s32 $0xFFFFC000  }
0xa4: {  	[spmem:s2] =	stream.indirect.scatter.add.f32 [tilespmem:s21], [sflag:$0x3], $0x80, s11, s26, $0xb8;
	[tilespmem:$0x1EC00] =	vst v63  }
0xa5: {  	_ =	swait.ge [sflag:s29], $0x4000  }
0xa6: {  	[sflag:s29] =	ssyncset.done $0x0  }
0xa7: {  	s12 =	simm.s32 $0x200;
	[sflag:s29] =	ssyncadd.s32 $0xFFFFC000  }
0xa8: {  	[tilespmem:s21], [sflag:$0x1] =	stream.indirect.gather [hbm4b:s4+s26], $0x80, s12, s26, $0xb8;
	[tilespmem:$0x1EC00] =	vst v63  }
0xa9: {  	_ =	swait.ge [sflag:s25], $0x4000  }
0xaa: {  	[sflag:s25] =	ssyncset.done $0x0  }
0xab: {  	s5 =	simm.s32 $0xFFFFB800;
	s11 =	simm.s32 $0x1980;
	[sflag:s25] =	ssyncadd.s32 $0xFFFFC000  }
.LBB2_4:
0xac: {  	[spmem:s2] =	stream.indirect.scatter.add.f32 [tilespmem:s28], [sflag:$0x4], $0x80, s11, s26, $0xb8;
	[tilespmem:$0x1EC00] =	vst v63  }
0xad: {  	s11 =	smov.u32 s5  }
0xae: {  	p0 =	sne.s32 s5, $0xFFFFFC00;
	s5 =	sadd.s32 $0x400, s5;
	_ =	swait.ge [sflag:s0], $0x4000  }
0xaf: {  	s11 =	sshra.s32 s11, $0x2;
	[sflag:s0] =	ssyncset.done $0x0  }
0xb0: {  	s12 =	sadd.s32 $0x1480, s11;
	[sflag:s0] =	ssyncadd.s32 $0xFFFFC000  }
0xb1: {  	[tilespmem:s28], [sflag:$0x2] =	stream.indirect.gather [hbm4b:s4+s26], $0x80, s12, s26, $0xb8;
	[tilespmem:$0x1EC00] =	vst v63  }
0xb2: {  	_ =	swait.ge [sflag:s24], $0x4000  }
0xb3: {  	[sflag:s24] =	ssyncset.done $0x0  }
0xb4: {  	s12 =	sadd.s32 $0x2C00, s11;
	[sflag:s24] =	ssyncadd.s32 $0xFFFFC000  }
0xb5: {  	[spmem:s2] =	stream.indirect.scatter.add.f32 [tilespmem:s21], [sflag:$0x3], $0x80, s12, s26, $0xb8;
	[tilespmem:$0x1EC00] =	vst v63  }
0xb6: {  	_ =	swait.ge [sflag:s29], $0x4000  }
0xb7: {  	[sflag:s29] =	ssyncset.done $0x0  }
.Ltmp1:
0xb8: {  	s12 =	sadd.s32 $0x1500, s11;
	[sflag:s29] =	ssyncadd.s32 $0xFFFFC000;
	(pc) =	sbr.rel @p0 .LBB2_4-.Ltmp1, $4  }
0xb9: {  	[tilespmem:s21], [sflag:$0x1] =	stream.indirect.gather [hbm4b:s4+s26], $0x80, s12, s26, $0xb8;
	[tilespmem:$0x1EC00] =	vst v63  }
0xba: {  	_ =	swait.ge [sflag:s25], $0x4000  }
0xbb: {  	[sflag:s25] =	ssyncset.done $0x0  }
0xbc: {  	s11 =	sadd.s32 $0x2C80, s11;
	[sflag:s25] =	ssyncadd.s32 $0xFFFFC000  }
0xbd: {  	[spmem:s2] =	stream.indirect.scatter.add.f32 [tilespmem:s28], [sflag:$0x4], $0x80, s11, s26, $0xb8;
	[tilespmem:$0x1EC00] =	vst v63  }
0xbe: {  	_ =	swait.ge [sflag:s0], $0x4000  }
0xbf: {  	[sflag:s0] =	ssyncset.done $0x0  }
0xc0: {  	[sflag:s0] =	ssyncadd.s32 $0xFFFFC000  }
0xc1: {  	_ =	swait.ge [sflag:s24], $0x4000  }
0xc2: {  	[sflag:s24] =	ssyncset.done $0x0  }
0xc3: {  	s5 =	simm.s32 $0x2C00;
	[sflag:s24] =	ssyncadd.s32 $0xFFFFC000  }
0xc4: {  	[spmem:s2] =	stream.indirect.scatter.add.f32 [tilespmem:s21], [sflag:$0x3], $0x80, s5, s26, $0xb8;
	[tilespmem:$0x1EC00] =	vst v63  }
0xc5: {  	_ =	swait.ge [sflag:s29], $0x4000  }
0xc6: {  	[sflag:s29] =	ssyncset.done $0x0  }
0xc7: {  	[sflag:s29] =	ssyncadd.s32 $0xFFFFC000  }
0xc8: {  	[bflag:$0x0] =	sbarrier.arrive $0xFFFF  }
0xc9: {  	[tilespmem:s21], [sflag:$0x5] =	stream.linear.gather [spmem:s6], $0x4000, $0x38;
	[tilespmem:$0x1EC00] =	vst v63  }
0xca: {  	_ =	swait.ge [sflag:s22], $0x4000  }
0xcb: {  	[sflag:s22] =	ssyncset.done $0x0  }
0xcc: {  	[sflag:s22] =	ssyncadd.s32 $0xFFFFC000  }
0xcd: {  	[hbm4b:s15+s3] =	stream.linear.scatter [tilespmem:s21], [sflag:$0x1], $0x4000, $0x38;
	[tilespmem:$0x1EC00] =	vst v63  }
0xce: {  	_ = 	snop  }
0xcf: {  	[tilespmem:s28], [sflag:$0x5] =	stream.linear.gather [spmem:s7], $0x4000, $0x38;
	[tilespmem:$0x1EC00] =	vst v63  }
0xd0: {  	_ =	swait.ge [sflag:s22], $0x4000  }
0xd1: {  	[sflag:s22] =	ssyncset.done $0x0  }
0xd2: {  	[sflag:s22] =	ssyncadd.s32 $0xFFFFC000  }
0xd3: {  	[hbm4b:s16+s3] =	stream.linear.scatter [tilespmem:s28], [sflag:$0x2], $0x4000, $0x38;
	[tilespmem:$0x1EC00] =	vst v63  }
0xd4: {  	_ =	swait.ge [sflag:s24], $0x4000  }
0xd5: {  	[sflag:s24] =	ssyncset.done $0x0  }
0xd6: {  	[sflag:s24] =	ssyncadd.s32 $0xFFFFC000  }
0xd7: {  	[tilespmem:s21], [sflag:$0x5] =	stream.linear.gather [spmem:s8], $0x4000, $0x38;
	[tilespmem:$0x1EC00] =	vst v63  }
0xd8: {  	_ =	swait.ge [sflag:s22], $0x4000  }
0xd9: {  	[sflag:s22] =	ssyncset.done $0x0  }
0xda: {  	[sflag:s22] =	ssyncadd.s32 $0xFFFFC000  }
0xdb: {  	[hbm4b:s17+s3] =	stream.linear.scatter [tilespmem:s21], [sflag:$0x1], $0x4000, $0x38;
	[tilespmem:$0x1EC00] =	vst v63  }
0xdc: {  	_ =	swait.ge [sflag:s25], $0x4000  }
0xdd: {  	[sflag:s25] =	ssyncset.done $0x0  }
0xde: {  	[sflag:s25] =	ssyncadd.s32 $0xFFFFC000  }
0xdf: {  	[tilespmem:s28], [sflag:$0x5] =	stream.linear.gather [spmem:s9], $0x4000, $0x38;
	[tilespmem:$0x1EC00] =	vst v63  }
0xe0: {  	_ =	swait.ge [sflag:s22], $0x4000  }
0xe1: {  	[sflag:s22] =	ssyncset.done $0x0  }
0xe2: {  	[sflag:s22] =	ssyncadd.s32 $0xFFFFC000  }
0xe3: {  	[hbm4b:s18+s3] =	stream.linear.scatter [tilespmem:s28], [sflag:$0x2], $0x4000, $0x38;
	[tilespmem:$0x1EC00] =	vst v63  }
0xe4: {  	_ =	swait.ge [sflag:s24], $0x4000  }
0xe5: {  	[sflag:s24] =	ssyncset.done $0x0  }
0xe6: {  	[sflag:s24] =	ssyncadd.s32 $0xFFFFC000  }
0xe7: {  	[tilespmem:s21], [sflag:$0x5] =	stream.linear.gather [spmem:s10], $0x3C00, $0x38;
	[tilespmem:$0x1EC00] =	vst v63  }
0xe8: {  	_ =	swait.ge [sflag:s22], $0x3C00  }
0xe9: {  	[sflag:s22] =	ssyncset.done $0x0  }
0xea: {  	s1 =	sadd.s32 $0x1, s1;
	[sflag:s22] =	ssyncadd.s32 $0xFFFFC400  }
0xeb: {  	[hbm4b:s19+s3] =	stream.linear.scatter [tilespmem:s21], [sflag:$0x1], $0x3C00, $0x38;
	[tilespmem:$0x1EC00] =	vst v63  }
0xec: {  	p0 =	sne.s32 s1, s20;
	_ =	swait.ge [sflag:s25], $0x4000  }
.Ltmp2:
0xed: {  	[sflag:s25] =	ssyncset.done $0x0;
	(pc) =	sbr.rel @p0 .LBB2_1-.Ltmp2, $4  }
0xee: {  	[sflag:s25] =	ssyncadd.s32 $0xFFFFC000  }
0xef: {  	_ =	swait.ge [sflag:s24], $0x3C00  }
0xf0: {  	[sflag:s24] =	ssyncset.done $0x0  }
0xf1: {  	[sflag:s24] =	ssyncadd.s32 $0xFFFFC400  }
0xf2: {  	_ =	sfence.sel $0x180000  }
0xf3: {  	[bflag:$0x0] =	sbarrier.arrive $0xFFFF  }
0xf4: {  	_ =	strace $0x9000004A  }
0xf5: {  	s0 =	stileid.u32;
	[bflag:$0x2] =	sbarrier.arrive $0xFFFF  }
0xf6: {  	p0 =	sne.s32 s0, $0x0;
	s0 =	rddreg [dreg:$0x4]  }
0xf7: {  	s0 =	sadd.s32 @!p0 $0x100000, s0  }
0xf8: {  	[sflag:s0] =	ssyncadd.tile.s32 @!p0 $0x1;
	_ =	shalt  }
.Lfunc_end2:
_tile_overlayer_lowered:
.L_overlay_start_2:
0xf9: {  	(tag) =	ssettag $0x2  }
0xfa: {  	s0 =	rddreg [dreg:$0x0];
	s2 =	stileid.u32  }
0xfb: {  	s1 =	rddreg [dreg:$0x1];
	p0 =	sne.s32 s2, $0x0  }
0xfc: {  	s3 =	rddreg [dreg:$0x2];
	[bflag:$0x3] =	sbarrier.arrive $0xFFFF;
	s2 =	simm.s32 @!p0 $0x1C05  }
0xfd: {  	[timem:s3], [sflag:s2] =	dma.local @!p0 [hbm:s0], s1  }
0xfe: {  	s0 =	simm.s32 @!p0 $0x5  }
0xff: {  	_ =	swait.ge @!p0 [sflag:s0], s1  }
0x100: {  	s1 =	ssub.s32 @!p0 $0x0, s1;
	[sflag:s0] =	ssyncset.done @!p0 $0x0  }
0x101: {  	[sflag:s0] =	ssyncadd.s32 @!p0 s1  }
0x102: {  	[bflag:$0x3] =	sbarrier.arrive $0xFFFF  }
0x103: {  	_ =	shalt  }

// kernel: kernel.15.cloned.1.call-start
scs
__scs_entry_jumppad:
0x0: {  	(pc) =	sbr.rel $0x88, $3  }
0x1: {  	(tag) =	ssettag $0x0;
	lr =	simm.s32 $0x1  }
0x2: {  	[smem:$0x3F97] =	sst lr;
	_ =	strace $0xD0000000  }
0x3: {  	_ = 	snop  }
0x4: {  	_ = 	snop  }
0x5: {  	_ = 	snop  }
0x6: {  	_ = 	snop  }
0x7: {  	_ = 	snop  }
__scs_overlays_trampoline_lowered:
0x8: {  	[smem:$0x3FA6] =	sst s0  }
0x9: {  	[smem:$0x3FA7] =	sst s1  }
0xa: {  	[smem:$0x3FA8] =	sst s2  }
0xb: {  	[smem:$0x3FA9] =	sst s3  }
0xc: {  	[smem:$0x3FAA] =	sst s4  }
0xd: {  	[smem:$0x3FAB] =	sst s5  }
0xe: {  	[smem:$0x3FAC] =	sst s6  }
0xf: {  	[smem:$0x3FAD] =	sst s7  }
0x10: {  	[smem:$0x3FAE] =	sst s8  }
0x11: {  	[smem:$0x3FAF] =	sst s9;
	s0 =	simm.s32 @!p0 $0x0  }
0x12: {  	s1 =	sld [smem:$0x3F95];
	s0 =	simm.s32 @p0 $0x1  }
0x13: {  	[smem:$0x3FB0] =	sst s0;
	s0 =	simm.s32 @!p1 $0x0  }
0x14: {  	s2 =	sld [smem:$0x3F94];
	s0 =	simm.s32 @p1 $0x1  }
0x15: {  	[smem:$0x3FB1] =	sst s0;
	s0 =	simm.s32 @!p2 $0x0  }
0x16: {  	s3 =	sld [smem:$0x3FDB];
	s0 =	simm.s32 @p2 $0x1  }
0x17: {  	s4 =	simm.s32 $0x1BF5;
	[smem:$0x3FB3] =	sst s0  }
0x18: {  	s0 =	sld [smem:$0x3F96];
	_ =	swait.ge [sflag:s4], $0x0  }
0x19: {  	s7 =	sld [smem:$0x3F97]  }
0x1a: {  	s8 =	sadd.s32 $0xFFFFE003, lr  }
0x1b: {  	s9 =	sadd.s32 $0xFFFFFEF7, lr;
	s5 =	simm.s32 $0xFFFFFFFF;
	p2 =	slt.u32 s8, $0xFFFFF086  }
0x1c: {  	p1 =	slt.u32 s9, $0xF7A;
	s5 =	simm.s32 @!p2 $0x0  }
0x1d: {  	s5 =	simm.s32 @p1 $0x1;
	p0 =	seq.s32 s7, s2  }
0x1e: {  	s7 =	smul.u32 @!p0 $0xF7A, s2;
	p2 =	seq.s32 @!p0 s5, $0x0  }
0x1f: {  	s9 =	smul.u32 $0xF7A, s1;
	s8 =	simm.s32 @!p0 $0x1BF5;
	p2 =	por !p2, p0  }
0x20: {  	[sflag:s8] =	ssyncset.s32 @!p0 $0xFFFFF086;
	s6 =	sadd.s32 @!p0 s3, s7;
	s7 =	simm.s32 @!p0 $0x108  }
0x21: {  	s3 =	sadd.s32 s3, s9;
	s6 =	sadd.s32 @!p0 $0x88, s6;
	s7 =	simm.s32 @p2 $0x1082  }
0x22: {  	[simem:s7], [sflag:s8] =	dma.local @!p0 [hbm:s6], $0xF7A  }
0x23: {  	s9 =	sor.u32 $0xD0000000, s2;
	s6 =	simm.s32 $0x108;
	_ =	swait.ge @!p0 [sflag:s8], $0x0  }
0x24: {  	s3 =	sadd.s32 $0x88, s3;
	s6 =	simm.s32 @!p1 $0x1082;
	[sflag:s4] =	ssyncset.s32 $0xFFFFF086  }
0x25: {  	[simem:s6], [sflag:s4] =	dma.local [hbm:s3], $0xF7A  }
0x26: {  	[smem:$0x3F97] =	sst s1;
	(tag) =	ssettag s2;
	_ =	strace s9  }
0x27: {  	s1 =	sld [smem:$0x3FA7]  }
0x28: {  	s2 =	sld [smem:$0x3FA8]  }
0x29: {  	s4 =	sld [smem:$0x3FAA]  }
0x2a: {  	p0 =	seq.s32 s5, $0x0;
	s5 =	sld [smem:$0x3FAB]  }
0x2b: {  	s6 =	sld [smem:$0x3FAC]  }
0x2c: {  	s7 =	sld [smem:$0x3FAD]  }
0x2d: {  	s3 =	simm.s32 $0x108;
	s8 =	sld [smem:$0x3FAE]  }
0x2e: {  	s3 =	simm.s32 @!p0 $0x1082;
	s9 =	sld [smem:$0x3FAF]  }
0x2f: {  	lr =	sadd.s32 s0, s3;
	s0 =	sld [smem:$0x3FA6]  }
0x30: {  	s3 =	sld [smem:$0x3FA9]  }
0x31: {  	[smem:$0x3FB2] =	sst s10  }
0x32: {  	s10 =	sld [smem:$0x3FB0];
	_ =	sdelay $0x3  }
0x33: {  	p0 =	seq.s32 s10, $0x1;
	s10 =	sld [smem:$0x3FB2];
	_ =	sdelay $0x3  }
0x34: {  	[smem:$0x3FB2] =	sst s10  }
0x35: {  	s10 =	sld [smem:$0x3FB1];
	_ =	sdelay $0x3  }
0x36: {  	p1 =	seq.s32 s10, $0x1;
	s10 =	sld [smem:$0x3FB2];
	_ =	sdelay $0x3  }
0x37: {  	[smem:$0x3FB2] =	sst s10  }
0x38: {  	s10 =	sld [smem:$0x3FB3]  }
0x39: {  	_ = 	snop;
	(pc) =	sbr.ind lr, $3  }
0x3a: {  	_ = 	snop  }
0x3b: {  	_ = 	snop  }
0x3c: {  	p2 =	seq.s32 s10, $0x1;
	s10 =	sld [smem:$0x3FB2]  }
0x3d: {  	_ =	shalt  }
0x3e: {  	_ =	shalt  }
0x3f: {  	_ =	shalt  }
0x40: {  	_ =	shalt  }
0x41: {  	_ =	shalt  }
0x42: {  	_ =	shalt  }
0x43: {  	_ =	shalt  }
0x44: {  	_ =	shalt  }
0x45: {  	_ =	shalt  }
0x46: {  	_ =	shalt  }
0x47: {  	_ =	shalt  }
0x48: {  	_ =	shalt  }
0x49: {  	_ =	shalt  }
0x4a: {  	_ =	shalt  }
0x4b: {  	_ =	shalt  }
0x4c: {  	_ =	shalt  }
0x4d: {  	_ =	shalt  }
0x4e: {  	_ =	shalt  }
0x4f: {  	_ =	shalt  }
0x50: {  	_ =	shalt  }
0x51: {  	_ =	shalt  }
0x52: {  	_ =	shalt  }
0x53: {  	_ =	shalt  }
0x54: {  	_ =	shalt  }
0x55: {  	_ =	shalt  }
0x56: {  	_ =	shalt  }
0x57: {  	_ =	shalt  }
0x58: {  	_ =	shalt  }
0x59: {  	_ =	shalt  }
0x5a: {  	_ =	shalt  }
0x5b: {  	_ =	shalt  }
0x5c: {  	_ =	shalt  }
0x5d: {  	_ =	shalt  }
0x5e: {  	_ =	shalt  }
0x5f: {  	_ =	shalt  }
0x60: {  	_ =	shalt  }
0x61: {  	_ =	shalt  }
0x62: {  	_ =	shalt  }
0x63: {  	_ =	shalt  }
0x64: {  	_ =	shalt  }
0x65: {  	_ =	shalt  }
0x66: {  	_ =	shalt  }
0x67: {  	_ =	shalt  }
0x68: {  	_ =	shalt  }
0x69: {  	_ =	shalt  }
0x6a: {  	_ =	shalt  }
0x6b: {  	_ =	shalt  }
0x6c: {  	_ =	shalt  }
0x6d: {  	_ =	shalt  }
0x6e: {  	_ =	shalt  }
0x6f: {  	_ =	shalt  }
0x70: {  	_ =	shalt  }
0x71: {  	_ =	shalt  }
0x72: {  	_ =	shalt  }
0x73: {  	_ =	shalt  }
0x74: {  	_ =	shalt  }
0x75: {  	_ =	shalt  }
0x76: {  	_ =	shalt  }
0x77: {  	_ =	shalt  }
0x78: {  	_ =	shalt  }
0x79: {  	_ =	shalt  }
0x7a: {  	_ =	shalt  }
0x7b: {  	_ =	shalt  }
0x7c: {  	_ =	shalt  }
0x7d: {  	_ =	shalt  }
0x7e: {  	_ =	shalt  }
0x7f: {  	_ =	shalt  }
0x80: {  	_ =	shalt  }
0x81: {  	_ =	shalt  }
0x82: {  	_ =	shalt  }
0x83: {  	_ =	shalt  }
0x84: {  	_ =	shalt  }
0x85: {  	_ =	shalt  }
0x86: {  	_ =	shalt  }
0x87: {  	_ =	shalt  }
.Lfunc_end0:
.L_simem_size_0:
called_computation.2_lowered:
.L_overlay_start_0:
0x88: {  	s2 =	sld [smem:$0x3FD9]  }
0x89: {  	s3 =	sld [smem:$0x3FFE];
	_ =	sdelay $0x1  }
0x8a: {  	s1 =	srdreg.scid  }
0x8b: {  	s0 =	sand.u32 $0x1, s1  }
0x8c: {  	s14 =	sshll.u32 s0, $0xA;
	s2 =	sadd.s32 s3, s2  }
0x8d: {  	s2 =	sadd.s32 s2, s14  }
0x8e: {  	[smem:$0x3FBE] =	sst s2  }
0x8f: {  	_ = 	snop  }
0x90: {  	s2 =	sld [smem:$0x3FD0];
	_ =	sdelay $0x2  }
0x91: {  	s15 =	simm.s32 $0xA;
	s4 =	simm.s32 $0x10  }
0x92: {  	[smem:s4], [sflag:s15] =	dma.local [hbm:s2], $0x1  }
0x93: {  	_ =	swait.eq [sflag:s15], $0x1  }
0x94: {  	[sflag:s15] =	ssyncset.done $0x0  }
0x95: {  	s16 =	sld [smem:$0x10];
	[sflag:s15] =	ssyncadd.s32 $0xFFFFFFFF  }
0x96: {  	s17 =	sld [smem:$0x11];
	(tm) =	ssettm $0x1  }
0x97: {  	s18 =	sld [smem:$0x3FFB];
	_ =	sdelay $0x3  }
0x98: {  	_ =	strace s18  }
0x99: {  	s4 =	sld [smem:$0x3FFC];
	_ =	sdelay $0x3  }
0x9a: {  	_ =	strace s4  }
0x9b: {  	s4 =	sld [smem:$0x3FFD];
	_ =	sdelay $0x3  }
0x9c: {  	_ =	strace s4  }
0x9d: {  	_ =	strace $0x8FFFFFFF  }
0x9e: {  	s19 =	sld [smem:$0x3FDB];
	_ =	sdelay $0x1  }
0x9f: {  	s5 =	simm.s32 $_scs_section_size  }
0xa0: {  	s6 =	simm.s32 $_size__tile_overlayer_lowered;
	s7 =	simm.s32 $_tile_overlayer_lowered  }
0xa1: {  	s22 =	simm.s32 $0x1BFF;
	s21 =	sshll.u32 s7, $0x1;
	s4 =	sadd.s32 s5, s19  }
0xa2: {  	s8 =	simm.s32 $0x0;
	s20 =	sshll.u32 s6, $0x1;
	s6 =	sadd.s32 s21, s4  }
0xa3: {  	[timem:s8], [sflag:s22] =	dma.local [hbm:s6], s20  }
0xa4: {  	_ =	swait.ge [sflag:s22], s20  }
0xa5: {  	s5 =	ssub.s32 $0x0, s20;
	[sflag:s22] =	ssyncset.done $0x0  }
0xa6: {  	[sflag:s22] =	ssyncadd.s32 s5;
	_ =	sdelay $0x1  }
0xa7: {  	s23 =	simm.s32 $0x1B8B  }
0xa8: {  	_ =	swait.ge [sflag:s23], $0x1  }
0xa9: {  	[sflag:s23] =	ssyncset.done $0x0  }
0xaa: {  	s25 =	simm.s32 $0x1B8E;
	s24 =	sld [smem:$0x3FFE];
	[sflag:s23] =	ssyncadd.s32 $0xFFFFFFFF  }
0xab: {  	s26 =	simm.s32 $execute0_lowered;
	[smem:$0x3FD2] =	sst s25  }
0xac: {  	s6 =	sshll.u32 s26, $0x1;
	_ =	strace $0x8000004C;
	[dreg:$0x1] =	wrdreg $0xFFFFFFFF  }
0xad: {  	s28 =	simm.s32 $_size_execute0_lowered;
	s4 =	sadd.s32 s4, s6;
	[dreg:$0x0] =	wrdreg $0x0  }
0xae: {  	s6 =	sshll.u32 s28, $0x1;
	[dreg:$0x2] =	wrdreg s4  }
0xaf: {  	[dreg:$0x3] =	wrdreg s6  }
0xb0: {  	[dreg:$0x4] =	wrdreg $0xC0  }
0xb1: {  	_ =	task [dreg:s8], $0x5FFFF  }
0xb2: {  	[dreg:$0x1] =	wrdreg $0xFFFFFFFF  }
0xb3: {  	[dreg:$0x0] =	wrdreg $0x60  }
0xb4: {  	[dreg:$0x2] =	wrdreg s24  }
0xb5: {  	[dreg:$0x3] =	wrdreg s16  }
0xb6: {  	[dreg:$0x4] =	wrdreg s17  }
0xb7: {  	[dreg:$0x5] =	wrdreg $0xB0000  }
0xb8: {  	[dreg:$0x6] =	wrdreg $0x9  }
0xb9: {  	_ =	task.clear_ibuf [dreg:s8], $0x7FFFF;
	_ =	strace $0x9000004C  }
0xba: {  	s29 =	simm.s32 $0x9;
	_ =	strace $0x8000004E  }
0xbb: {  	_ =	swait.ge [sflag:s29], $0x1  }
0xbc: {  	[sflag:s29] =	ssyncadd.s32 $0xFFFFFFFF  }
0xbd: {  	_ =	strace $0x9000004E  }
0xbe: {  	_ =	sfence  }
0xbf: {  	s30 =	sld [smem:$0x0];
	_ =	sdelay $0x2  }
0xc0: {  	s31 =	sshll.u32 s1, $0xD;
	s1 =	sshrl.u32 s1, $0x2  }
0xc1: {  	s3 =	sand.u32 $0x4000, s31;
	s1 =	sadd.s32 s1, s30  }
0xc2: {  	s0 =	sor.u32 s3, s0;
	s1 =	sshll.u32 s1, $0x11  }
0xc3: {  	s0 =	sor.u32 s1, s0  }
0xc4: {  	s0 =	sadd.s32 $0x8F2B, s0  }
0xc5: {  	[sflag:s0] =	ssyncadd.remote.s32 $0x1  }
0xc6: {  	_ =	sfence.sel $0xFFFF  }
0xc7: {  	[dreg:$0x0] =	wrdreg $0xFFFFFFFF;
	(pc) =	sbr.abs _section_cstart, $3  }
0xc8: {  	[dreg:$0x1] =	wrdreg $0xFFFFFFFF  }
0xc9: {  	_ =	task.clear_ibuf [dreg:s8], $0x2FFFF;
	_ =	strace $0x9FFFFFFF  }
0xca: {  	(tm) =	ssettm $0x7FFFFFFF  }
0xcb: {  	_ =	shalt  }
tec
execute0_lowered:
.L_overlay_start_1:
0x0: {  	(tag) =	ssettag $0x1  }
0x1: {  	s0 =	rddreg [dreg:$0x0]  }
0x2: {  	s1 =	rddreg [dreg:$0x1]  }
0x3: {  	s5 =	rddreg [dreg:$0x2]  }
0x4: {  	s2 =	rddreg [dreg:$0x3];
	s3 =	simm.s32 $0x0;
	s13 =	stileid.u32  }
0x5: {  	s7 =	srdreg.scid;
	s28 =	simm.s32 $0x7000;
	s29 =	simm.s32 $0x3  }
0x6: {  	s30 =	simm.s32 $0x100;
	s31 =	simm.s32 $0x1880;
	s6 =	smul.u32 $0x2780, s13  }
0x7: {  	[smem:$0x7FF] =	sst s3;
	s4 =	sadd.s32 $0x2E00, s0;
	s11 =	smul.u32 $0x278, s13  }
0x8: {  	s9 =	sand.u32 $0x1, s7;
	s12 =	smul.u32 $0x4F000, s13;
	_ =	strace $0x8000004D  }
0x9: {  	s7 =	ssub.s32 $0x2, s9;
	s10 =	sshll.u32 s9, $0x4;
	s6 =	sadd.s32 s6, s0  }
0xa: {  	s0 =	sadd.s32 $0x51E00, s0;
	s8 =	sshrl.u32 s7, $0x1;
	s16 =	sor.u32 s13, s10  }
0xb: {  	s14 =	sadd.s32 $0x80, s11;
	s19 =	sshrl.u32 s12, $0x2;
	s17 =	sadd.s32 $0x100, s11  }
0xc: {  	s18 =	sadd.s32 $0x180, s11;
	s20 =	ssub.s32 s7, s8;
	s6 =	sadd.s32 $0x2A600, s6  }
0xd: {  	s21 =	sshll.u32 s14, $0x7;
	s22 =	sshll.u32 s17, $0x7;
	s23 =	smul.u32 $0x2C00, s16  }
0xe: {  	s24 =	sshll.u32 s18, $0x7;
	[dreg:$0x5] =	wrdreg s6;
	s6 =	sadd.s32 s19, s2  }
0xf: {  	s7 =	sadd.s32 s21, s2;
	s8 =	sadd.s32 s22, s2;
	s19 =	sadd.s32 $0x200, s11  }
0x10: {  	s21 =	smul.u32 $0x2780, s9;
	s9 =	sadd.s32 s24, s2;
	s25 =	sshll.u32 s19, $0x7  }
0x11: {  	s20 =	smax.u32 s20, $0x1;
	s15 =	sshrl.u32 s23, $0x3;
	s10 =	sadd.s32 s25, s2  }
0x12: {  	s12 =	sadd.s32 s1, s15;
	s26 =	sadd.s32 s5, s15;
	s15 =	sadd.s32 $0x280, s15  }
0x13: {  	s11 =	sadd.s32 s11, s21;
	s16 =	sadd.s32 s21, s14;
	s23 =	sadd.s32 s21, s17  }
0x14: {  	s24 =	sadd.s32 s21, s18;
	s25 =	sadd.s32 s21, s19;
	[dreg:$0x6] =	wrdreg s12  }
0x15: {  	s21 =	simm.s32 $0x3000;
	[dreg:$0x7] =	wrdreg s26;
	s13 =	sadd.s32 s1, s15  }
0x16: {  	s12 =	sshll.u32 s11, $0x4;
	s14 =	sadd.s32 s5, s15;
	s22 =	sshll.u32 s16, $0x4  }
0x17: {  	s1 =	sshll.u32 s23, $0x4;
	s5 =	sshll.u32 s24, $0x4;
	s26 =	sshll.u32 s25, $0x4  }
0x18: {  	s23 =	simm.s32 $0x1800;
	s24 =	simm.s32 $0x1;
	s25 =	simm.s32 $0x2  }
0x19: {  	s15 =	sadd.s32 s0, s12;
	s16 =	sadd.s32 s0, s22;
	s17 =	sadd.s32 s0, s1  }
0x1a: {  	s18 =	sadd.s32 s0, s5;
	s19 =	sadd.s32 s0, s26;
	s22 =	simm.s32 $0x5  }
0x1b: {  	s26 =	simm.s32 $0x80;
	s0 =	simm.s32 $0x4;
	s1 =	simm.s32 $0x0  }
.LBB2_1:
0x1c: {  	s5 =	rddreg [dreg:$0x5]  }
0x1d: {  	[tilespmem:s21], [sflag:$0x5] =	stream.linear.gather [hbm4b:s5+s3], $0x4000, $0x38;
	[tilespmem:$0x1EC00] =	vst v63  }
0x1e: {  	_ =	swait.ge [sflag:s22], $0x4000  }
0x1f: {  	[sflag:s22] =	ssyncset.done $0x0  }
0x20: {  	[sflag:s22] =	ssyncadd.s32 $0xFFFFC000  }
0x21: {  	[spmem:s6] =	stream.linear.scatter [tilespmem:s21], [sflag:$0x1], $0x4000, $0x38;
	[tilespmem:$0x1EC00] =	vst v63  }
0x22: {  	_ = 	snop  }
0x23: {  	[spmem:s7] =	stream.linear.scatter [tilespmem:s21], [sflag:$0x1], $0x4000, $0x38;
	[tilespmem:$0x1EC00] =	vst v63  }
0x24: {  	_ = 	snop  }
0x25: {  	[spmem:s8] =	stream.linear.scatter [tilespmem:s21], [sflag:$0x1], $0x4000, $0x38;
	[tilespmem:$0x1EC00] =	vst v63  }
0x26: {  	_ = 	snop  }
0x27: {  	[spmem:s9] =	stream.linear.scatter [tilespmem:s21], [sflag:$0x1], $0x4000, $0x38;
	[tilespmem:$0x1EC00] =	vst v63  }
0x28: {  	_ = 	snop  }
0x29: {  	[spmem:s10] =	stream.linear.scatter [tilespmem:s21], [sflag:$0x1], $0x3C00, $0x38;
	[tilespmem:$0x1EC00] =	vst v63  }
0x2a: {  	s12 =	rddreg [dreg:$0x6]  }
0x2b: {  	[tilespmem:s3], [sflag:$0x2] =	stream.linear.gather [hbm4b:s12+s3], $0x1400, $0x38;
	[tilespmem:$0x1EC00] =	vst v63  }
0x2c: {  	s11 =	rddreg [dreg:$0x7]  }
0x2d: {  	[tilespmem:s23], [sflag:$0x2] =	stream.linear.gather [hbm4b:s11+s3], $0x1400, $0x38;
	[tilespmem:$0x1EC00] =	vst v63  }
0x2e: {  	_ =	swait.ge [sflag:s24], $0x4000  }
0x2f: {  	[sflag:s24] =	ssyncset.done $0x0  }
0x30: {  	[sflag:s24] =	ssyncadd.s32 $0xFFFFC000  }
0x31: {  	_ =	swait.ge [sflag:s24], $0x4000  }
0x32: {  	[sflag:s24] =	ssyncset.done $0x0  }
0x33: {  	[sflag:s24] =	ssyncadd.s32 $0xFFFFC000  }
0x34: {  	_ =	swait.ge [sflag:s24], $0x4000  }
0x35: {  	[sflag:s24] =	ssyncset.done $0x0  }
0x36: {  	[sflag:s24] =	ssyncadd.s32 $0xFFFFC000  }
0x37: {  	_ =	swait.ge [sflag:s24], $0x4000  }
0x38: {  	[sflag:s24] =	ssyncset.done $0x0  }
0x39: {  	[sflag:s24] =	ssyncadd.s32 $0xFFFFC000  }
0x3a: {  	_ =	swait.ge [sflag:s24], $0x3C00  }
0x3b: {  	[sflag:s24] =	ssyncset.done $0x0  }
0x3c: {  	[sflag:s24] =	ssyncadd.s32 $0xFFFFC400  }
0x3d: {  	_ =	swait.ge [sflag:s25], $0x1400  }
0x3e: {  	[sflag:s25] =	ssyncset.done $0x0  }
0x3f: {  	[sflag:s25] =	ssyncadd.s32 $0xFFFFEC00  }
0x40: {  	_ =	swait.ge [sflag:s25], $0x1400  }
0x41: {  	[sflag:s25] =	ssyncset.done $0x0  }
0x42: {  	[sflag:s25] =	ssyncadd.s32 $0xFFFFEC00  }
0x43: {  	[bflag:$0x0] =	sbarrier.arrive $0xFFFF  }
0x44: {  	[tilespmem:s21], [sflag:$0x1] =	stream.indirect.gather [hbm4b:s4+s26], $0x80, s3, s26, $0xb8;
	[tilespmem:$0x1EC00] =	vst v63  }
0x45: {  	_ = 	snop  }
0x46: {  	[tilespmem:s28], [sflag:$0x2] =	stream.indirect.gather [hbm4b:s4+s26], $0x80, s26, s26, $0xb8;
	[tilespmem:$0x1EC00] =	vst v63  }
0x47: {  	_ =	swait.ge [sflag:s24], $0x4000  }
0x48: {  	[sflag:s24] =	ssyncset.done $0x0  }
0x49: {  	[sflag:s24] =	ssyncadd.s32 $0xFFFFC000  }
0x4a: {  	[spmem:s2] =	stream.indirect.scatter.add.f32 [tilespmem:s21], [sflag:$0x3], $0x80, s23, s26, $0xb8;
	[tilespmem:$0x1EC00] =	vst v63  }
0x4b: {  	_ =	swait.ge [sflag:s29], $0x4000  }
0x4c: {  	[sflag:s29] =	ssyncset.done $0x0  }
0x4d: {  	[sflag:s29] =	ssyncadd.s32 $0xFFFFC000  }
0x4e: {  	[tilespmem:s21], [sflag:$0x1] =	stream.indirect.gather [hbm4b:s4+s26], $0x80, s30, s26, $0xb8;
	[tilespmem:$0x1EC00] =	vst v63  }
0x4f: {  	_ =	swait.ge [sflag:s25], $0x4000  }
0x50: {  	[sflag:s25] =	ssyncset.done $0x0  }
0x51: {  	[sflag:s25] =	ssyncadd.s32 $0xFFFFC000  }
0x52: {  	[spmem:s2] =	stream.indirect.scatter.add.f32 [tilespmem:s28], [sflag:$0x4], $0x80, s31, s26, $0xb8;
	[tilespmem:$0x1EC00] =	vst v63  }
0x53: {  	_ =	swait.ge [sflag:s0], $0x4000  }
0x54: {  	[sflag:s0] =	ssyncset.done $0x0  }
0x55: {  	s12 =	simm.s32 $0x180;
	[sflag:s0] =	ssyncadd.s32 $0xFFFFC000  }
0x56: {  	[tilespmem:s28], [sflag:$0x2] =	stream.indirect.gather [hbm4b:s4+s26], $0x80, s12, s26, $0xb8;
	[tilespmem:$0x1EC00] =	vst v63  }
0x57: {  	_ =	swait.ge [sflag:s24], $0x4000  }
0x58: {  	[sflag:s24] =	ssyncset.done $0x0  }
0x59: {  	s11 =	simm.s32 $0x1900;
	[sflag:s24] =	ssyncadd.s32 $0xFFFFC000  }
0x5a: {  	[spmem:s2] =	stream.indirect.scatter.add.f32 [tilespmem:s21], [sflag:$0x3], $0x80, s11, s26, $0xb8;
	[tilespmem:$0x1EC00] =	vst v63  }
0x5b: {  	_ =	swait.ge [sflag:s29], $0x4000  }
0x5c: {  	[sflag:s29] =	ssyncset.done $0x0  }
0x5d: {  	s12 =	simm.s32 $0x200;
	[sflag:s29] =	ssyncadd.s32 $0xFFFFC000  }
0x5e: {  	[tilespmem:s21], [sflag:$0x1] =	stream.indirect.gather [hbm4b:s4+s26], $0x80, s12, s26, $0xb8;
	[tilespmem:$0x1EC00] =	vst v63  }
0x5f: {  	_ =	swait.ge [sflag:s25], $0x4000  }
0x60: {  	[sflag:s25] =	ssyncset.done $0x0  }
0x61: {  	s5 =	simm.s32 $0xFFFFBC00;
	s11 =	simm.s32 $0x1980;
	[sflag:s25] =	ssyncadd.s32 $0xFFFFC000  }
.LBB2_2:
0x62: {  	[spmem:s2] =	stream.indirect.scatter.add.f32 [tilespmem:s28], [sflag:$0x4], $0x80, s11, s26, $0xb8;
	[tilespmem:$0x1EC00] =	vst v63  }
0x63: {  	s11 =	smov.u32 s5  }
0x64: {  	p0 =	sne.s32 s5, $0xFFFFFC00;
	s5 =	sadd.s32 $0x400, s5;
	_ =	swait.ge [sflag:s0], $0x4000  }
0x65: {  	s11 =	sshra.s32 s11, $0x2;
	[sflag:s0] =	ssyncset.done $0x0  }
0x66: {  	s12 =	sadd.s32 $0x1380, s11;
	[sflag:s0] =	ssyncadd.s32 $0xFFFFC000  }
0x67: {  	[tilespmem:s28], [sflag:$0x2] =	stream.indirect.gather [hbm4b:s4+s26], $0x80, s12, s26, $0xb8;
	[tilespmem:$0x1EC00] =	vst v63  }
0x68: {  	_ =	swait.ge [sflag:s24], $0x4000  }
0x69: {  	[sflag:s24] =	ssyncset.done $0x0  }
0x6a: {  	s12 =	sadd.s32 $0x2B00, s11;
	[sflag:s24] =	ssyncadd.s32 $0xFFFFC000  }
0x6b: {  	[spmem:s2] =	stream.indirect.scatter.add.f32 [tilespmem:s21], [sflag:$0x3], $0x80, s12, s26, $0xb8;
	[tilespmem:$0x1EC00] =	vst v63  }
0x6c: {  	_ =	swait.ge [sflag:s29], $0x4000  }
0x6d: {  	[sflag:s29] =	ssyncset.done $0x0  }
.Ltmp0:
0x6e: {  	s12 =	sadd.s32 $0x1400, s11;
	[sflag:s29] =	ssyncadd.s32 $0xFFFFC000;
	(pc) =	sbr.rel @p0 .LBB2_2-.Ltmp0, $4  }
0x6f: {  	[tilespmem:s21], [sflag:$0x1] =	stream.indirect.gather [hbm4b:s4+s26], $0x80, s12, s26, $0xb8;
	[tilespmem:$0x1EC00] =	vst v63  }
0x70: {  	_ =	swait.ge [sflag:s25], $0x4000  }
0x71: {  	[sflag:s25] =	ssyncset.done $0x0  }
0x72: {  	s11 =	sadd.s32 $0x2B80, s11;
	[sflag:s25] =	ssyncadd.s32 $0xFFFFC000  }
0x73: {  	[spmem:s2] =	stream.indirect.scatter.add.f32 [tilespmem:s28], [sflag:$0x4], $0x80, s11, s26, $0xb8;
	[tilespmem:$0x1EC00] =	vst v63  }
0x74: {  	_ =	swait.ge [sflag:s0], $0x4000  }
0x75: {  	[sflag:s0] =	ssyncset.done $0x0  }
0x76: {  	s5 =	simm.s32 $0x1380;
	[sflag:s0] =	ssyncadd.s32 $0xFFFFC000  }
0x77: {  	[tilespmem:s28], [sflag:$0x2] =	stream.indirect.gather [hbm4b:s4+s26], $0x80, s5, s26, $0xb8;
	[tilespmem:$0x1EC00] =	vst v63  }
0x78: {  	_ =	swait.ge [sflag:s24], $0x4000  }
0x79: {  	[sflag:s24] =	ssyncset.done $0x0  }
0x7a: {  	s12 =	simm.s32 $0x2B00;
	[sflag:s24] =	ssyncadd.s32 $0xFFFFC000  }
0x7b: {  	[spmem:s2] =	stream.indirect.scatter.add.f32 [tilespmem:s21], [sflag:$0x3], $0x80, s12, s26, $0xb8;
	[tilespmem:$0x1EC00] =	vst v63  }
0x7c: {  	_ =	swait.ge [sflag:s29], $0x4000  }
0x7d: {  	[sflag:s29] =	ssyncset.done $0x0  }
0x7e: {  	[sflag:s29] =	ssyncadd.s32 $0xFFFFC000  }
0x7f: {  	_ =	swait.ge [sflag:s25], $0x4000  }
0x80: {  	[sflag:s25] =	ssyncset.done $0x0  }
0x81: {  	s11 =	simm.s32 $0x2B80;
	[sflag:s25] =	ssyncadd.s32 $0xFFFFC000  }
0x82: {  	[spmem:s2] =	stream.indirect.scatter.add.f32 [tilespmem:s28], [sflag:$0x4], $0x80, s11, s26, $0xb8;
	[tilespmem:$0x1EC00] =	vst v63  }
0x83: {  	_ =	swait.ge [sflag:s0], $0x4000  }
0x84: {  	[sflag:s0] =	ssyncset.done $0x0  }
0x85: {  	[sflag:s0] =	ssyncadd.s32 $0xFFFFC000  }
0x86: {  	[tilespmem:s3], [sflag:$0x5] =	stream.linear.gather [hbm4b:s13+s3], $0x1480, $0x38;
	[tilespmem:$0x1EC00] =	vst v63  }
0x87: {  	_ =	swait.ge [sflag:s22], $0x1480  }
0x88: {  	[sflag:s22] =	ssyncset.done $0x0  }
0x89: {  	[sflag:s22] =	ssyncadd.s32 $0xFFFFEB80  }
0x8a: {  	[tilespmem:s23], [sflag:$0x5] =	stream.linear.gather [hbm4b:s14+s3], $0x1480, $0x38;
	[tilespmem:$0x1EC00] =	vst v63  }
0x8b: {  	_ =	swait.ge [sflag:s22], $0x1480  }
0x8c: {  	[sflag:s22] =	ssyncset.done $0x0  }
0x8d: {  	[sflag:s22] =	ssyncadd.s32 $0xFFFFEB80  }
0x8e: {  	[tilespmem:s21], [sflag:$0x1] =	stream.indirect.gather [hbm4b:s4+s26], $0x80, s3, s26, $0xb8;
	[tilespmem:$0x1EC00] =	vst v63  }
0x8f: {  	_ = 	snop  }
0x90: {  	[tilespmem:s28], [sflag:$0x2] =	stream.indirect.gather [hbm4b:s4+s26], $0x80, s26, s26, $0xb8;
	[tilespmem:$0x1EC00] =	vst v63  }
0x91: {  	_ =	swait.ge [sflag:s24], $0x4000  }
0x92: {  	[sflag:s24] =	ssyncset.done $0x0  }
0x93: {  	[sflag:s24] =	ssyncadd.s32 $0xFFFFC000  }
0x94: {  	[spmem:s2] =	stream.indirect.scatter.add.f32 [tilespmem:s21], [sflag:$0x3], $0x80, s23, s26, $0xb8;
	[tilespmem:$0x1EC00] =	vst v63  }
0x95: {  	_ =	swait.ge [sflag:s29], $0x4000  }
0x96: {  	[sflag:s29] =	ssyncset.done $0x0  }
0x97: {  	[sflag:s29] =	ssyncadd.s32 $0xFFFFC000  }
0x98: {  	[tilespmem:s21], [sflag:$0x1] =	stream.indirect.gather [hbm4b:s4+s26], $0x80, s30, s26, $0xb8;
	[tilespmem:$0x1EC00] =	vst v63  }
0x99: {  	_ =	swait.ge [sflag:s25], $0x4000  }
0x9a: {  	[sflag:s25] =	ssyncset.done $0x0  }
0x9b: {  	[sflag:s25] =	ssyncadd.s32 $0xFFFFC000  }
0x9c: {  	[spmem:s2] =	stream.indirect.scatter.add.f32 [tilespmem:s28], [sflag:$0x4], $0x80, s31, s26, $0xb8;
	[tilespmem:$0x1EC00] =	vst v63  }
0x9d: {  	_ =	swait.ge [sflag:s0], $0x4000  }
0x9e: {  	[sflag:s0] =	ssyncset.done $0x0  }
0x9f: {  	s12 =	simm.s32 $0x180;
	[sflag:s0] =	ssyncadd.s32 $0xFFFFC000  }
0xa0: {  	[tilespmem:s28], [sflag:$0x2] =	stream.indirect.gather [hbm4b:s4+s26], $0x80, s12, s26, $0xb8;
	[tilespmem:$0x1EC00] =	vst v63  }
0xa1: {  	_ =	swait.ge [sflag:s24], $0x4000  }
0xa2: {  	[sflag:s24] =	ssyncset.done $0x0  }
0xa3: {  	s11 =	simm.s32 $0x1900;
	[sflag:s24] =	ssyncadd.s32 $0xFFFFC000  }
0xa4: {  	[spmem:s2] =	stream.indirect.scatter.add.f32 [tilespmem:s21], [sflag:$0x3], $0x80, s11, s26, $0xb8;
	[tilespmem:$0x1EC00] =	vst v63  }
0xa5: {  	_ =	swait.ge [sflag:s29], $0x4000  }
0xa6: {  	[sflag:s29] =	ssyncset.done $0x0  }
0xa7: {  	s12 =	simm.s32 $0x200;
	[sflag:s29] =	ssyncadd.s32 $0xFFFFC000  }
0xa8: {  	[tilespmem:s21], [sflag:$0x1] =	stream.indirect.gather [hbm4b:s4+s26], $0x80, s12, s26, $0xb8;
	[tilespmem:$0x1EC00] =	vst v63  }
0xa9: {  	_ =	swait.ge [sflag:s25], $0x4000  }
0xaa: {  	[sflag:s25] =	ssyncset.done $0x0  }
0xab: {  	s5 =	simm.s32 $0xFFFFB800;
	s11 =	simm.s32 $0x1980;
	[sflag:s25] =	ssyncadd.s32 $0xFFFFC000  }
.LBB2_4:
0xac: {  	[spmem:s2] =	stream.indirect.scatter.add.f32 [tilespmem:s28], [sflag:$0x4], $0x80, s11, s26, $0xb8;
	[tilespmem:$0x1EC00] =	vst v63  }
0xad: {  	s11 =	smov.u32 s5  }
0xae: {  	p0 =	sne.s32 s5, $0xFFFFFC00;
	s5 =	sadd.s32 $0x400, s5;
	_ =	swait.ge [sflag:s0], $0x4000  }
0xaf: {  	s11 =	sshra.s32 s11, $0x2;
	[sflag:s0] =	ssyncset.done $0x0  }
0xb0: {  	s12 =	sadd.s32 $0x1480, s11;
	[sflag:s0] =	ssyncadd.s32 $0xFFFFC000  }
0xb1: {  	[tilespmem:s28], [sflag:$0x2] =	stream.indirect.gather [hbm4b:s4+s26], $0x80, s12, s26, $0xb8;
	[tilespmem:$0x1EC00] =	vst v63  }
0xb2: {  	_ =	swait.ge [sflag:s24], $0x4000  }
0xb3: {  	[sflag:s24] =	ssyncset.done $0x0  }
0xb4: {  	s12 =	sadd.s32 $0x2C00, s11;
	[sflag:s24] =	ssyncadd.s32 $0xFFFFC000  }
0xb5: {  	[spmem:s2] =	stream.indirect.scatter.add.f32 [tilespmem:s21], [sflag:$0x3], $0x80, s12, s26, $0xb8;
	[tilespmem:$0x1EC00] =	vst v63  }
0xb6: {  	_ =	swait.ge [sflag:s29], $0x4000  }
0xb7: {  	[sflag:s29] =	ssyncset.done $0x0  }
.Ltmp1:
0xb8: {  	s12 =	sadd.s32 $0x1500, s11;
	[sflag:s29] =	ssyncadd.s32 $0xFFFFC000;
	(pc) =	sbr.rel @p0 .LBB2_4-.Ltmp1, $4  }
0xb9: {  	[tilespmem:s21], [sflag:$0x1] =	stream.indirect.gather [hbm4b:s4+s26], $0x80, s12, s26, $0xb8;
	[tilespmem:$0x1EC00] =	vst v63  }
0xba: {  	_ =	swait.ge [sflag:s25], $0x4000  }
0xbb: {  	[sflag:s25] =	ssyncset.done $0x0  }
0xbc: {  	s11 =	sadd.s32 $0x2C80, s11;
	[sflag:s25] =	ssyncadd.s32 $0xFFFFC000  }
0xbd: {  	[spmem:s2] =	stream.indirect.scatter.add.f32 [tilespmem:s28], [sflag:$0x4], $0x80, s11, s26, $0xb8;
	[tilespmem:$0x1EC00] =	vst v63  }
0xbe: {  	_ =	swait.ge [sflag:s0], $0x4000  }
0xbf: {  	[sflag:s0] =	ssyncset.done $0x0  }
0xc0: {  	[sflag:s0] =	ssyncadd.s32 $0xFFFFC000  }
0xc1: {  	_ =	swait.ge [sflag:s24], $0x4000  }
0xc2: {  	[sflag:s24] =	ssyncset.done $0x0  }
0xc3: {  	s5 =	simm.s32 $0x2C00;
	[sflag:s24] =	ssyncadd.s32 $0xFFFFC000  }
0xc4: {  	[spmem:s2] =	stream.indirect.scatter.add.f32 [tilespmem:s21], [sflag:$0x3], $0x80, s5, s26, $0xb8;
	[tilespmem:$0x1EC00] =	vst v63  }
0xc5: {  	_ =	swait.ge [sflag:s29], $0x4000  }
0xc6: {  	[sflag:s29] =	ssyncset.done $0x0  }
0xc7: {  	[sflag:s29] =	ssyncadd.s32 $0xFFFFC000  }
0xc8: {  	[bflag:$0x0] =	sbarrier.arrive $0xFFFF  }
0xc9: {  	[tilespmem:s21], [sflag:$0x5] =	stream.linear.gather [spmem:s6], $0x4000, $0x38;
	[tilespmem:$0x1EC00] =	vst v63  }
0xca: {  	_ =	swait.ge [sflag:s22], $0x4000  }
0xcb: {  	[sflag:s22] =	ssyncset.done $0x0  }
0xcc: {  	[sflag:s22] =	ssyncadd.s32 $0xFFFFC000  }
0xcd: {  	[hbm4b:s15+s3] =	stream.linear.scatter [tilespmem:s21], [sflag:$0x1], $0x4000, $0x38;
	[tilespmem:$0x1EC00] =	vst v63  }
0xce: {  	_ = 	snop  }
0xcf: {  	[tilespmem:s28], [sflag:$0x5] =	stream.linear.gather [spmem:s7], $0x4000, $0x38;
	[tilespmem:$0x1EC00] =	vst v63  }
0xd0: {  	_ =	swait.ge [sflag:s22], $0x4000  }
0xd1: {  	[sflag:s22] =	ssyncset.done $0x0  }
0xd2: {  	[sflag:s22] =	ssyncadd.s32 $0xFFFFC000  }
0xd3: {  	[hbm4b:s16+s3] =	stream.linear.scatter [tilespmem:s28], [sflag:$0x2], $0x4000, $0x38;
	[tilespmem:$0x1EC00] =	vst v63  }
0xd4: {  	_ =	swait.ge [sflag:s24], $0x4000  }
0xd5: {  	[sflag:s24] =	ssyncset.done $0x0  }
0xd6: {  	[sflag:s24] =	ssyncadd.s32 $0xFFFFC000  }
0xd7: {  	[tilespmem:s21], [sflag:$0x5] =	stream.linear.gather [spmem:s8], $0x4000, $0x38;
	[tilespmem:$0x1EC00] =	vst v63  }
0xd8: {  	_ =	swait.ge [sflag:s22], $0x4000  }
0xd9: {  	[sflag:s22] =	ssyncset.done $0x0  }
0xda: {  	[sflag:s22] =	ssyncadd.s32 $0xFFFFC000  }
0xdb: {  	[hbm4b:s17+s3] =	stream.linear.scatter [tilespmem:s21], [sflag:$0x1], $0x4000, $0x38;
	[tilespmem:$0x1EC00] =	vst v63  }
0xdc: {  	_ =	swait.ge [sflag:s25], $0x4000  }
0xdd: {  	[sflag:s25] =	ssyncset.done $0x0  }
0xde: {  	[sflag:s25] =	ssyncadd.s32 $0xFFFFC000  }
0xdf: {  	[tilespmem:s28], [sflag:$0x5] =	stream.linear.gather [spmem:s9], $0x4000, $0x38;
	[tilespmem:$0x1EC00] =	vst v63  }
0xe0: {  	_ =	swait.ge [sflag:s22], $0x4000  }
0xe1: {  	[sflag:s22] =	ssyncset.done $0x0  }
0xe2: {  	[sflag:s22] =	ssyncadd.s32 $0xFFFFC000  }
0xe3: {  	[hbm4b:s18+s3] =	stream.linear.scatter [tilespmem:s28], [sflag:$0x2], $0x4000, $0x38;
	[tilespmem:$0x1EC00] =	vst v63  }
0xe4: {  	_ =	swait.ge [sflag:s24], $0x4000  }
0xe5: {  	[sflag:s24] =	ssyncset.done $0x0  }
0xe6: {  	[sflag:s24] =	ssyncadd.s32 $0xFFFFC000  }
0xe7: {  	[tilespmem:s21], [sflag:$0x5] =	stream.linear.gather [spmem:s10], $0x3C00, $0x38;
	[tilespmem:$0x1EC00] =	vst v63  }
0xe8: {  	_ =	swait.ge [sflag:s22], $0x3C00  }
0xe9: {  	[sflag:s22] =	ssyncset.done $0x0  }
0xea: {  	s1 =	sadd.s32 $0x1, s1;
	[sflag:s22] =	ssyncadd.s32 $0xFFFFC400  }
0xeb: {  	[hbm4b:s19+s3] =	stream.linear.scatter [tilespmem:s21], [sflag:$0x1], $0x3C00, $0x38;
	[tilespmem:$0x1EC00] =	vst v63  }
0xec: {  	p0 =	sne.s32 s1, s20;
	_ =	swait.ge [sflag:s25], $0x4000  }
.Ltmp2:
0xed: {  	[sflag:s25] =	ssyncset.done $0x0;
	(pc) =	sbr.rel @p0 .LBB2_1-.Ltmp2, $4  }
0xee: {  	[sflag:s25] =	ssyncadd.s32 $0xFFFFC000  }
0xef: {  	_ =	swait.ge [sflag:s24], $0x3C00  }
0xf0: {  	[sflag:s24] =	ssyncset.done $0x0  }
0xf1: {  	[sflag:s24] =	ssyncadd.s32 $0xFFFFC400  }
0xf2: {  	_ =	sfence.sel $0x180000  }
0xf3: {  	[bflag:$0x0] =	sbarrier.arrive $0xFFFF  }
0xf4: {  	_ =	strace $0x9000004D  }
0xf5: {  	s0 =	stileid.u32;
	[bflag:$0x2] =	sbarrier.arrive $0xFFFF  }
0xf6: {  	p0 =	sne.s32 s0, $0x0;
	s0 =	rddreg [dreg:$0x4]  }
0xf7: {  	s0 =	sadd.s32 @!p0 $0x100000, s0  }
0xf8: {  	[sflag:s0] =	ssyncadd.tile.s32 @!p0 $0x1;
	_ =	shalt  }
.Lfunc_end2:
_tile_overlayer_lowered:
.L_overlay_start_2:
0xf9: {  	(tag) =	ssettag $0x2  }
0xfa: {  	s0 =	rddreg [dreg:$0x0];
	s2 =	stileid.u32  }
0xfb: {  	s1 =	rddreg [dreg:$0x1];
	p0 =	sne.s32 s2, $0x0  }
0xfc: {  	s3 =	rddreg [dreg:$0x2];
	[bflag:$0x3] =	sbarrier.arrive $0xFFFF;
	s2 =	simm.s32 @!p0 $0x1C05  }
0xfd: {  	[timem:s3], [sflag:s2] =	dma.local @!p0 [hbm:s0], s1  }
0xfe: {  	s0 =	simm.s32 @!p0 $0x5  }
0xff: {  	_ =	swait.ge @!p0 [sflag:s0], s1  }
0x100: {  	s1 =	ssub.s32 @!p0 $0x0, s1;
	[sflag:s0] =	ssyncset.done @!p0 $0x0  }
0x101: {  	[sflag:s0] =	ssyncadd.s32 @!p0 s1  }
0x102: {  	[bflag:$0x3] =	sbarrier.arrive $0xFFFF  }
0x103: {  	_ =	shalt  }

// kernel: kernel.9.cloned.1.call-start
scs
__scs_entry_jumppad:
0x0: {  	(pc) =	sbr.rel $0x88, $3  }
0x1: {  	(tag) =	ssettag $0x0;
	lr =	simm.s32 $0x1  }
0x2: {  	[smem:$0x3F97] =	sst lr;
	_ =	strace $0xD0000000  }
0x3: {  	_ = 	snop  }
0x4: {  	_ = 	snop  }
0x5: {  	_ = 	snop  }
0x6: {  	_ = 	snop  }
0x7: {  	_ = 	snop  }
__scs_overlays_trampoline_lowered:
0x8: {  	[smem:$0x3FA6] =	sst s0  }
0x9: {  	[smem:$0x3FA7] =	sst s1  }
0xa: {  	[smem:$0x3FA8] =	sst s2  }
0xb: {  	[smem:$0x3FA9] =	sst s3  }
0xc: {  	[smem:$0x3FAA] =	sst s4  }
0xd: {  	[smem:$0x3FAB] =	sst s5  }
0xe: {  	[smem:$0x3FAC] =	sst s6  }
0xf: {  	[smem:$0x3FAD] =	sst s7  }
0x10: {  	[smem:$0x3FAE] =	sst s8  }
0x11: {  	[smem:$0x3FAF] =	sst s9;
	s0 =	simm.s32 @!p0 $0x0  }
0x12: {  	s1 =	sld [smem:$0x3F95];
	s0 =	simm.s32 @p0 $0x1  }
0x13: {  	[smem:$0x3FB0] =	sst s0;
	s0 =	simm.s32 @!p1 $0x0  }
0x14: {  	s2 =	sld [smem:$0x3F94];
	s0 =	simm.s32 @p1 $0x1  }
0x15: {  	[smem:$0x3FB1] =	sst s0;
	s0 =	simm.s32 @!p2 $0x0  }
0x16: {  	s3 =	sld [smem:$0x3FDB];
	s0 =	simm.s32 @p2 $0x1  }
0x17: {  	s4 =	simm.s32 $0x1BF5;
	[smem:$0x3FB3] =	sst s0  }
0x18: {  	s0 =	sld [smem:$0x3F96];
	_ =	swait.ge [sflag:s4], $0x0  }
0x19: {  	s7 =	sld [smem:$0x3F97]  }
0x1a: {  	s8 =	sadd.s32 $0xFFFFE003, lr  }
0x1b: {  	s9 =	sadd.s32 $0xFFFFFEF7, lr;
	s5 =	simm.s32 $0xFFFFFFFF;
	p2 =	slt.u32 s8, $0xFFFFF086  }
0x1c: {  	p1 =	slt.u32 s9, $0xF7A;
	s5 =	simm.s32 @!p2 $0x0  }
0x1d: {  	s5 =	simm.s32 @p1 $0x1;
	p0 =	seq.s32 s7, s2  }
0x1e: {  	s7 =	smul.u32 @!p0 $0xF7A, s2;
	p2 =	seq.s32 @!p0 s5, $0x0  }
0x1f: {  	s9 =	smul.u32 $0xF7A, s1;
	s8 =	simm.s32 @!p0 $0x1BF5;
	p2 =	por !p2, p0  }
0x20: {  	[sflag:s8] =	ssyncset.s32 @!p0 $0xFFFFF086;
	s6 =	sadd.s32 @!p0 s3, s7;
	s7 =	simm.s32 @!p0 $0x108  }
0x21: {  	s3 =	sadd.s32 s3, s9;
	s6 =	sadd.s32 @!p0 $0x88, s6;
	s7 =	simm.s32 @p2 $0x1082  }
0x22: {  	[simem:s7], [sflag:s8] =	dma.local @!p0 [hbm:s6], $0xF7A  }
0x23: {  	s9 =	sor.u32 $0xD0000000, s2;
	s6 =	simm.s32 $0x108;
	_ =	swait.ge @!p0 [sflag:s8], $0x0  }
0x24: {  	s3 =	sadd.s32 $0x88, s3;
	s6 =	simm.s32 @!p1 $0x1082;
	[sflag:s4] =	ssyncset.s32 $0xFFFFF086  }
0x25: {  	[simem:s6], [sflag:s4] =	dma.local [hbm:s3], $0xF7A  }
0x26: {  	[smem:$0x3F97] =	sst s1;
	(tag) =	ssettag s2;
	_ =	strace s9  }
0x27: {  	s1 =	sld [smem:$0x3FA7]  }
0x28: {  	s2 =	sld [smem:$0x3FA8]  }
0x29: {  	s4 =	sld [smem:$0x3FAA]  }
0x2a: {  	p0 =	seq.s32 s5, $0x0;
	s5 =	sld [smem:$0x3FAB]  }
0x2b: {  	s6 =	sld [smem:$0x3FAC]  }
0x2c: {  	s7 =	sld [smem:$0x3FAD]  }
0x2d: {  	s3 =	simm.s32 $0x108;
	s8 =	sld [smem:$0x3FAE]  }
0x2e: {  	s3 =	simm.s32 @!p0 $0x1082;
	s9 =	sld [smem:$0x3FAF]  }
0x2f: {  	lr =	sadd.s32 s0, s3;
	s0 =	sld [smem:$0x3FA6]  }
0x30: {  	s3 =	sld [smem:$0x3FA9]  }
0x31: {  	[smem:$0x3FB2] =	sst s10  }
0x32: {  	s10 =	sld [smem:$0x3FB0];
	_ =	sdelay $0x3  }
0x33: {  	p0 =	seq.s32 s10, $0x1;
	s10 =	sld [smem:$0x3FB2];
	_ =	sdelay $0x3  }
0x34: {  	[smem:$0x3FB2] =	sst s10  }
0x35: {  	s10 =	sld [smem:$0x3FB1];
	_ =	sdelay $0x3  }
0x36: {  	p1 =	seq.s32 s10, $0x1;
	s10 =	sld [smem:$0x3FB2];
	_ =	sdelay $0x3  }
0x37: {  	[smem:$0x3FB2] =	sst s10  }
0x38: {  	s10 =	sld [smem:$0x3FB3]  }
0x39: {  	_ = 	snop;
	(pc) =	sbr.ind lr, $3  }
0x3a: {  	_ = 	snop  }
0x3b: {  	_ = 	snop  }
0x3c: {  	p2 =	seq.s32 s10, $0x1;
	s10 =	sld [smem:$0x3FB2]  }
0x3d: {  	_ =	shalt  }
0x3e: {  	_ =	shalt  }
0x3f: {  	_ =	shalt  }
0x40: {  	_ =	shalt  }
0x41: {  	_ =	shalt  }
0x42: {  	_ =	shalt  }
0x43: {  	_ =	shalt  }
0x44: {  	_ =	shalt  }
0x45: {  	_ =	shalt  }
0x46: {  	_ =	shalt  }
0x47: {  	_ =	shalt  }
0x48: {  	_ =	shalt  }
0x49: {  	_ =	shalt  }
0x4a: {  	_ =	shalt  }
0x4b: {  	_ =	shalt  }
0x4c: {  	_ =	shalt  }
0x4d: {  	_ =	shalt  }
0x4e: {  	_ =	shalt  }
0x4f: {  	_ =	shalt  }
0x50: {  	_ =	shalt  }
0x51: {  	_ =	shalt  }
0x52: {  	_ =	shalt  }
0x53: {  	_ =	shalt  }
0x54: {  	_ =	shalt  }
0x55: {  	_ =	shalt  }
0x56: {  	_ =	shalt  }
0x57: {  	_ =	shalt  }
0x58: {  	_ =	shalt  }
0x59: {  	_ =	shalt  }
0x5a: {  	_ =	shalt  }
0x5b: {  	_ =	shalt  }
0x5c: {  	_ =	shalt  }
0x5d: {  	_ =	shalt  }
0x5e: {  	_ =	shalt  }
0x5f: {  	_ =	shalt  }
0x60: {  	_ =	shalt  }
0x61: {  	_ =	shalt  }
0x62: {  	_ =	shalt  }
0x63: {  	_ =	shalt  }
0x64: {  	_ =	shalt  }
0x65: {  	_ =	shalt  }
0x66: {  	_ =	shalt  }
0x67: {  	_ =	shalt  }
0x68: {  	_ =	shalt  }
0x69: {  	_ =	shalt  }
0x6a: {  	_ =	shalt  }
0x6b: {  	_ =	shalt  }
0x6c: {  	_ =	shalt  }
0x6d: {  	_ =	shalt  }
0x6e: {  	_ =	shalt  }
0x6f: {  	_ =	shalt  }
0x70: {  	_ =	shalt  }
0x71: {  	_ =	shalt  }
0x72: {  	_ =	shalt  }
0x73: {  	_ =	shalt  }
0x74: {  	_ =	shalt  }
0x75: {  	_ =	shalt  }
0x76: {  	_ =	shalt  }
0x77: {  	_ =	shalt  }
0x78: {  	_ =	shalt  }
0x79: {  	_ =	shalt  }
0x7a: {  	_ =	shalt  }
0x7b: {  	_ =	shalt  }
0x7c: {  	_ =	shalt  }
0x7d: {  	_ =	shalt  }
0x7e: {  	_ =	shalt  }
0x7f: {  	_ =	shalt  }
0x80: {  	_ =	shalt  }
0x81: {  	_ =	shalt  }
0x82: {  	_ =	shalt  }
0x83: {  	_ =	shalt  }
0x84: {  	_ =	shalt  }
0x85: {  	_ =	shalt  }
0x86: {  	_ =	shalt  }
0x87: {  	_ =	shalt  }
.Lfunc_end0:
.L_simem_size_0:
called_computation_lowered:
.L_overlay_start_0:
0x88: {  	s2 =	sld [smem:$0x3FD9]  }
0x89: {  	s3 =	sld [smem:$0x3FFE];
	_ =	sdelay $0x1  }
0x8a: {  	s1 =	srdreg.scid  }
0x8b: {  	s0 =	sand.u32 $0x1, s1  }
0x8c: {  	s14 =	sshll.u32 s0, $0xA;
	s2 =	sadd.s32 s3, s2  }
0x8d: {  	s2 =	sadd.s32 s2, s14  }
0x8e: {  	[smem:$0x3FBE] =	sst s2  }
0x8f: {  	_ = 	snop  }
0x90: {  	s2 =	sld [smem:$0x3FD0];
	_ =	sdelay $0x2  }
0x91: {  	s15 =	simm.s32 $0xA;
	s4 =	simm.s32 $0x10  }
0x92: {  	[smem:s4], [sflag:s15] =	dma.local [hbm:s2], $0x1  }
0x93: {  	_ =	swait.eq [sflag:s15], $0x1  }
0x94: {  	[sflag:s15] =	ssyncset.done $0x0  }
0x95: {  	s16 =	sld [smem:$0x10];
	[sflag:s15] =	ssyncadd.s32 $0xFFFFFFFF  }
0x96: {  	s17 =	sld [smem:$0x11];
	(tm) =	ssettm $0x1  }
0x97: {  	s18 =	sld [smem:$0x3FFB];
	_ =	sdelay $0x3  }
0x98: {  	_ =	strace s18  }
0x99: {  	s4 =	sld [smem:$0x3FFC];
	_ =	sdelay $0x3  }
0x9a: {  	_ =	strace s4  }
0x9b: {  	s4 =	sld [smem:$0x3FFD];
	_ =	sdelay $0x3  }
0x9c: {  	_ =	strace s4  }
0x9d: {  	_ =	strace $0x8FFFFFFF  }
0x9e: {  	s19 =	sld [smem:$0x3FDB];
	_ =	sdelay $0x1  }
0x9f: {  	s5 =	simm.s32 $_scs_section_size  }
0xa0: {  	s6 =	simm.s32 $_size__tile_overlayer_lowered;
	s7 =	simm.s32 $_tile_overlayer_lowered  }
0xa1: {  	s22 =	simm.s32 $0x1BFF;
	s21 =	sshll.u32 s7, $0x1;
	s4 =	sadd.s32 s5, s19  }
0xa2: {  	s8 =	simm.s32 $0x0;
	s20 =	sshll.u32 s6, $0x1;
	s6 =	sadd.s32 s21, s4  }
0xa3: {  	[timem:s8], [sflag:s22] =	dma.local [hbm:s6], s20  }
0xa4: {  	_ =	swait.ge [sflag:s22], s20  }
0xa5: {  	s5 =	ssub.s32 $0x0, s20;
	[sflag:s22] =	ssyncset.done $0x0  }
0xa6: {  	[sflag:s22] =	ssyncadd.s32 s5;
	_ =	sdelay $0x1  }
0xa7: {  	s23 =	simm.s32 $0x1B8B  }
0xa8: {  	_ =	swait.ge [sflag:s23], $0x1  }
0xa9: {  	[sflag:s23] =	ssyncset.done $0x0  }
0xaa: {  	s25 =	simm.s32 $0x1B8E;
	s24 =	sld [smem:$0x3FFE];
	[sflag:s23] =	ssyncadd.s32 $0xFFFFFFFF  }
0xab: {  	s26 =	simm.s32 $execute0_lowered;
	[smem:$0x3FD2] =	sst s25  }
0xac: {  	s6 =	sshll.u32 s26, $0x1;
	_ =	strace $0x80000046;
	[dreg:$0x1] =	wrdreg $0xFFFFFFFF  }
0xad: {  	s28 =	simm.s32 $_size_execute0_lowered;
	s4 =	sadd.s32 s4, s6;
	[dreg:$0x0] =	wrdreg $0x0  }
0xae: {  	s6 =	sshll.u32 s28, $0x1;
	[dreg:$0x2] =	wrdreg s4  }
0xaf: {  	[dreg:$0x3] =	wrdreg s6  }
0xb0: {  	[dreg:$0x4] =	wrdreg $0xC0  }
0xb1: {  	_ =	task [dreg:s8], $0x5FFFF  }
0xb2: {  	[dreg:$0x1] =	wrdreg $0xFFFFFFFF  }
0xb3: {  	[dreg:$0x0] =	wrdreg $0x60  }
0xb4: {  	[dreg:$0x2] =	wrdreg s17  }
0xb5: {  	[dreg:$0x3] =	wrdreg s16  }
0xb6: {  	[dreg:$0x4] =	wrdreg s24  }
0xb7: {  	[dreg:$0x5] =	wrdreg $0x2F000  }
0xb8: {  	[dreg:$0x6] =	wrdreg $0x9  }
0xb9: {  	_ =	task.clear_ibuf [dreg:s8], $0x7FFFF;
	_ =	strace $0x90000046  }
0xba: {  	s29 =	simm.s32 $0x9;
	_ =	strace $0x80000048  }
0xbb: {  	_ =	swait.ge [sflag:s29], $0x1  }
0xbc: {  	[sflag:s29] =	ssyncadd.s32 $0xFFFFFFFF  }
0xbd: {  	_ =	strace $0x90000048  }
0xbe: {  	_ =	sfence  }
0xbf: {  	s30 =	sld [smem:$0x0];
	_ =	sdelay $0x2  }
0xc0: {  	s31 =	sshll.u32 s1, $0xD;
	s1 =	sshrl.u32 s1, $0x2  }
0xc1: {  	s3 =	sand.u32 $0x4000, s31;
	s1 =	sadd.s32 s1, s30  }
0xc2: {  	s0 =	sor.u32 s3, s0;
	s1 =	sshll.u32 s1, $0x11  }
0xc3: {  	s0 =	sor.u32 s1, s0  }
0xc4: {  	s0 =	sadd.s32 $0x8F2B, s0  }
0xc5: {  	[sflag:s0] =	ssyncadd.remote.s32 $0x1  }
0xc6: {  	_ =	sfence.sel $0xFFFF  }
0xc7: {  	[dreg:$0x0] =	wrdreg $0xFFFFFFFF;
	(pc) =	sbr.abs _section_cstart, $3  }
0xc8: {  	[dreg:$0x1] =	wrdreg $0xFFFFFFFF  }
0xc9: {  	_ =	task.clear_ibuf [dreg:s8], $0x2FFFF;
	_ =	strace $0x9FFFFFFF  }
0xca: {  	(tm) =	ssettm $0x7FFFFFFF  }
0xcb: {  	_ =	shalt  }
tec
execute0_lowered:
.L_overlay_start_1:
0x0: {  	(tag) =	ssettag $0x1  }
0x1: {  	s6 =	rddreg [dreg:$0x0]  }
0x2: {  	s4 =	rddreg [dreg:$0x1]  }
0x3: {  	s1 =	srdreg.scid;
	s5 =	rddreg [dreg:$0x2]  }
0x4: {  	s0 =	stileid.u32;
	s2 =	rddreg [dreg:$0x3];
	s3 =	simm.s32 $0x0  }
0x5: {  	s12 =	simm.s32 $0x2C00;
	s13 =	simm.s32 $0x1;
	s14 =	simm.s32 $0x0  }
0x6: {  	s7 =	sand.u32 $0x1, s1;
	s8 =	smul.u32 $0x278, s0;
	s1 =	rddreg [dreg:$0x4]  }
0x7: {  	[smem:$0x7FF] =	sst s3;
	s9 =	smul.u32 $0x2780, s7;
	s10 =	sshll.u32 s7, $0x4  }
0x8: {  	_ =	strace $0x80000047;
	s29 =	ssub.s32 $0x2, s7;
	s30 =	sor.u32 s0, s10  }
0x9: {  	s31 =	sshrl.u32 s29, $0x1;
	s11 =	sshrl.u32 s8, $0x3;
	s9 =	sadd.s32 s8, s9  }
0xa: {  	s7 =	smul.u32 $0x580, s30;
	s10 =	ssub.s32 s29, s31;
	s9 =	sshrl.u32 s9, $0x3  }
0xb: {  	s4 =	sadd.s32 s4, s11;
	s11 =	simm.s32 $0x80;
	s9 =	sadd.s32 s9, s5  }
0xc: {  	s5 =	sadd.s32 s8, s2;
	s6 =	sadd.s32 s6, s7;
	s8 =	smax.u32 s10, $0x1  }
0xd: {  	v0 =	vimm.f32 $1.000000000e+00;
	s10 =	simm.s32 $0x2;
	s7 =	sadd.s32 $0x2E00, s9;
	s9 =	simm.s32 $0x2C80  }
.LBB2_1:
0xe: {  	[tilespmem:s9], [sflag:$0x2] =	stream.linear.gather [hbm4b:s4+s3], $0x278, $0x38;
	[tilespmem:$0x3178] =	vst v63  }
0xf: {  	_ =	swait.ge [sflag:s10], $0x278  }
0x10: {  	[sflag:s10] =	ssyncset.done $0x0  }
0x11: {  	[sflag:s10] =	ssyncadd.s32 $0xFFFFFD88  }
0x12: {  	[spmem:s5] =	stream.linear.scatter [tilespmem:s9], [sflag:$0x2], $0x278, $0x38;
	[tilespmem:$0x3178] =	vst v63  }
0x13: {  	_ =	swait.ge [sflag:s10], $0x278  }
0x14: {  	[sflag:s10] =	ssyncset.done $0x0  }
0x15: {  	[sflag:s10] =	ssyncadd.s32 $0xFFFFFD88  }
0x16: {  	[tilespmem:s3], [sflag:$0x2] =	stream.linear.gather [hbm4b:s6+s3], $0x2880, $0x38;
	[tilespmem:$0x3178] =	vst v63  }
0x17: {  	_ =	swait.ge [sflag:s10], $0x2880  }
0x18: {  	[sflag:s10] =	ssyncset.done $0x0  }
0x19: {  	[sflag:s10] =	ssyncadd.s32 $0xFFFFD780  }
0x1a: {  	[tilespmem:$0x2C00] =	vst v0  }
0x1b: {  	[tilespmem:$0x2C10] =	vst v0  }
0x1c: {  	[tilespmem:$0x2C20] =	vst v0  }
0x1d: {  	[tilespmem:$0x2C30] =	vst v0  }
0x1e: {  	[tilespmem:$0x2C40] =	vst v0  }
0x1f: {  	[tilespmem:$0x2C50] =	vst v0  }
0x20: {  	[tilespmem:$0x2C60] =	vst v0  }
0x21: {  	[tilespmem:$0x2C70] =	vst v0  }
0x22: {  	s15 =	simm.s32 $0x0;
	[bflag:$0x0] =	sbarrier.arrive $0xFFFF  }
.LBB2_2:
0x23: {  	p0 =	sne.s32 s15, $0xA000  }
.Ltmp0:
0x24: {  	_ = 	snop;
	(pc) =	sbr.rel @p0 .LBB2_2-.Ltmp0, $3  }
0x25: {  	_ =	sdelay $0x1  }
0x26: {  	s16 =	sshra.s32 s15, $0x2;
	s15 =	sadd.s32 $0x200, s15  }
0x27: {  	[spmem:s2] =	stream.indirect.scatter.add.f32 [tilespmem:s12], [sflag:$0x1], $0x1, s16, s11, $0xb8;
	[tilespmem:$0x3178] =	vst v63  }
0x28: {  	_ =	swait.ge [sflag:s13], $0x80  }
0x29: {  	s15 =	simm.s32 $0x50;
	[sflag:s13] =	ssyncset.done $0x0  }
.LBB2_4:
0x2a: {  	p0 =	sne.s32 s15, $0x1;
	s15 =	sadd.s32 $0xFFFFFFFF, s15;
	[sflag:s13] =	ssyncadd.s32 $0xFFFFFF80  }
.Ltmp1:
0x2b: {  	(pc) =	sbr.rel @p0 .LBB2_4-.Ltmp1, $3  }
0x2c: {  	_ =	sdelay $0x1  }
0x2d: {  	_ =	swait.ge [sflag:s13], $0x80  }
0x2e: {  	[sflag:s13] =	ssyncset.done $0x0  }
0x2f: {  	[sflag:s13] =	ssyncadd.s32 $0xFFFFFF80  }
0x30: {  	[bflag:$0x0] =	sbarrier.arrive $0xFFFF  }
0x31: {  	[tilespmem:s9], [sflag:$0x2] =	stream.linear.gather [spmem:s5], $0x278, $0x38;
	[tilespmem:$0x3178] =	vst v63  }
0x32: {  	s14 =	sadd.s32 $0x1, s14;
	_ =	swait.ge [sflag:s10], $0x278  }
0x33: {  	p0 =	sne.s32 s14, s8;
	[sflag:s10] =	ssyncset.done $0x0  }
.Ltmp2:
0x34: {  	[sflag:s10] =	ssyncadd.s32 $0xFFFFFD88;
	(pc) =	sbr.rel @p0 .LBB2_1-.Ltmp2, $4  }
0x35: {  	[hbm4b:s7+s3] =	stream.linear.scatter [tilespmem:s9], [sflag:$0x2], $0x278, $0x38;
	[tilespmem:$0x3178] =	vst v63  }
0x36: {  	_ =	swait.ge [sflag:s10], $0x278  }
0x37: {  	[sflag:s10] =	ssyncset.done $0x0  }
0x38: {  	[sflag:s10] =	ssyncadd.s32 $0xFFFFFD88  }
0x39: {  	_ =	sfence.sel $0x180000  }
0x3a: {  	[bflag:$0x0] =	sbarrier.arrive $0xFFFF  }
0x3b: {  	p0 =	sne.s32 s0, $0x0;
	_ =	strace $0x90000047  }
0x3c: {  	s0 =	sadd.s32 @!p0 $0x100000, s1;
	[bflag:$0x2] =	sbarrier.arrive $0xFFFF  }
0x3d: {  	[sflag:s0] =	ssyncadd.tile.s32 @!p0 $0x1;
	_ =	shalt  }
.Lfunc_end2:
_tile_overlayer_lowered:
.L_overlay_start_2:
0x3e: {  	(tag) =	ssettag $0x2  }
0x3f: {  	s0 =	rddreg [dreg:$0x0];
	s2 =	stileid.u32  }
0x40: {  	s1 =	rddreg [dreg:$0x1];
	p0 =	sne.s32 s2, $0x0  }
0x41: {  	s3 =	rddreg [dreg:$0x2];
	[bflag:$0x3] =	sbarrier.arrive $0xFFFF;
	s2 =	simm.s32 @!p0 $0x1C02  }
0x42: {  	[timem:s3], [sflag:s2] =	dma.local @!p0 [hbm:s0], s1  }
0x43: {  	s0 =	simm.s32 @!p0 $0x2  }
0x44: {  	_ =	swait.ge @!p0 [sflag:s0], s1  }
0x45: {  	s1 =	ssub.s32 @!p0 $0x0, s1;
	[sflag:s0] =	ssyncset.done @!p0 $0x0  }
0x46: {  	[sflag:s0] =	ssyncadd.s32 @!p0 s1  }
0x47: {  	[bflag:$0x3] =	sbarrier.arrive $0xFFFF  }
0x48: {  	_ =	shalt  }

</sc_bundles>
